<compile_context>
chip_gen: v7x
topology: tpu7x:2x2x1
jax: 0.10.2.dev20260603
libtpu: 0.0.44.dev20260713+nightly
codegen_flags: <defaults>
</compile_context>

<pallas_src>
import numpy as np
import jax
import jax.numpy as jnp
from jax import lax
from jax.experimental import pallas as pl
from jax.experimental.pallas import tpu as pltpu
from jax.experimental.pallas import tpu_sc as plsc

_N = 2 * 64 * 128 * 128
_NORM_AUX = 2.0 * 32 * 64 * 64
_MIN_KEPT = 100000

_NB = 4096
_SHIFT = 19
_NC, _NS = 2, 16
_NW = _NC * _NS
_PER_TILE = _N // _NW
_CH = 16384
_NCHUNK = _PER_TILE // _CH


def _hist_body(seg_hbm, tgt_hbm, wts_hbm, hist_out, whist_out,
               seg_v0, seg_v1, tgt_v0, tgt_v1, wts_v0, wts_v1,
               hist_v0, whist_v0, sem0, sem1):
    cid = lax.axis_index("c")
    sid = lax.axis_index("s")
    wid = sid * _NC + cid
    base = wid * _PER_TILE

    segb = (seg_v0, seg_v1)
    tgtb = (tgt_v0, tgt_v1)
    wtsb = (wts_v0, wts_v1)
    sems = (sem0, sem1)
    ones16 = jnp.ones((16,), jnp.float32)

    def start(k):
        sl = k % 2
        off = base + k * _CH
        return (
            pltpu.async_copy(seg_hbm.at[pl.ds(off, _CH)], segb[sl], sems[sl]),
            pltpu.async_copy(tgt_hbm.at[pl.ds(off, _CH)], tgtb[sl], sems[sl]),
            pltpu.async_copy(wts_hbm.at[pl.ds(off, _CH)], wtsb[sl], sems[sl]),
        )

    pending = {0: start(0), 1: start(1)}

    @plsc.parallel_loop(0, _NB // 16, unroll=4)
    def _(i):
        z = jnp.zeros((16,), jnp.float32)
        hist_v0[pl.ds(i * 16, 16)] = z
        whist_v0[pl.ds(i * 16, 16)] = z

    for k in range(_NCHUNK):
        for h in pending.pop(k):
            h.wait()
        sl = k % 2
        sv, tv, wv = segb[sl], tgtb[sl], wtsb[sl]

        @plsc.parallel_loop(0, _CH // 32, unroll=4)
        def _(i):
            for j in range(2):
                o = i * 32 + j * 16
                s = sv[pl.ds(o, 16)]
                t = tv[pl.ds(o, 16)]
                w = wv[pl.ds(o, 16)]
                d = s - t
                d2 = d * d
                b = lax.shift_right_logical(
                    lax.bitcast_convert_type(d2, jnp.int32), _SHIFT)
                plsc.addupdate_scatter(hist_v0, [b], ones16)
                plsc.addupdate_scatter(whist_v0, [b], w * d2)

        if k + 2 < _NCHUNK:
            pending[k + 2] = start(k + 2)

    pltpu.sync_copy(hist_v0, hist_out.at[wid])
    pltpu.sync_copy(whist_v0, whist_out.at[wid])


def _make_hist_call():
    return pl.kernel(
        _hist_body,
        out_type=(jax.ShapeDtypeStruct((_NW, _NB), jnp.float32),
                  jax.ShapeDtypeStruct((_NW, _NB), jnp.float32)),
        mesh=plsc.VectorSubcoreMesh(
            core_axis_name="c", subcore_axis_name="s",
            num_cores=_NC, num_subcores=_NS),
        scratch_types=[
            pltpu.VMEM((_CH,), jnp.float32),
            pltpu.VMEM((_CH,), jnp.float32),
            pltpu.VMEM((_CH,), jnp.float32),
            pltpu.VMEM((_CH,), jnp.float32),
            pltpu.VMEM((_CH,), jnp.float32),
            pltpu.VMEM((_CH,), jnp.float32),
            pltpu.VMEM((_NB,), jnp.float32),
            pltpu.VMEM((_NB,), jnp.float32),
            pltpu.SemaphoreType.DMA,
            pltpu.SemaphoreType.DMA,
        ],
        compiler_params=pltpu.CompilerParams(needs_layout_passes=False),
    )


def _fin_body(hist_ref, whist_ref, aux_ref, out_ref):
    h = jnp.sum(hist_ref[...].reshape(_NW, 32, 128), axis=0)
    w = jnp.sum(whist_ref[...].reshape(_NW, 32, 128), axis=0)
    k_i = lax.broadcasted_iota(jnp.int32, (128, 128), 0)
    j_i = lax.broadcasted_iota(jnp.int32, (128, 128), 1)
    low = (k_i >= j_i).astype(jnp.float32)
    ones = jnp.ones((128, 128), jnp.float32)
    r_i = lax.broadcasted_iota(jnp.int32, (32, 32), 0)
    c_i = lax.broadcasted_iota(jnp.int32, (32, 32), 1)
    upp = (c_i > r_i).astype(jnp.float32)
    s_c = (jnp.dot(h, low, preferred_element_type=jnp.float32)
           + jnp.dot(upp, jnp.dot(h, ones, preferred_element_type=jnp.float32),
                     preferred_element_type=jnp.float32))
    s_w = (jnp.dot(w, low, preferred_element_type=jnp.float32)
           + jnp.dot(upp, jnp.dot(w, ones, preferred_element_type=jnp.float32),
                     preferred_element_type=jnp.float32))
    bi = (lax.broadcasted_iota(jnp.int32, (32, 128), 0) * 128
          + lax.broadcasted_iota(jnp.int32, (32, 128), 1)).astype(jnp.float32)
    cand = jnp.where(s_c >= float(_MIN_KEPT), bi, -1.0)
    nxt = jnp.max(cand) + 1.0
    selm = bi == nxt
    msum = jnp.sum(jnp.where(selm, s_w, 0.0))
    cnt = jnp.maximum(jnp.sum(jnp.where(selm, s_c, 0.0)), 1.0)
    seg_loss = msum / jnp.float32(_N) / cnt
    aux_loss = aux_ref[0, 0] / jnp.float32(_NORM_AUX)
    out_ref[...] = jnp.full((1, 1), seg_loss + 0.5 * aux_loss, jnp.float32)


def _fin_call(hist, whist, auxs):
    return pl.pallas_call(
        _fin_body,
        out_shape=jax.ShapeDtypeStruct((1, 1), jnp.float32),
    )(hist, whist, auxs)


def _interp_matrix(o, i):
    if o == 1:
        g = np.zeros((1,), np.float32)
    else:
        g = np.linspace(0.0, float(i - 1), o, dtype=np.float32)
    i0 = np.floor(g).astype(np.int32)
    i1 = np.minimum(i0 + 1, i - 1)
    w = (g - i0.astype(np.float32)).astype(np.float32)
    A = np.zeros((o, i), np.float32)
    A[np.arange(o), i0] += (1.0 - w)
    A[np.arange(o), i1] += w
    return A


_AY = _interp_matrix(64, 128)
_AXT = np.ascontiguousarray(_interp_matrix(64, 128).T)


def _zblend(o, i):
    g = np.linspace(0.0, float(i - 1), o, dtype=np.float32)
    i0 = np.floor(g).astype(np.int32)
    i1 = np.minimum(i0 + 1, i - 1)
    w = (g - i0.astype(np.float32)).astype(np.float32)
    return [(int(a), int(b), float(c)) for a, b, c in zip(i0, i1, w)]


_ZB = _zblend(32, 64)


def _aux_body(ay_ref, axt_ref, aux_ref, tgt_ref, wts_ref, out_ref, acc_ref):
    b = pl.program_id(0)

    @pl.when(b == 0)
    def _():
        acc_ref[0] = 0.0

    Ay = ay_ref[...]
    AxT = axt_ref[...]
    tg = tgt_ref[...]
    wg = wts_ref[...]
    a3 = aux_ref[...]
    total = jnp.float32(0.0)
    for zo, (z0, z1, fw) in enumerate(_ZB):
        if fw == 0.0:
            t_sl, w_sl = tg[z0], wg[z0]
        else:
            t_sl = tg[z0] * (1.0 - fw) + tg[z1] * fw
            w_sl = wg[z0] * (1.0 - fw) + wg[z1] * fw
        tx = jnp.dot(t_sl, AxT, preferred_element_type=jnp.float32)
        wx = jnp.dot(w_sl, AxT, preferred_element_type=jnp.float32)
        at_ = jnp.dot(Ay, tx, preferred_element_type=jnp.float32)
        aw_ = jnp.dot(Ay, wx, preferred_element_type=jnp.float32)
        dlt = a3[zo] - at_
        total += jnp.sum(aw_ * dlt * dlt)
    acc_ref[0] += total

    out_ref[...] = jnp.full((8, 128), 0.0, jnp.float32) + acc_ref[0]


def _aux_call(aux3, tgt3, wts3):
    return pl.pallas_call(
        _aux_body,
        grid=(2,),
        in_specs=[
            pl.BlockSpec((64, 128), lambda b: (0, 0)),
            pl.BlockSpec((128, 64), lambda b: (0, 0)),
            pl.BlockSpec((32, 64, 64), lambda b: (b, 0, 0)),
            pl.BlockSpec((64, 128, 128), lambda b: (b, 0, 0)),
            pl.BlockSpec((64, 128, 128), lambda b: (b, 0, 0)),
        ],
        out_specs=pl.BlockSpec((8, 128), lambda b: (0, 0)),
        out_shape=jax.ShapeDtypeStruct((8, 128), jnp.float32),
        scratch_shapes=[pltpu.SMEM((1,), jnp.float32)],
    )(jnp.asarray(_AY), jnp.asarray(_AXT), aux3, tgt3, wts3)


def kernel(aux_out, seg_out, targets, weights):
    seg = seg_out.reshape(_N)
    tgt = targets.reshape(_N)
    wts = weights.reshape(_N)
    hist, whist = _make_hist_call()(seg, tgt, wts)
    auxs = _aux_call(aux_out.reshape(64, 64, 64),
                     targets.reshape(128, 128, 128),
                     weights.reshape(128, 128, 128))
    fin = _fin_call(hist, whist, auxs)
    return fin[0, 0]

# --- scband reference (transcript-rebuilt; emitter-appended) ---
"""Pipeline reference for scband-aux-ohem-mseloss-53584011985660 (READ-ONLY COPY).

The authoritative reference and input builder live on the scoring server;
editing this copy changes nothing except your own understanding.
"""

import jax, jax.numpy as jnp
import numpy as np

MIN_KEPT = 100000


def _resize_trilinear_align_corners(x, out_size):
    B, C, D, H, W = x.shape
    Do, Ho, Wo = out_size

    def grid(o, i):
        if o == 1:
            return jnp.zeros((1,), dtype=jnp.float32)
        return jnp.linspace(0.0, float(i - 1), o, dtype=jnp.float32)

    zd = grid(Do, D)
    yh = grid(Ho, H)
    xw = grid(Wo, W)
    z0 = jnp.floor(zd).astype(jnp.int32)
    z1 = jnp.minimum(z0 + 1, D - 1)
    wz = (zd - z0.astype(jnp.float32)).reshape(Do, 1, 1)
    y0 = jnp.floor(yh).astype(jnp.int32)
    y1 = jnp.minimum(y0 + 1, H - 1)
    wy = (yh - y0.astype(jnp.float32)).reshape(1, Ho, 1)
    x0 = jnp.floor(xw).astype(jnp.int32)
    x1 = jnp.minimum(x0 + 1, W - 1)
    wx = (xw - x0.astype(jnp.float32)).reshape(1, 1, Wo)

    def g(zi, yi, xi):
        return x[:, :, zi[:, None, None], yi[None, :, None], xi[None, None, :]]

    c000 = g(z0, y0, x0)
    c001 = g(z0, y0, x1)
    c010 = g(z0, y1, x0)
    c011 = g(z0, y1, x1)
    c100 = g(z1, y0, x0)
    c101 = g(z1, y0, x1)
    c110 = g(z1, y1, x0)
    c111 = g(z1, y1, x1)
    out = (c000 * (1 - wz) * (1 - wy) * (1 - wx)
           + c001 * (1 - wz) * (1 - wy) * wx
           + c010 * (1 - wz) * wy * (1 - wx)
           + c011 * (1 - wz) * wy * wx
           + c100 * wz * (1 - wy) * (1 - wx)
           + c101 * wz * (1 - wy) * wx
           + c110 * wz * wy * (1 - wx)
           + c111 * wz * wy * wx)
    return out


def setup_inputs(seed: int = 0) -> dict:
    key = jax.random.key(seed)
    k1, k2, k3, k4 = jax.random.split(key, 4)
    aux_out = jax.random.normal(k1, (2, 1, 32, 64, 64), dtype=jnp.float32)
    seg_out = jax.random.normal(k2, (2, 1, 64, 128, 128), dtype=jnp.float32)
    targets = jax.random.normal(k3, (2, 1, 64, 128, 128), dtype=jnp.float32)
    weights = jax.random.uniform(k4, (2, 1, 64, 128, 128), dtype=jnp.float32)
    return {"aux_out": aux_out, "seg_out": seg_out, "targets": targets, "weights": weights}


def reference(aux_out, seg_out, targets, weights):
    # --- OHEM MSE loss on seg_out ---
    B = seg_out.shape[0]
    norm_seg = float(np.prod(seg_out.shape[2:])) * float(B)
    diff2 = (seg_out - targets) ** 2
    loss_matrix = (diff2 / norm_seg).reshape(-1)
    sorted_loss = jnp.sort(loss_matrix)
    n = loss_matrix.shape[0]
    start_index = max(n - MIN_KEPT, 0)
    threshold = sorted_loss[start_index]
    weighted = (weights * diff2 / norm_seg).reshape(-1)
    mask = loss_matrix > threshold
    count = jnp.sum(mask).astype(jnp.float32)
    seg_loss = jnp.sum(jnp.where(mask, weighted, 0.0)) / count

    # --- auxiliary weighted MSE loss ---
    Do, Ho, Wo = aux_out.shape[2], aux_out.shape[3], aux_out.shape[4]
    aux_targets = _resize_trilinear_align_corners(targets, (Do, Ho, Wo))
    aux_weights = _resize_trilinear_align_corners(weights, (Do, Ho, Wo))
    norm_aux = float(np.prod(aux_out.shape[2:])) * float(aux_out.shape[0])
    aux_loss = jnp.sum(aux_weights * (aux_out - aux_targets) ** 2) / norm_aux

    return seg_loss + 0.5 * aux_loss

if __name__ == "__main__":
    import jax
    _d = setup_inputs()
    print(jax.jit(kernel)(*tuple(_d.values())))

</pallas_src>

<mosaic_0001>
#map = affine_map<(d0, d1) -> (0)>
#map1 = affine_map<(d0, d1) -> (0, 0)>
module attributes {stable_mosaic.version = 14 : i64} {
  func.func @_hist_body(%arg0: i32, %arg1: i32, %arg2: memref<2097152xf32, #tpu.memory_space<hbm>>, %arg3: memref<2097152xf32, #tpu.memory_space<hbm>>, %arg4: memref<2097152xf32, #tpu.memory_space<hbm>>, %arg5: memref<32x4096xf32, #tpu.memory_space<hbm>>, %arg6: memref<32x4096xf32, #tpu.memory_space<hbm>>, %arg7: memref<16384xf32, #tpu.memory_space<vmem>>, %arg8: memref<16384xf32, #tpu.memory_space<vmem>>, %arg9: memref<16384xf32, #tpu.memory_space<vmem>>, %arg10: memref<16384xf32, #tpu.memory_space<vmem>>, %arg11: memref<16384xf32, #tpu.memory_space<vmem>>, %arg12: memref<16384xf32, #tpu.memory_space<vmem>>, %arg13: memref<4096xf32, #tpu.memory_space<vmem>>, %arg14: memref<4096xf32, #tpu.memory_space<vmem>>, %arg15: memref<!tpu.dma_semaphore, #tpu.memory_space<semaphore_mem>>, %arg16: memref<!tpu.dma_semaphore, #tpu.memory_space<semaphore_mem>>) attributes {dimension_semantics = [#tpu.dimension_semantics<core_parallel>, #tpu.dimension_semantics<subcore_parallel>], iteration_bounds = array<i64: 2, 16>, scalar_prefetch = 0 : i64, scratch_operands = 10 : i64, tpu.core_type = #tpu.core_type<sc_vector_subcore>, window_params = [{transform_indices = #map}, {transform_indices = #map}, {transform_indices = #map}, {transform_indices = #map1}, {transform_indices = #map1}]} {
    %mul3A = arith.constant 2 : i32
    %mul3A_0 = arith.muli %arg1, %mul3A : i32
    %add3A = arith.addi %mul3A_0, %arg0 : i32
    %mul3A_1 = arith.constant 65536 : i32
    %mul3A_2 = arith.muli %add3A, %mul3A_1 : i32
    %broadcast_in_dim3A = arith.constant 1.000000e+00 : f32
    %broadcast_in_dim3A_3 = vector.broadcast %broadcast_in_dim3A : f32 to vector<16xf32>
    %add3A_4 = arith.constant 0 : i32
    %add3A_5 = arith.addi %mul3A_2, %add3A_4 : i32
    %dma_start3A = tpu.memref_slice %arg2[%add3A_5] : memref<2097152xf32, #tpu.memory_space<hbm>> -> memref<16384xf32, #tpu.memory_space<hbm>>
    %dma_start3A_6 = tpu.memref_slice %arg2[%add3A_5] : memref<2097152xf32, #tpu.memory_space<hbm>> -> memref<16384xf32, #tpu.memory_space<hbm>>
    tpu.enqueue_dma source(%dma_start3A_6 : memref<16384xf32, #tpu.memory_space<hbm>>) target(%arg7 : memref<16384xf32, #tpu.memory_space<vmem>>) target_semaphore(%arg15 : memref<!tpu.dma_semaphore, #tpu.memory_space<semaphore_mem>>)
    %dma_start3A_7 = tpu.memref_slice %arg3[%add3A_5] : memref<2097152xf32, #tpu.memory_space<hbm>> -> memref<16384xf32, #tpu.memory_space<hbm>>
    %dma_start3A_8 = tpu.memref_slice %arg3[%add3A_5] : memref<2097152xf32, #tpu.memory_space<hbm>> -> memref<16384xf32, #tpu.memory_space<hbm>>
    tpu.enqueue_dma source(%dma_start3A_8 : memref<16384xf32, #tpu.memory_space<hbm>>) target(%arg9 : memref<16384xf32, #tpu.memory_space<vmem>>) target_semaphore(%arg15 : memref<!tpu.dma_semaphore, #tpu.memory_space<semaphore_mem>>)
    %dma_start3A_9 = tpu.memref_slice %arg4[%add3A_5] : memref<2097152xf32, #tpu.memory_space<hbm>> -> memref<16384xf32, #tpu.memory_space<hbm>>
    %dma_start3A_10 = tpu.memref_slice %arg4[%add3A_5] : memref<2097152xf32, #tpu.memory_space<hbm>> -> memref<16384xf32, #tpu.memory_space<hbm>>
    tpu.enqueue_dma source(%dma_start3A_10 : memref<16384xf32, #tpu.memory_space<hbm>>) target(%arg11 : memref<16384xf32, #tpu.memory_space<vmem>>) target_semaphore(%arg15 : memref<!tpu.dma_semaphore, #tpu.memory_space<semaphore_mem>>)
    %add3A_11 = arith.constant 16384 : i32
    %add3A_12 = arith.addi %mul3A_2, %add3A_11 : i32
    %dma_start3A_13 = tpu.memref_slice %arg2[%add3A_12] : memref<2097152xf32, #tpu.memory_space<hbm>> -> memref<16384xf32, #tpu.memory_space<hbm>>
    %dma_start3A_14 = tpu.memref_slice %arg2[%add3A_12] : memref<2097152xf32, #tpu.memory_space<hbm>> -> memref<16384xf32, #tpu.memory_space<hbm>>
    tpu.enqueue_dma source(%dma_start3A_14 : memref<16384xf32, #tpu.memory_space<hbm>>) target(%arg8 : memref<16384xf32, #tpu.memory_space<vmem>>) target_semaphore(%arg16 : memref<!tpu.dma_semaphore, #tpu.memory_space<semaphore_mem>>)
    %dma_start3A_15 = tpu.memref_slice %arg3[%add3A_12] : memref<2097152xf32, #tpu.memory_space<hbm>> -> memref<16384xf32, #tpu.memory_space<hbm>>
    %dma_start3A_16 = tpu.memref_slice %arg3[%add3A_12] : memref<2097152xf32, #tpu.memory_space<hbm>> -> memref<16384xf32, #tpu.memory_space<hbm>>
    tpu.enqueue_dma source(%dma_start3A_16 : memref<16384xf32, #tpu.memory_space<hbm>>) target(%arg10 : memref<16384xf32, #tpu.memory_space<vmem>>) target_semaphore(%arg16 : memref<!tpu.dma_semaphore, #tpu.memory_space<semaphore_mem>>)
    %dma_start3A_17 = tpu.memref_slice %arg4[%add3A_12] : memref<2097152xf32, #tpu.memory_space<hbm>> -> memref<16384xf32, #tpu.memory_space<hbm>>
    %dma_start3A_18 = tpu.memref_slice %arg4[%add3A_12] : memref<2097152xf32, #tpu.memory_space<hbm>> -> memref<16384xf32, #tpu.memory_space<hbm>>
    tpu.enqueue_dma source(%dma_start3A_18 : memref<16384xf32, #tpu.memory_space<hbm>>) target(%arg12 : memref<16384xf32, #tpu.memory_space<vmem>>) target_semaphore(%arg16 : memref<!tpu.dma_semaphore, #tpu.memory_space<semaphore_mem>>)
    %parallel_loop3A = arith.constant 0 : i32
    %parallel_loop3A_19 = arith.constant 256 : i32
    %parallel_loop3A_20 = arith.constant 1 : i32
    scf.for %parallel_loop3A_72 = %parallel_loop3A to %parallel_loop3A_19 step %parallel_loop3A_20  : i32 {
      %parallel_loop3A_73 = arith.constant 0.000000e+00 : f32
      %parallel_loop3A_74 = vector.broadcast %parallel_loop3A_73 : f32 to vector<16xf32>
      %parallel_loop3A_75 = arith.constant 16 : i32
      %parallel_loop3A_76 = arith.muli %parallel_loop3A_72, %parallel_loop3A_75 : i32
      %parallel_loop3A_77 = arith.index_cast %parallel_loop3A_76 : i32 to index
      %parallel_loop3A_78 = tpu.vector_load %arg13[%parallel_loop3A_77] {strides = array<i32>} : memref<4096xf32, #tpu.memory_space<vmem>>, vector<16xf32>,
      tpu.vector_store %arg13[%parallel_loop3A_77], %parallel_loop3A_74 {strides = array<i32>} : memref<4096xf32, #tpu.memory_space<vmem>>, vector<16xf32>,
      %parallel_loop3A_79 = arith.constant 16 : i32
      %parallel_loop3A_80 = arith.muli %parallel_loop3A_72, %parallel_loop3A_79 : i32
      %parallel_loop3A_81 = arith.index_cast %parallel_loop3A_80 : i32 to index
      %parallel_loop3A_82 = tpu.vector_load %arg14[%parallel_loop3A_81] {strides = array<i32>} : memref<4096xf32, #tpu.memory_space<vmem>>, vector<16xf32>,
      tpu.vector_store %arg14[%parallel_loop3A_81], %parallel_loop3A_74 {strides = array<i32>} : memref<4096xf32, #tpu.memory_space<vmem>>, vector<16xf32>,
    } {sc.loop_unroll_factor = 4 : i64, sc.parallel_access}
    %dma_wait3A = tpu.memref_slice %arg2[%add3A_5] : memref<2097152xf32, #tpu.memory_space<hbm>> -> memref<16384xf32, #tpu.memory_space<hbm>>
    %dma_wait3A_21 = tpu.memref_slice %arg2[%add3A_5] : memref<2097152xf32, #tpu.memory_space<hbm>> -> memref<16384xf32, #tpu.memory_space<hbm>>
    tpu.wait_dma2 semaphore(%arg15 : memref<!tpu.dma_semaphore, #tpu.memory_space<semaphore_mem>>) src(%dma_wait3A_21 : memref<16384xf32, #tpu.memory_space<hbm>>) dst(%arg7 : memref<16384xf32, #tpu.memory_space<vmem>>)
    %dma_wait3A_22 = tpu.memref_slice %arg3[%add3A_5] : memref<2097152xf32, #tpu.memory_space<hbm>> -> memref<16384xf32, #tpu.memory_space<hbm>>
    %dma_wait3A_23 = tpu.memref_slice %arg3[%add3A_5] : memref<2097152xf32, #tpu.memory_space<hbm>> -> memref<16384xf32, #tpu.memory_space<hbm>>
    tpu.wait_dma2 semaphore(%arg15 : memref<!tpu.dma_semaphore, #tpu.memory_space<semaphore_mem>>) src(%dma_wait3A_23 : memref<16384xf32, #tpu.memory_space<hbm>>) dst(%arg9 : memref<16384xf32, #tpu.memory_space<vmem>>)
    %dma_wait3A_24 = tpu.memref_slice %arg4[%add3A_5] : memref<2097152xf32, #tpu.memory_space<hbm>> -> memref<16384xf32, #tpu.memory_space<hbm>>
    %dma_wait3A_25 = tpu.memref_slice %arg4[%add3A_5] : memref<2097152xf32, #tpu.memory_space<hbm>> -> memref<16384xf32, #tpu.memory_space<hbm>>
    tpu.wait_dma2 semaphore(%arg15 : memref<!tpu.dma_semaphore, #tpu.memory_space<semaphore_mem>>) src(%dma_wait3A_25 : memref<16384xf32, #tpu.memory_space<hbm>>) dst(%arg11 : memref<16384xf32, #tpu.memory_space<vmem>>)
    %parallel_loop3A_26 = arith.constant 0 : i32
    %parallel_loop3A_27 = arith.constant 512 : i32
    %parallel_loop3A_28 = arith.constant 1 : i32
    scf.for %parallel_loop3A_72 = %parallel_loop3A_26 to %parallel_loop3A_27 step %parallel_loop3A_28  : i32 {
      %parallel_loop3A_73 = arith.constant 32 : i32
      %parallel_loop3A_74 = arith.muli %parallel_loop3A_72, %parallel_loop3A_73 : i32
      %parallel_loop3A_75 = arith.constant 0 : i32
      %parallel_loop3A_76 = arith.addi %parallel_loop3A_74, %parallel_loop3A_75 : i32
      %parallel_loop3A_77 = arith.index_cast %parallel_loop3A_76 : i32 to index
      %parallel_loop3A_78 = tpu.vector_load %arg7[%parallel_loop3A_77] {strides = array<i32>} : memref<16384xf32, #tpu.memory_space<vmem>>, vector<16xf32>,
      %parallel_loop3A_79 = arith.index_cast %parallel_loop3A_76 : i32 to index
      %parallel_loop3A_80 = tpu.vector_load %arg9[%parallel_loop3A_79] {strides = array<i32>} : memref<16384xf32, #tpu.memory_space<vmem>>, vector<16xf32>,
      %parallel_loop3A_81 = arith.index_cast %parallel_loop3A_76 : i32 to index
      %parallel_loop3A_82 = tpu.vector_load %arg11[%parallel_loop3A_81] {strides = array<i32>} : memref<16384xf32, #tpu.memory_space<vmem>>, vector<16xf32>,
      %parallel_loop3A_83 = arith.subf %parallel_loop3A_78, %parallel_loop3A_80 : vector<16xf32>
      %parallel_loop3A_84 = arith.mulf %parallel_loop3A_83, %parallel_loop3A_83 : vector<16xf32>
      %parallel_loop3A_85 = tpu.bitcast %parallel_loop3A_84 : vector<16xf32> -> vector<16xi32>
      %parallel_loop3A_86 = arith.constant 19 : i32
      %parallel_loop3A_87 = vector.broadcast %parallel_loop3A_86 : i32 to vector<16xi32>
      %parallel_loop3A_88 = arith.shrui %parallel_loop3A_85, %parallel_loop3A_87 : vector<16xi32>
      tpu.vector_store_idx %arg13[%parallel_loop3A_88], %broadcast_in_dim3A_3 {add = true} : memref<4096xf32, #tpu.memory_space<vmem>>[vector<16xi32>], vector<16xf32>,
      %parallel_loop3A_89 = arith.mulf %parallel_loop3A_82, %parallel_loop3A_84 : vector<16xf32>
      tpu.vector_store_idx %arg14[%parallel_loop3A_88], %parallel_loop3A_89 {add = true} : memref<4096xf32, #tpu.memory_space<vmem>>[vector<16xi32>], vector<16xf32>,
      %parallel_loop3A_90 = arith.constant 32 : i32
      %parallel_loop3A_91 = arith.muli %parallel_loop3A_72, %parallel_loop3A_90 : i32
      %parallel_loop3A_92 = arith.constant 16 : i32
      %parallel_loop3A_93 = arith.addi %parallel_loop3A_91, %parallel_loop3A_92 : i32
      %parallel_loop3A_94 = arith.index_cast %parallel_loop3A_93 : i32 to index
      %parallel_loop3A_95 = tpu.vector_load %arg7[%parallel_loop3A_94] {strides = array<i32>} : memref<16384xf32, #tpu.memory_space<vmem>>, vector<16xf32>,
      %parallel_loop3A_96 = arith.index_cast %parallel_loop3A_93 : i32 to index
      %parallel_loop3A_97 = tpu.vector_load %arg9[%parallel_loop3A_96] {strides = array<i32>} : memref<16384xf32, #tpu.memory_space<vmem>>, vector<16xf32>,
      %parallel_loop3A_98 = arith.index_cast %parallel_loop3A_93 : i32 to index
      %parallel_loop3A_99 = tpu.vector_load %arg11[%parallel_loop3A_98] {strides = array<i32>} : memref<16384xf32, #tpu.memory_space<vmem>>, vector<16xf32>,
      %parallel_loop3A_100 = arith.subf %parallel_loop3A_95, %parallel_loop3A_97 : vector<16xf32>
      %parallel_loop3A_101 = arith.mulf %parallel_loop3A_100, %parallel_loop3A_100 : vector<16xf32>
      %parallel_loop3A_102 = tpu.bitcast %parallel_loop3A_101 : vector<16xf32> -> vector<16xi32>
      %parallel_loop3A_103 = arith.constant 19 : i32
      %parallel_loop3A_104 = vector.broadcast %parallel_loop3A_103 : i32 to vector<16xi32>
      %parallel_loop3A_105 = arith.shrui %parallel_loop3A_102, %parallel_loop3A_104 : vector<16xi32>
      tpu.vector_store_idx %arg13[%parallel_loop3A_105], %broadcast_in_dim3A_3 {add = true} : memref<4096xf32, #tpu.memory_space<vmem>>[vector<16xi32>], vector<16xf32>,
      %parallel_loop3A_106 = arith.mulf %parallel_loop3A_99, %parallel_loop3A_101 : vector<16xf32>
      tpu.vector_store_idx %arg14[%parallel_loop3A_105], %parallel_loop3A_106 {add = true} : memref<4096xf32, #tpu.memory_space<vmem>>[vector<16xi32>], vector<16xf32>,
    } {sc.loop_unroll_factor = 4 : i64, sc.parallel_access}
    %add3A_29 = arith.constant 32768 : i32
    %add3A_30 = arith.addi %mul3A_2, %add3A_29 : i32
    %dma_start3A_31 = tpu.memref_slice %arg2[%add3A_30] : memref<2097152xf32, #tpu.memory_space<hbm>> -> memref<16384xf32, #tpu.memory_space<hbm>>
    %dma_start3A_32 = tpu.memref_slice %arg2[%add3A_30] : memref<2097152xf32, #tpu.memory_space<hbm>> -> memref<16384xf32, #tpu.memory_space<hbm>>
    tpu.enqueue_dma source(%dma_start3A_32 : memref<16384xf32, #tpu.memory_space<hbm>>) target(%arg7 : memref<16384xf32, #tpu.memory_space<vmem>>) target_semaphore(%arg15 : memref<!tpu.dma_semaphore, #tpu.memory_space<semaphore_mem>>)
    %dma_start3A_33 = tpu.memref_slice %arg3[%add3A_30] : memref<2097152xf32, #tpu.memory_space<hbm>> -> memref<16384xf32, #tpu.memory_space<hbm>>
    %dma_start3A_34 = tpu.memref_slice %arg3[%add3A_30] : memref<2097152xf32, #tpu.memory_space<hbm>> -> memref<16384xf32, #tpu.memory_space<hbm>>
    tpu.enqueue_dma source(%dma_start3A_34 : memref<16384xf32, #tpu.memory_space<hbm>>) target(%arg9 : memref<16384xf32, #tpu.memory_space<vmem>>) target_semaphore(%arg15 : memref<!tpu.dma_semaphore, #tpu.memory_space<semaphore_mem>>)
    %dma_start3A_35 = tpu.memref_slice %arg4[%add3A_30] : memref<2097152xf32, #tpu.memory_space<hbm>> -> memref<16384xf32, #tpu.memory_space<hbm>>
    %dma_start3A_36 = tpu.memref_slice %arg4[%add3A_30] : memref<2097152xf32, #tpu.memory_space<hbm>> -> memref<16384xf32, #tpu.memory_space<hbm>>
    tpu.enqueue_dma source(%dma_start3A_36 : memref<16384xf32, #tpu.memory_space<hbm>>) target(%arg11 : memref<16384xf32, #tpu.memory_space<vmem>>) target_semaphore(%arg15 : memref<!tpu.dma_semaphore, #tpu.memory_space<semaphore_mem>>)
    %dma_wait3A_37 = tpu.memref_slice %arg2[%add3A_12] : memref<2097152xf32, #tpu.memory_space<hbm>> -> memref<16384xf32, #tpu.memory_space<hbm>>
    %dma_wait3A_38 = tpu.memref_slice %arg2[%add3A_12] : memref<2097152xf32, #tpu.memory_space<hbm>> -> memref<16384xf32, #tpu.memory_space<hbm>>
    tpu.wait_dma2 semaphore(%arg16 : memref<!tpu.dma_semaphore, #tpu.memory_space<semaphore_mem>>) src(%dma_wait3A_38 : memref<16384xf32, #tpu.memory_space<hbm>>) dst(%arg8 : memref<16384xf32, #tpu.memory_space<vmem>>)
    %dma_wait3A_39 = tpu.memref_slice %arg3[%add3A_12] : memref<2097152xf32, #tpu.memory_space<hbm>> -> memref<16384xf32, #tpu.memory_space<hbm>>
    %dma_wait3A_40 = tpu.memref_slice %arg3[%add3A_12] : memref<2097152xf32, #tpu.memory_space<hbm>> -> memref<16384xf32, #tpu.memory_space<hbm>>
    tpu.wait_dma2 semaphore(%arg16 : memref<!tpu.dma_semaphore, #tpu.memory_space<semaphore_mem>>) src(%dma_wait3A_40 : memref<16384xf32, #tpu.memory_space<hbm>>) dst(%arg10 : memref<16384xf32, #tpu.memory_space<vmem>>)
    %dma_wait3A_41 = tpu.memref_slice %arg4[%add3A_12] : memref<2097152xf32, #tpu.memory_space<hbm>> -> memref<16384xf32, #tpu.memory_space<hbm>>
    %dma_wait3A_42 = tpu.memref_slice %arg4[%add3A_12] : memref<2097152xf32, #tpu.memory_space<hbm>> -> memref<16384xf32, #tpu.memory_space<hbm>>
    tpu.wait_dma2 semaphore(%arg16 : memref<!tpu.dma_semaphore, #tpu.memory_space<semaphore_mem>>) src(%dma_wait3A_42 : memref<16384xf32, #tpu.memory_space<hbm>>) dst(%arg12 : memref<16384xf32, #tpu.memory_space<vmem>>)
    %parallel_loop3A_43 = arith.constant 0 : i32
    %parallel_loop3A_44 = arith.constant 512 : i32
    %parallel_loop3A_45 = arith.constant 1 : i32
    scf.for %parallel_loop3A_72 = %parallel_loop3A_43 to %parallel_loop3A_44 step %parallel_loop3A_45  : i32 {
      %parallel_loop3A_73 = arith.constant 32 : i32
      %parallel_loop3A_74 = arith.muli %parallel_loop3A_72, %parallel_loop3A_73 : i32
      %parallel_loop3A_75 = arith.constant 0 : i32
      %parallel_loop3A_76 = arith.addi %parallel_loop3A_74, %parallel_loop3A_75 : i32
      %parallel_loop3A_77 = arith.index_cast %parallel_loop3A_76 : i32 to index
      %parallel_loop3A_78 = tpu.vector_load %arg8[%parallel_loop3A_77] {strides = array<i32>} : memref<16384xf32, #tpu.memory_space<vmem>>, vector<16xf32>,
      %parallel_loop3A_79 = arith.index_cast %parallel_loop3A_76 : i32 to index
      %parallel_loop3A_80 = tpu.vector_load %arg10[%parallel_loop3A_79] {strides = array<i32>} : memref<16384xf32, #tpu.memory_space<vmem>>, vector<16xf32>,
      %parallel_loop3A_81 = arith.index_cast %parallel_loop3A_76 : i32 to index
      %parallel_loop3A_82 = tpu.vector_load %arg12[%parallel_loop3A_81] {strides = array<i32>} : memref<16384xf32, #tpu.memory_space<vmem>>, vector<16xf32>,
      %parallel_loop3A_83 = arith.subf %parallel_loop3A_78, %parallel_loop3A_80 : vector<16xf32>
      %parallel_loop3A_84 = arith.mulf %parallel_loop3A_83, %parallel_loop3A_83 : vector<16xf32>
      %parallel_loop3A_85 = tpu.bitcast %parallel_loop3A_84 : vector<16xf32> -> vector<16xi32>
      %parallel_loop3A_86 = arith.constant 19 : i32
      %parallel_loop3A_87 = vector.broadcast %parallel_loop3A_86 : i32 to vector<16xi32>
      %parallel_loop3A_88 = arith.shrui %parallel_loop3A_85, %parallel_loop3A_87 : vector<16xi32>
      tpu.vector_store_idx %arg13[%parallel_loop3A_88], %broadcast_in_dim3A_3 {add = true} : memref<4096xf32, #tpu.memory_space<vmem>>[vector<16xi32>], vector<16xf32>,
      %parallel_loop3A_89 = arith.mulf %parallel_loop3A_82, %parallel_loop3A_84 : vector<16xf32>
      tpu.vector_store_idx %arg14[%parallel_loop3A_88], %parallel_loop3A_89 {add = true} : memref<4096xf32, #tpu.memory_space<vmem>>[vector<16xi32>], vector<16xf32>,
      %parallel_loop3A_90 = arith.constant 32 : i32
      %parallel_loop3A_91 = arith.muli %parallel_loop3A_72, %parallel_loop3A_90 : i32
      %parallel_loop3A_92 = arith.constant 16 : i32
      %parallel_loop3A_93 = arith.addi %parallel_loop3A_91, %parallel_loop3A_92 : i32
      %parallel_loop3A_94 = arith.index_cast %parallel_loop3A_93 : i32 to index
      %parallel_loop3A_95 = tpu.vector_load %arg8[%parallel_loop3A_94] {strides = array<i32>} : memref<16384xf32, #tpu.memory_space<vmem>>, vector<16xf32>,
      %parallel_loop3A_96 = arith.index_cast %parallel_loop3A_93 : i32 to index
      %parallel_loop3A_97 = tpu.vector_load %arg10[%parallel_loop3A_96] {strides = array<i32>} : memref<16384xf32, #tpu.memory_space<vmem>>, vector<16xf32>,
      %parallel_loop3A_98 = arith.index_cast %parallel_loop3A_93 : i32 to index
      %parallel_loop3A_99 = tpu.vector_load %arg12[%parallel_loop3A_98] {strides = array<i32>} : memref<16384xf32, #tpu.memory_space<vmem>>, vector<16xf32>,
      %parallel_loop3A_100 = arith.subf %parallel_loop3A_95, %parallel_loop3A_97 : vector<16xf32>
      %parallel_loop3A_101 = arith.mulf %parallel_loop3A_100, %parallel_loop3A_100 : vector<16xf32>
      %parallel_loop3A_102 = tpu.bitcast %parallel_loop3A_101 : vector<16xf32> -> vector<16xi32>
      %parallel_loop3A_103 = arith.constant 19 : i32
      %parallel_loop3A_104 = vector.broadcast %parallel_loop3A_103 : i32 to vector<16xi32>
      %parallel_loop3A_105 = arith.shrui %parallel_loop3A_102, %parallel_loop3A_104 : vector<16xi32>
      tpu.vector_store_idx %arg13[%parallel_loop3A_105], %broadcast_in_dim3A_3 {add = true} : memref<4096xf32, #tpu.memory_space<vmem>>[vector<16xi32>], vector<16xf32>,
      %parallel_loop3A_106 = arith.mulf %parallel_loop3A_99, %parallel_loop3A_101 : vector<16xf32>
      tpu.vector_store_idx %arg14[%parallel_loop3A_105], %parallel_loop3A_106 {add = true} : memref<4096xf32, #tpu.memory_space<vmem>>[vector<16xi32>], vector<16xf32>,
    } {sc.loop_unroll_factor = 4 : i64, sc.parallel_access}
    %add3A_46 = arith.constant 49152 : i32
    %add3A_47 = arith.addi %mul3A_2, %add3A_46 : i32
    %dma_start3A_48 = tpu.memref_slice %arg2[%add3A_47] : memref<2097152xf32, #tpu.memory_space<hbm>> -> memref<16384xf32, #tpu.memory_space<hbm>>
    %dma_start3A_49 = tpu.memref_slice %arg2[%add3A_47] : memref<2097152xf32, #tpu.memory_space<hbm>> -> memref<16384xf32, #tpu.memory_space<hbm>>
    tpu.enqueue_dma source(%dma_start3A_49 : memref<16384xf32, #tpu.memory_space<hbm>>) target(%arg8 : memref<16384xf32, #tpu.memory_space<vmem>>) target_semaphore(%arg16 : memref<!tpu.dma_semaphore, #tpu.memory_space<semaphore_mem>>)
    %dma_start3A_50 = tpu.memref_slice %arg3[%add3A_47] : memref<2097152xf32, #tpu.memory_space<hbm>> -> memref<16384xf32, #tpu.memory_space<hbm>>
    %dma_start3A_51 = tpu.memref_slice %arg3[%add3A_47] : memref<2097152xf32, #tpu.memory_space<hbm>> -> memref<16384xf32, #tpu.memory_space<hbm>>
    tpu.enqueue_dma source(%dma_start3A_51 : memref<16384xf32, #tpu.memory_space<hbm>>) target(%arg10 : memref<16384xf32, #tpu.memory_space<vmem>>) target_semaphore(%arg16 : memref<!tpu.dma_semaphore, #tpu.memory_space<semaphore_mem>>)
    %dma_start3A_52 = tpu.memref_slice %arg4[%add3A_47] : memref<2097152xf32, #tpu.memory_space<hbm>> -> memref<16384xf32, #tpu.memory_space<hbm>>
    %dma_start3A_53 = tpu.memref_slice %arg4[%add3A_47] : memref<2097152xf32, #tpu.memory_space<hbm>> -> memref<16384xf32, #tpu.memory_space<hbm>>
    tpu.enqueue_dma source(%dma_start3A_53 : memref<16384xf32, #tpu.memory_space<hbm>>) target(%arg12 : memref<16384xf32, #tpu.memory_space<vmem>>) target_semaphore(%arg16 : memref<!tpu.dma_semaphore, #tpu.memory_space<semaphore_mem>>)
    %dma_wait3A_54 = tpu.memref_slice %arg2[%add3A_30] : memref<2097152xf32, #tpu.memory_space<hbm>> -> memref<16384xf32, #tpu.memory_space<hbm>>
    %dma_wait3A_55 = tpu.memref_slice %arg2[%add3A_30] : memref<2097152xf32, #tpu.memory_space<hbm>> -> memref<16384xf32, #tpu.memory_space<hbm>>
    tpu.wait_dma2 semaphore(%arg15 : memref<!tpu.dma_semaphore, #tpu.memory_space<semaphore_mem>>) src(%dma_wait3A_55 : memref<16384xf32, #tpu.memory_space<hbm>>) dst(%arg7 : memref<16384xf32, #tpu.memory_space<vmem>>)
    %dma_wait3A_56 = tpu.memref_slice %arg3[%add3A_30] : memref<2097152xf32, #tpu.memory_space<hbm>> -> memref<16384xf32, #tpu.memory_space<hbm>>
    %dma_wait3A_57 = tpu.memref_slice %arg3[%add3A_30] : memref<2097152xf32, #tpu.memory_space<hbm>> -> memref<16384xf32, #tpu.memory_space<hbm>>
    tpu.wait_dma2 semaphore(%arg15 : memref<!tpu.dma_semaphore, #tpu.memory_space<semaphore_mem>>) src(%dma_wait3A_57 : memref<16384xf32, #tpu.memory_space<hbm>>) dst(%arg9 : memref<16384xf32, #tpu.memory_space<vmem>>)
    %dma_wait3A_58 = tpu.memref_slice %arg4[%add3A_30] : memref<2097152xf32, #tpu.memory_space<hbm>> -> memref<16384xf32, #tpu.memory_space<hbm>>
    %dma_wait3A_59 = tpu.memref_slice %arg4[%add3A_30] : memref<2097152xf32, #tpu.memory_space<hbm>> -> memref<16384xf32, #tpu.memory_space<hbm>>
    tpu.wait_dma2 semaphore(%arg15 : memref<!tpu.dma_semaphore, #tpu.memory_space<semaphore_mem>>) src(%dma_wait3A_59 : memref<16384xf32, #tpu.memory_space<hbm>>) dst(%arg11 : memref<16384xf32, #tpu.memory_space<vmem>>)
    %parallel_loop3A_60 = arith.constant 0 : i32
    %parallel_loop3A_61 = arith.constant 512 : i32
    %parallel_loop3A_62 = arith.constant 1 : i32
    scf.for %parallel_loop3A_72 = %parallel_loop3A_60 to %parallel_loop3A_61 step %parallel_loop3A_62  : i32 {
      %parallel_loop3A_73 = arith.constant 32 : i32
      %parallel_loop3A_74 = arith.muli %parallel_loop3A_72, %parallel_loop3A_73 : i32
      %parallel_loop3A_75 = arith.constant 0 : i32
      %parallel_loop3A_76 = arith.addi %parallel_loop3A_74, %parallel_loop3A_75 : i32
      %parallel_loop3A_77 = arith.index_cast %parallel_loop3A_76 : i32 to index
      %parallel_loop3A_78 = tpu.vector_load %arg7[%parallel_loop3A_77] {strides = array<i32>} : memref<16384xf32, #tpu.memory_space<vmem>>, vector<16xf32>,
      %parallel_loop3A_79 = arith.index_cast %parallel_loop3A_76 : i32 to index
      %parallel_loop3A_80 = tpu.vector_load %arg9[%parallel_loop3A_79] {strides = array<i32>} : memref<16384xf32, #tpu.memory_space<vmem>>, vector<16xf32>,
      %parallel_loop3A_81 = arith.index_cast %parallel_loop3A_76 : i32 to index
      %parallel_loop3A_82 = tpu.vector_load %arg11[%parallel_loop3A_81] {strides = array<i32>} : memref<16384xf32, #tpu.memory_space<vmem>>, vector<16xf32>,
      %parallel_loop3A_83 = arith.subf %parallel_loop3A_78, %parallel_loop3A_80 : vector<16xf32>
      %parallel_loop3A_84 = arith.mulf %parallel_loop3A_83, %parallel_loop3A_83 : vector<16xf32>
      %parallel_loop3A_85 = tpu.bitcast %parallel_loop3A_84 : vector<16xf32> -> vector<16xi32>
      %parallel_loop3A_86 = arith.constant 19 : i32
      %parallel_loop3A_87 = vector.broadcast %parallel_loop3A_86 : i32 to vector<16xi32>
      %parallel_loop3A_88 = arith.shrui %parallel_loop3A_85, %parallel_loop3A_87 : vector<16xi32>
      tpu.vector_store_idx %arg13[%parallel_loop3A_88], %broadcast_in_dim3A_3 {add = true} : memref<4096xf32, #tpu.memory_space<vmem>>[vector<16xi32>], vector<16xf32>,
      %parallel_loop3A_89 = arith.mulf %parallel_loop3A_82, %parallel_loop3A_84 : vector<16xf32>
      tpu.vector_store_idx %arg14[%parallel_loop3A_88], %parallel_loop3A_89 {add = true} : memref<4096xf32, #tpu.memory_space<vmem>>[vector<16xi32>], vector<16xf32>,
      %parallel_loop3A_90 = arith.constant 32 : i32
      %parallel_loop3A_91 = arith.muli %parallel_loop3A_72, %parallel_loop3A_90 : i32
      %parallel_loop3A_92 = arith.constant 16 : i32
      %parallel_loop3A_93 = arith.addi %parallel_loop3A_91, %parallel_loop3A_92 : i32
      %parallel_loop3A_94 = arith.index_cast %parallel_loop3A_93 : i32 to index
      %parallel_loop3A_95 = tpu.vector_load %arg7[%parallel_loop3A_94] {strides = array<i32>} : memref<16384xf32, #tpu.memory_space<vmem>>, vector<16xf32>,
      %parallel_loop3A_96 = arith.index_cast %parallel_loop3A_93 : i32 to index
      %parallel_loop3A_97 = tpu.vector_load %arg9[%parallel_loop3A_96] {strides = array<i32>} : memref<16384xf32, #tpu.memory_space<vmem>>, vector<16xf32>,
      %parallel_loop3A_98 = arith.index_cast %parallel_loop3A_93 : i32 to index
      %parallel_loop3A_99 = tpu.vector_load %arg11[%parallel_loop3A_98] {strides = array<i32>} : memref<16384xf32, #tpu.memory_space<vmem>>, vector<16xf32>,
      %parallel_loop3A_100 = arith.subf %parallel_loop3A_95, %parallel_loop3A_97 : vector<16xf32>
      %parallel_loop3A_101 = arith.mulf %parallel_loop3A_100, %parallel_loop3A_100 : vector<16xf32>
      %parallel_loop3A_102 = tpu.bitcast %parallel_loop3A_101 : vector<16xf32> -> vector<16xi32>
      %parallel_loop3A_103 = arith.constant 19 : i32
      %parallel_loop3A_104 = vector.broadcast %parallel_loop3A_103 : i32 to vector<16xi32>
      %parallel_loop3A_105 = arith.shrui %parallel_loop3A_102, %parallel_loop3A_104 : vector<16xi32>
      tpu.vector_store_idx %arg13[%parallel_loop3A_105], %broadcast_in_dim3A_3 {add = true} : memref<4096xf32, #tpu.memory_space<vmem>>[vector<16xi32>], vector<16xf32>,
      %parallel_loop3A_106 = arith.mulf %parallel_loop3A_99, %parallel_loop3A_101 : vector<16xf32>
      tpu.vector_store_idx %arg14[%parallel_loop3A_105], %parallel_loop3A_106 {add = true} : memref<4096xf32, #tpu.memory_space<vmem>>[vector<16xi32>], vector<16xf32>,
    } {sc.loop_unroll_factor = 4 : i64, sc.parallel_access}
    %dma_wait3A_63 = tpu.memref_slice %arg2[%add3A_47] : memref<2097152xf32, #tpu.memory_space<hbm>> -> memref<16384xf32, #tpu.memory_space<hbm>>
    %dma_wait3A_64 = tpu.memref_slice %arg2[%add3A_47] : memref<2097152xf32, #tpu.memory_space<hbm>> -> memref<16384xf32, #tpu.memory_space<hbm>>
    tpu.wait_dma2 semaphore(%arg16 : memref<!tpu.dma_semaphore, #tpu.memory_space<semaphore_mem>>) src(%dma_wait3A_64 : memref<16384xf32, #tpu.memory_space<hbm>>) dst(%arg8 : memref<16384xf32, #tpu.memory_space<vmem>>)
    %dma_wait3A_65 = tpu.memref_slice %arg3[%add3A_47] : memref<2097152xf32, #tpu.memory_space<hbm>> -> memref<16384xf32, #tpu.memory_space<hbm>>
    %dma_wait3A_66 = tpu.memref_slice %arg3[%add3A_47] : memref<2097152xf32, #tpu.memory_space<hbm>> -> memref<16384xf32, #tpu.memory_space<hbm>>
    tpu.wait_dma2 semaphore(%arg16 : memref<!tpu.dma_semaphore, #tpu.memory_space<semaphore_mem>>) src(%dma_wait3A_66 : memref<16384xf32, #tpu.memory_space<hbm>>) dst(%arg10 : memref<16384xf32, #tpu.memory_space<vmem>>)
    %dma_wait3A_67 = tpu.memref_slice %arg4[%add3A_47] : memref<2097152xf32, #tpu.memory_space<hbm>> -> memref<16384xf32, #tpu.memory_space<hbm>>
    %dma_wait3A_68 = tpu.memref_slice %arg4[%add3A_47] : memref<2097152xf32, #tpu.memory_space<hbm>> -> memref<16384xf32, #tpu.memory_space<hbm>>
    tpu.wait_dma2 semaphore(%arg16 : memref<!tpu.dma_semaphore, #tpu.memory_space<semaphore_mem>>) src(%dma_wait3A_68 : memref<16384xf32, #tpu.memory_space<hbm>>) dst(%arg12 : memref<16384xf32, #tpu.memory_space<vmem>>)
    %parallel_loop3A_69 = arith.constant 0 : i32
    %parallel_loop3A_70 = arith.constant 512 : i32
    %parallel_loop3A_71 = arith.constant 1 : i32
    scf.for %parallel_loop3A_72 = %parallel_loop3A_69 to %parallel_loop3A_70 step %parallel_loop3A_71  : i32 {
      %parallel_loop3A_73 = arith.constant 32 : i32
      %parallel_loop3A_74 = arith.muli %parallel_loop3A_72, %parallel_loop3A_73 : i32
      %parallel_loop3A_75 = arith.constant 0 : i32
      %parallel_loop3A_76 = arith.addi %parallel_loop3A_74, %parallel_loop3A_75 : i32
      %parallel_loop3A_77 = arith.index_cast %parallel_loop3A_76 : i32 to index
      %parallel_loop3A_78 = tpu.vector_load %arg8[%parallel_loop3A_77] {strides = array<i32>} : memref<16384xf32, #tpu.memory_space<vmem>>, vector<16xf32>,
      %parallel_loop3A_79 = arith.index_cast %parallel_loop3A_76 : i32 to index
      %parallel_loop3A_80 = tpu.vector_load %arg10[%parallel_loop3A_79] {strides = array<i32>} : memref<16384xf32, #tpu.memory_space<vmem>>, vector<16xf32>,
      %parallel_loop3A_81 = arith.index_cast %parallel_loop3A_76 : i32 to index
      %parallel_loop3A_82 = tpu.vector_load %arg12[%parallel_loop3A_81] {strides = array<i32>} : memref<16384xf32, #tpu.memory_space<vmem>>, vector<16xf32>,
      %parallel_loop3A_83 = arith.subf %parallel_loop3A_78, %parallel_loop3A_80 : vector<16xf32>
      %parallel_loop3A_84 = arith.mulf %parallel_loop3A_83, %parallel_loop3A_83 : vector<16xf32>
      %parallel_loop3A_85 = tpu.bitcast %parallel_loop3A_84 : vector<16xf32> -> vector<16xi32>
      %parallel_loop3A_86 = arith.constant 19 : i32
      %parallel_loop3A_87 = vector.broadcast %parallel_loop3A_86 : i32 to vector<16xi32>
      %parallel_loop3A_88 = arith.shrui %parallel_loop3A_85, %parallel_loop3A_87 : vector<16xi32>
      tpu.vector_store_idx %arg13[%parallel_loop3A_88], %broadcast_in_dim3A_3 {add = true} : memref<4096xf32, #tpu.memory_space<vmem>>[vector<16xi32>], vector<16xf32>,
      %parallel_loop3A_89 = arith.mulf %parallel_loop3A_82, %parallel_loop3A_84 : vector<16xf32>
      tpu.vector_store_idx %arg14[%parallel_loop3A_88], %parallel_loop3A_89 {add = true} : memref<4096xf32, #tpu.memory_space<vmem>>[vector<16xi32>], vector<16xf32>,
      %parallel_loop3A_90 = arith.constant 32 : i32
      %parallel_loop3A_91 = arith.muli %parallel_loop3A_72, %parallel_loop3A_90 : i32
      %parallel_loop3A_92 = arith.constant 16 : i32
      %parallel_loop3A_93 = arith.addi %parallel_loop3A_91, %parallel_loop3A_92 : i32
      %parallel_loop3A_94 = arith.index_cast %parallel_loop3A_93 : i32 to index
      %parallel_loop3A_95 = tpu.vector_load %arg8[%parallel_loop3A_94] {strides = array<i32>} : memref<16384xf32, #tpu.memory_space<vmem>>, vector<16xf32>,
      %parallel_loop3A_96 = arith.index_cast %parallel_loop3A_93 : i32 to index
      %parallel_loop3A_97 = tpu.vector_load %arg10[%parallel_loop3A_96] {strides = array<i32>} : memref<16384xf32, #tpu.memory_space<vmem>>, vector<16xf32>,
      %parallel_loop3A_98 = arith.index_cast %parallel_loop3A_93 : i32 to index
      %parallel_loop3A_99 = tpu.vector_load %arg12[%parallel_loop3A_98] {strides = array<i32>} : memref<16384xf32, #tpu.memory_space<vmem>>, vector<16xf32>,
      %parallel_loop3A_100 = arith.subf %parallel_loop3A_95, %parallel_loop3A_97 : vector<16xf32>
      %parallel_loop3A_101 = arith.mulf %parallel_loop3A_100, %parallel_loop3A_100 : vector<16xf32>
      %parallel_loop3A_102 = tpu.bitcast %parallel_loop3A_101 : vector<16xf32> -> vector<16xi32>
      %parallel_loop3A_103 = arith.constant 19 : i32
      %parallel_loop3A_104 = vector.broadcast %parallel_loop3A_103 : i32 to vector<16xi32>
      %parallel_loop3A_105 = arith.shrui %parallel_loop3A_102, %parallel_loop3A_104 : vector<16xi32>
      tpu.vector_store_idx %arg13[%parallel_loop3A_105], %broadcast_in_dim3A_3 {add = true} : memref<4096xf32, #tpu.memory_space<vmem>>[vector<16xi32>], vector<16xf32>,
      %parallel_loop3A_106 = arith.mulf %parallel_loop3A_99, %parallel_loop3A_101 : vector<16xf32>
      tpu.vector_store_idx %arg14[%parallel_loop3A_105], %parallel_loop3A_106 {add = true} : memref<4096xf32, #tpu.memory_space<vmem>>[vector<16xi32>], vector<16xf32>,
    } {sc.loop_unroll_factor = 4 : i64, sc.parallel_access}
    "tpu.region"() ({
      %run_scoped3A = tpu.sem_alloc : memref<!tpu.dma_semaphore, #tpu.memory_space<semaphore_mem>>
      %dma_start3A_72 = arith.constant 0 : i32
      %dma_start3A_73 = tpu.memref_slice %arg5[%add3A, %dma_start3A_72] : memref<32x4096xf32, #tpu.memory_space<hbm>> -> memref<1x4096xf32, #tpu.memory_space<hbm>>
      %dma_start3A_74 = tpu.memref_squeeze %dma_start3A_73 : memref<1x4096xf32, #tpu.memory_space<hbm>> -> memref<4096xf32, #tpu.memory_space<hbm>>
      %dma_start3A_75 = arith.constant 0 : i32
      %dma_start3A_76 = tpu.memref_slice %arg5[%add3A, %dma_start3A_75] : memref<32x4096xf32, #tpu.memory_space<hbm>> -> memref<1x4096xf32, #tpu.memory_space<hbm>>
      %dma_start3A_77 = tpu.memref_squeeze %dma_start3A_76 : memref<1x4096xf32, #tpu.memory_space<hbm>> -> memref<4096xf32, #tpu.memory_space<hbm>>
      tpu.enqueue_dma source(%arg13 : memref<4096xf32, #tpu.memory_space<vmem>>) target(%dma_start3A_77 : memref<4096xf32, #tpu.memory_space<hbm>>) target_semaphore(%run_scoped3A : memref<!tpu.dma_semaphore, #tpu.memory_space<semaphore_mem>>)
      %dma_wait3A_78 = arith.constant 0 : i32
      %dma_wait3A_79 = tpu.memref_slice %arg5[%add3A, %dma_wait3A_78] : memref<32x4096xf32, #tpu.memory_space<hbm>> -> memref<1x4096xf32, #tpu.memory_space<hbm>>
      %dma_wait3A_80 = tpu.memref_squeeze %dma_wait3A_79 : memref<1x4096xf32, #tpu.memory_space<hbm>> -> memref<4096xf32, #tpu.memory_space<hbm>>
      %dma_wait3A_81 = arith.constant 0 : i32
      %dma_wait3A_82 = tpu.memref_slice %arg5[%add3A, %dma_wait3A_81] : memref<32x4096xf32, #tpu.memory_space<hbm>> -> memref<1x4096xf32, #tpu.memory_space<hbm>>
      %dma_wait3A_83 = tpu.memref_squeeze %dma_wait3A_82 : memref<1x4096xf32, #tpu.memory_space<hbm>> -> memref<4096xf32, #tpu.memory_space<hbm>>
      tpu.wait_dma2 semaphore(%run_scoped3A : memref<!tpu.dma_semaphore, #tpu.memory_space<semaphore_mem>>) src(%arg13 : memref<4096xf32, #tpu.memory_space<vmem>>) dst(%dma_wait3A_83 : memref<4096xf32, #tpu.memory_space<hbm>>)
      tpu.yield
    }) : () -> ()
    "tpu.region"() ({
      %run_scoped3A = tpu.sem_alloc : memref<!tpu.dma_semaphore, #tpu.memory_space<semaphore_mem>>
      %dma_start3A_72 = arith.constant 0 : i32
      %dma_start3A_73 = tpu.memref_slice %arg6[%add3A, %dma_start3A_72] : memref<32x4096xf32, #tpu.memory_space<hbm>> -> memref<1x4096xf32, #tpu.memory_space<hbm>>
      %dma_start3A_74 = tpu.memref_squeeze %dma_start3A_73 : memref<1x4096xf32, #tpu.memory_space<hbm>> -> memref<4096xf32, #tpu.memory_space<hbm>>
      %dma_start3A_75 = arith.constant 0 : i32
      %dma_start3A_76 = tpu.memref_slice %arg6[%add3A, %dma_start3A_75] : memref<32x4096xf32, #tpu.memory_space<hbm>> -> memref<1x4096xf32, #tpu.memory_space<hbm>>
      %dma_start3A_77 = tpu.memref_squeeze %dma_start3A_76 : memref<1x4096xf32, #tpu.memory_space<hbm>> -> memref<4096xf32, #tpu.memory_space<hbm>>
      tpu.enqueue_dma source(%arg14 : memref<4096xf32, #tpu.memory_space<vmem>>) target(%dma_start3A_77 : memref<4096xf32, #tpu.memory_space<hbm>>) target_semaphore(%run_scoped3A : memref<!tpu.dma_semaphore, #tpu.memory_space<semaphore_mem>>)
      %dma_wait3A_78 = arith.constant 0 : i32
      %dma_wait3A_79 = tpu.memref_slice %arg6[%add3A, %dma_wait3A_78] : memref<32x4096xf32, #tpu.memory_space<hbm>> -> memref<1x4096xf32, #tpu.memory_space<hbm>>
      %dma_wait3A_80 = tpu.memref_squeeze %dma_wait3A_79 : memref<1x4096xf32, #tpu.memory_space<hbm>> -> memref<4096xf32, #tpu.memory_space<hbm>>
      %dma_wait3A_81 = arith.constant 0 : i32
      %dma_wait3A_82 = tpu.memref_slice %arg6[%add3A, %dma_wait3A_81] : memref<32x4096xf32, #tpu.memory_space<hbm>> -> memref<1x4096xf32, #tpu.memory_space<hbm>>
      %dma_wait3A_83 = tpu.memref_squeeze %dma_wait3A_82 : memref<1x4096xf32, #tpu.memory_space<hbm>> -> memref<4096xf32, #tpu.memory_space<hbm>>
      tpu.wait_dma2 semaphore(%run_scoped3A : memref<!tpu.dma_semaphore, #tpu.memory_space<semaphore_mem>>) src(%arg14 : memref<4096xf32, #tpu.memory_space<vmem>>) dst(%dma_wait3A_83 : memref<4096xf32, #tpu.memory_space<hbm>>)
      tpu.yield
    }) : () -> ()
    return
  }
}

module attributes {stable_mosaic.version = 14 : i64} {
  func.func @_aux_body(%arg0: i32, %arg1: memref<64x128xf32, #tpu.memory_space<vmem>>, %arg2: memref<128x64xf32, #tpu.memory_space<vmem>>, %arg3: memref<32x64x64xf32, #tpu.memory_space<vmem>>, %arg4: memref<64x128x128xf32, #tpu.memory_space<vmem>>, %arg5: memref<64x128x128xf32, #tpu.memory_space<vmem>>, %arg6: memref<8x128xf32, #tpu.memory_space<vmem>>, %arg7: memref<1xf32, #tpu.memory_space<smem>>) attributes {dimension_semantics = [#tpu.dimension_semantics<arbitrary>], iteration_bounds = array<i64: 2>, scalar_prefetch = 0 : i64, scratch_operands = 1 : i64, tpu.core_type = #tpu.core_type<tc>, window_params = [{pipeline_mode = #tpu.pipeline_mode<synchronous>, transform_indices = @transform_0, window_bounds = array<i64: 64, 128>}, {pipeline_mode = #tpu.pipeline_mode<synchronous>, transform_indices = @transform_1, window_bounds = array<i64: 128, 64>}, {transform_indices = @transform_2, window_bounds = array<i64: 32, 64, 64>}, {transform_indices = @transform_3, window_bounds = array<i64: 64, 128, 128>}, {transform_indices = @transform_4, window_bounds = array<i64: 64, 128, 128>}, {pipeline_mode = #tpu.pipeline_mode<synchronous>, transform_indices = @transform_5, window_bounds = array<i64: 8, 128>}]} {
    %eq3A = arith.constant 0 : i32
    %eq3A_0 = arith.cmpi eq, %arg0, %eq3A : i32
    %convert_element_type3A = arith.extui %eq3A_0 : i1 to i32
    %cond3A = arith.constant 0 : i32
    %cond3A_1 = arith.cmpi ne, %convert_element_type3A, %cond3A : i32
    scf.if %cond3A_1 {
      %swap3A_1301 = arith.constant 0.000000e+00 : f32
      %swap3A_1302 = arith.constant 0 : index
      %swap3A_1303 = memref.load %arg7[%swap3A_1302] : memref<1xf32, #tpu.memory_space<smem>>
      memref.store %swap3A_1301, %arg7[%swap3A_1302] : memref<1xf32, #tpu.memory_space<smem>>
    } else {
    }
    %get3A = arith.constant 0 : index
    %get3A_2 = arith.constant 0 : index
    %get3A_3 = vector.load %arg1[%get3A, %get3A_2] : memref<64x128xf32, #tpu.memory_space<vmem>>, vector<64x128xf32>
    %get3A_4 = arith.constant 0 : index
    %get3A_5 = arith.constant 0 : index
    %get3A_6 = vector.load %arg2[%get3A_4, %get3A_5] : memref<128x64xf32, #tpu.memory_space<vmem>>, vector<128x64xf32>
    %get3A_7 = arith.constant 0 : index
    %get3A_8 = arith.constant 0 : index
    %get3A_9 = arith.constant 0 : index
    %get3A_10 = vector.load %arg4[%get3A_7, %get3A_8, %get3A_9] : memref<64x128x128xf32, #tpu.memory_space<vmem>>, vector<64x128x128xf32>
    %get3A_11 = arith.constant 0 : index
    %get3A_12 = arith.constant 0 : index
    %get3A_13 = arith.constant 0 : index
    %get3A_14 = vector.load %arg5[%get3A_11, %get3A_12, %get3A_13] : memref<64x128x128xf32, #tpu.memory_space<vmem>>, vector<64x128x128xf32>
    %get3A_15 = arith.constant 0 : index
    %get3A_16 = arith.constant 0 : index
    %get3A_17 = arith.constant 0 : index
    %get3A_18 = vector.load %arg3[%get3A_15, %get3A_16, %get3A_17] : memref<32x64x64xf32, #tpu.memory_space<vmem>>, vector<32x64x64xf32>
    %slice3A = vector.extract_strided_slice %get3A_10 {offsets = [0, 0, 0], sizes = [1, 128, 128], strides = [1, 1, 1]} : vector<64x128x128xf32> to vector<1x128x128xf32>
    %squeeze3A = vector.shape_cast %slice3A : vector<1x128x128xf32> to vector<128x128xf32>
    %slice3A_19 = vector.extract_strided_slice %get3A_14 {offsets = [0, 0, 0], sizes = [1, 128, 128], strides = [1, 1, 1]} : vector<64x128x128xf32> to vector<1x128x128xf32>
    %squeeze3A_20 = vector.shape_cast %slice3A_19 : vector<1x128x128xf32> to vector<128x128xf32>
    %dot_general3A = arith.constant dense<0.000000e+00> : vector<128x64xf32>
    %dot_general3A_21 = tpu.matmul %squeeze3A, %get3A_6, %dot_general3A {dimension_numbers = #tpu.dot_dimension_numbers<[1], [0], [0], [1], [0, 0, 1, 1], [], []>, transpose_lhs_hint = false} : vector<128x128xf32>, vector<128x64xf32>, vector<128x64xf32> -> vector<128x64xf32>
    %dot_general3A_22 = arith.constant dense<0.000000e+00> : vector<128x64xf32>
    %dot_general3A_23 = tpu.matmul %squeeze3A_20, %get3A_6, %dot_general3A_22 {dimension_numbers = #tpu.dot_dimension_numbers<[1], [0], [0], [1], [0, 0, 1, 1], [], []>, transpose_lhs_hint = false} : vector<128x128xf32>, vector<128x64xf32>, vector<128x64xf32> -> vector<128x64xf32>
    %dot_general3A_24 = arith.constant dense<0.000000e+00> : vector<64x64xf32>
    %dot_general3A_25 = tpu.matmul %get3A_3, %dot_general3A_21, %dot_general3A_24 {dimension_numbers = #tpu.dot_dimension_numbers<[1], [0], [0], [1], [0, 0, 1, 1], [], []>, transpose_lhs_hint = false} : vector<64x128xf32>, vector<128x64xf32>, vector<64x64xf32> -> vector<64x64xf32>
    %dot_general3A_26 = arith.constant dense<0.000000e+00> : vector<64x64xf32>
    %dot_general3A_27 = tpu.matmul %get3A_3, %dot_general3A_23, %dot_general3A_26 {dimension_numbers = #tpu.dot_dimension_numbers<[1], [0], [0], [1], [0, 0, 1, 1], [], []>, transpose_lhs_hint = false} : vector<64x128xf32>, vector<128x64xf32>, vector<64x64xf32> -> vector<64x64xf32>
    %slice3A_28 = vector.extract_strided_slice %get3A_18 {offsets = [0, 0, 0], sizes = [1, 64, 64], strides = [1, 1, 1]} : vector<32x64x64xf32> to vector<1x64x64xf32>
    %squeeze3A_29 = vector.shape_cast %slice3A_28 : vector<1x64x64xf32> to vector<64x64xf32>
    %sub3A = arith.subf %squeeze3A_29, %dot_general3A_25 : vector<64x64xf32>
    %mul3A = arith.mulf %dot_general3A_27, %sub3A : vector<64x64xf32>
    %mul3A_30 = arith.mulf %mul3A, %sub3A : vector<64x64xf32>
    %reduce_sum3A = vector.shape_cast %mul3A_30 : vector<64x64xf32> to vector<1x64x64xf32>
    %reduce_sum3A_31 = arith.constant dense<0.000000e+00> : vector<1xf32>
    %reduce_sum3A_32 = vector.multi_reduction <add>, %reduce_sum3A, %reduce_sum3A_31 [1, 2] : vector<1x64x64xf32> to vector<1xf32>
    %reduce_sum3A_33 = vector.shape_cast %reduce_sum3A_32 : vector<1xf32> to vector<1x1x1xf32>
    %reduce_sum3A_34 = vector.extract %reduce_sum3A_33[0, 0, 0] : f32 from vector<1x1x1xf32>
    %add3A = arith.constant 0.000000e+00 : f32
    %add3A_35 = arith.addf %add3A, %reduce_sum3A_34 : f32
    %slice3A_36 = vector.extract_strided_slice %get3A_10 {offsets = [2, 0, 0], sizes = [1, 128, 128], strides = [1, 1, 1]} : vector<64x128x128xf32> to vector<1x128x128xf32>
    %squeeze3A_37 = vector.shape_cast %slice3A_36 : vector<1x128x128xf32> to vector<128x128xf32>
    %mul3A_38 = arith.constant 0.967741966 : f32
    %mul3A_39 = vector.broadcast %mul3A_38 : f32 to vector<128x128xf32>
    %mul3A_40 = arith.mulf %squeeze3A_37, %mul3A_39 : vector<128x128xf32>
    %slice3A_41 = vector.extract_strided_slice %get3A_10 {offsets = [3, 0, 0], sizes = [1, 128, 128], strides = [1, 1, 1]} : vector<64x128x128xf32> to vector<1x128x128xf32>
    %squeeze3A_42 = vector.shape_cast %slice3A_41 : vector<1x128x128xf32> to vector<128x128xf32>
    %mul3A_43 = arith.constant 0.0322580338 : f32
    %mul3A_44 = vector.broadcast %mul3A_43 : f32 to vector<128x128xf32>
    %mul3A_45 = arith.mulf %squeeze3A_42, %mul3A_44 : vector<128x128xf32>
    %add3A_46 = arith.addf %mul3A_40, %mul3A_45 : vector<128x128xf32>
    %slice3A_47 = vector.extract_strided_slice %get3A_14 {offsets = [2, 0, 0], sizes = [1, 128, 128], strides = [1, 1, 1]} : vector<64x128x128xf32> to vector<1x128x128xf32>
    %squeeze3A_48 = vector.shape_cast %slice3A_47 : vector<1x128x128xf32> to vector<128x128xf32>
    %mul3A_49 = arith.constant 0.967741966 : f32
    %mul3A_50 = vector.broadcast %mul3A_49 : f32 to vector<128x128xf32>
    %mul3A_51 = arith.mulf %squeeze3A_48, %mul3A_50 : vector<128x128xf32>
    %slice3A_52 = vector.extract_strided_slice %get3A_14 {offsets = [3, 0, 0], sizes = [1, 128, 128], strides = [1, 1, 1]} : vector<64x128x128xf32> to vector<1x128x128xf32>
    %squeeze3A_53 = vector.shape_cast %slice3A_52 : vector<1x128x128xf32> to vector<128x128xf32>
    %mul3A_54 = arith.constant 0.0322580338 : f32
    %mul3A_55 = vector.broadcast %mul3A_54 : f32 to vector<128x128xf32>
    %mul3A_56 = arith.mulf %squeeze3A_53, %mul3A_55 : vector<128x128xf32>
    %add3A_57 = arith.addf %mul3A_51, %mul3A_56 : vector<128x128xf32>
    %dot_general3A_58 = arith.constant dense<0.000000e+00> : vector<128x64xf32>
    %dot_general3A_59 = tpu.matmul %add3A_46, %get3A_6, %dot_general3A_58 {dimension_numbers = #tpu.dot_dimension_numbers<[1], [0], [0], [1], [0, 0, 1, 1], [], []>, transpose_lhs_hint = false} : vector<128x128xf32>, vector<128x64xf32>, vector<128x64xf32> -> vector<128x64xf32>
    %dot_general3A_60 = arith.constant dense<0.000000e+00> : vector<128x64xf32>
    %dot_general3A_61 = tpu.matmul %add3A_57, %get3A_6, %dot_general3A_60 {dimension_numbers = #tpu.dot_dimension_numbers<[1], [0], [0], [1], [0, 0, 1, 1], [], []>, transpose_lhs_hint = false} : vector<128x128xf32>, vector<128x64xf32>, vector<128x64xf32> -> vector<128x64xf32>
    %dot_general3A_62 = arith.constant dense<0.000000e+00> : vector<64x64xf32>
    %dot_general3A_63 = tpu.matmul %get3A_3, %dot_general3A_59, %dot_general3A_62 {dimension_numbers = #tpu.dot_dimension_numbers<[1], [0], [0], [1], [0, 0, 1, 1], [], []>, transpose_lhs_hint = false} : vector<64x128xf32>, vector<128x64xf32>, vector<64x64xf32> -> vector<64x64xf32>
    %dot_general3A_64 = arith.constant dense<0.000000e+00> : vector<64x64xf32>
    %dot_general3A_65 = tpu.matmul %get3A_3, %dot_general3A_61, %dot_general3A_64 {dimension_numbers = #tpu.dot_dimension_numbers<[1], [0], [0], [1], [0, 0, 1, 1], [], []>, transpose_lhs_hint = false} : vector<64x128xf32>, vector<128x64xf32>, vector<64x64xf32> -> vector<64x64xf32>
    %slice3A_66 = vector.extract_strided_slice %get3A_18 {offsets = [1, 0, 0], sizes = [1, 64, 64], strides = [1, 1, 1]} : vector<32x64x64xf32> to vector<1x64x64xf32>
    %squeeze3A_67 = vector.shape_cast %slice3A_66 : vector<1x64x64xf32> to vector<64x64xf32>
    %sub3A_68 = arith.subf %squeeze3A_67, %dot_general3A_63 : vector<64x64xf32>
    %mul3A_69 = arith.mulf %dot_general3A_65, %sub3A_68 : vector<64x64xf32>
    %mul3A_70 = arith.mulf %mul3A_69, %sub3A_68 : vector<64x64xf32>
    %reduce_sum3A_71 = vector.shape_cast %mul3A_70 : vector<64x64xf32> to vector<1x64x64xf32>
    %reduce_sum3A_72 = arith.constant dense<0.000000e+00> : vector<1xf32>
    %reduce_sum3A_73 = vector.multi_reduction <add>, %reduce_sum3A_71, %reduce_sum3A_72 [1, 2] : vector<1x64x64xf32> to vector<1xf32>
    %reduce_sum3A_74 = vector.shape_cast %reduce_sum3A_73 : vector<1xf32> to vector<1x1x1xf32>
    %reduce_sum3A_75 = vector.extract %reduce_sum3A_74[0, 0, 0] : f32 from vector<1x1x1xf32>
    %add3A_76 = arith.addf %add3A_35, %reduce_sum3A_75 : f32
    %slice3A_77 = vector.extract_strided_slice %get3A_10 {offsets = [4, 0, 0], sizes = [1, 128, 128], strides = [1, 1, 1]} : vector<64x128x128xf32> to vector<1x128x128xf32>
    %squeeze3A_78 = vector.shape_cast %slice3A_77 : vector<1x128x128xf32> to vector<128x128xf32>
    %mul3A_79 = arith.constant 0.935483932 : f32
    %mul3A_80 = vector.broadcast %mul3A_79 : f32 to vector<128x128xf32>
    %mul3A_81 = arith.mulf %squeeze3A_78, %mul3A_80 : vector<128x128xf32>
    %slice3A_82 = vector.extract_strided_slice %get3A_10 {offsets = [5, 0, 0], sizes = [1, 128, 128], strides = [1, 1, 1]} : vector<64x128x128xf32> to vector<1x128x128xf32>
    %squeeze3A_83 = vector.shape_cast %slice3A_82 : vector<1x128x128xf32> to vector<128x128xf32>
    %mul3A_84 = arith.constant 0.0645160675 : f32
    %mul3A_85 = vector.broadcast %mul3A_84 : f32 to vector<128x128xf32>
    %mul3A_86 = arith.mulf %squeeze3A_83, %mul3A_85 : vector<128x128xf32>
    %add3A_87 = arith.addf %mul3A_81, %mul3A_86 : vector<128x128xf32>
    %slice3A_88 = vector.extract_strided_slice %get3A_14 {offsets = [4, 0, 0], sizes = [1, 128, 128], strides = [1, 1, 1]} : vector<64x128x128xf32> to vector<1x128x128xf32>
    %squeeze3A_89 = vector.shape_cast %slice3A_88 : vector<1x128x128xf32> to vector<128x128xf32>
    %mul3A_90 = arith.constant 0.935483932 : f32
    %mul3A_91 = vector.broadcast %mul3A_90 : f32 to vector<128x128xf32>
    %mul3A_92 = arith.mulf %squeeze3A_89, %mul3A_91 : vector<128x128xf32>
    %slice3A_93 = vector.extract_strided_slice %get3A_14 {offsets = [5, 0, 0], sizes = [1, 128, 128], strides = [1, 1, 1]} : vector<64x128x128xf32> to vector<1x128x128xf32>
    %squeeze3A_94 = vector.shape_cast %slice3A_93 : vector<1x128x128xf32> to vector<128x128xf32>
    %mul3A_95 = arith.constant 0.0645160675 : f32
    %mul3A_96 = vector.broadcast %mul3A_95 : f32 to vector<128x128xf32>
    %mul3A_97 = arith.mulf %squeeze3A_94, %mul3A_96 : vector<128x128xf32>
    %add3A_98 = arith.addf %mul3A_92, %mul3A_97 : vector<128x128xf32>
    %dot_general3A_99 = arith.constant dense<0.000000e+00> : vector<128x64xf32>
    %dot_general3A_100 = tpu.matmul %add3A_87, %get3A_6, %dot_general3A_99 {dimension_numbers = #tpu.dot_dimension_numbers<[1], [0], [0], [1], [0, 0, 1, 1], [], []>, transpose_lhs_hint = false} : vector<128x128xf32>, vector<128x64xf32>, vector<128x64xf32> -> vector<128x64xf32>
    %dot_general3A_101 = arith.constant dense<0.000000e+00> : vector<128x64xf32>
    %dot_general3A_102 = tpu.matmul %add3A_98, %get3A_6, %dot_general3A_101 {dimension_numbers = #tpu.dot_dimension_numbers<[1], [0], [0], [1], [0, 0, 1, 1], [], []>, transpose_lhs_hint = false} : vector<128x128xf32>, vector<128x64xf32>, vector<128x64xf32> -> vector<128x64xf32>
    %dot_general3A_103 = arith.constant dense<0.000000e+00> : vector<64x64xf32>
    %dot_general3A_104 = tpu.matmul %get3A_3, %dot_general3A_100, %dot_general3A_103 {dimension_numbers = #tpu.dot_dimension_numbers<[1], [0], [0], [1], [0, 0, 1, 1], [], []>, transpose_lhs_hint = false} : vector<64x128xf32>, vector<128x64xf32>, vector<64x64xf32> -> vector<64x64xf32>
    %dot_general3A_105 = arith.constant dense<0.000000e+00> : vector<64x64xf32>
    %dot_general3A_106 = tpu.matmul %get3A_3, %dot_general3A_102, %dot_general3A_105 {dimension_numbers = #tpu.dot_dimension_numbers<[1], [0], [0], [1], [0, 0, 1, 1], [], []>, transpose_lhs_hint = false} : vector<64x128xf32>, vector<128x64xf32>, vector<64x64xf32> -> vector<64x64xf32>
    %slice3A_107 = vector.extract_strided_slice %get3A_18 {offsets = [2, 0, 0], sizes = [1, 64, 64], strides = [1, 1, 1]} : vector<32x64x64xf32> to vector<1x64x64xf32>
    %squeeze3A_108 = vector.shape_cast %slice3A_107 : vector<1x64x64xf32> to vector<64x64xf32>
    %sub3A_109 = arith.subf %squeeze3A_108, %dot_general3A_104 : vector<64x64xf32>
    %mul3A_110 = arith.mulf %dot_general3A_106, %sub3A_109 : vector<64x64xf32>
    %mul3A_111 = arith.mulf %mul3A_110, %sub3A_109 : vector<64x64xf32>
    %reduce_sum3A_112 = vector.shape_cast %mul3A_111 : vector<64x64xf32> to vector<1x64x64xf32>
    %reduce_sum3A_113 = arith.constant dense<0.000000e+00> : vector<1xf32>
    %reduce_sum3A_114 = vector.multi_reduction <add>, %reduce_sum3A_112, %reduce_sum3A_113 [1, 2] : vector<1x64x64xf32> to vector<1xf32>
    %reduce_sum3A_115 = vector.shape_cast %reduce_sum3A_114 : vector<1xf32> to vector<1x1x1xf32>
    %reduce_sum3A_116 = vector.extract %reduce_sum3A_115[0, 0, 0] : f32 from vector<1x1x1xf32>
    %add3A_117 = arith.addf %add3A_76, %reduce_sum3A_116 : f32
    %slice3A_118 = vector.extract_strided_slice %get3A_10 {offsets = [6, 0, 0], sizes = [1, 128, 128], strides = [1, 1, 1]} : vector<64x128x128xf32> to vector<1x128x128xf32>
    %squeeze3A_119 = vector.shape_cast %slice3A_118 : vector<1x128x128xf32> to vector<128x128xf32>
    %mul3A_120 = arith.constant 0.903225898 : f32
    %mul3A_121 = vector.broadcast %mul3A_120 : f32 to vector<128x128xf32>
    %mul3A_122 = arith.mulf %squeeze3A_119, %mul3A_121 : vector<128x128xf32>
    %slice3A_123 = vector.extract_strided_slice %get3A_10 {offsets = [7, 0, 0], sizes = [1, 128, 128], strides = [1, 1, 1]} : vector<64x128x128xf32> to vector<1x128x128xf32>
    %squeeze3A_124 = vector.shape_cast %slice3A_123 : vector<1x128x128xf32> to vector<128x128xf32>
    %mul3A_125 = arith.constant 9.677410e-02 : f32
    %mul3A_126 = vector.broadcast %mul3A_125 : f32 to vector<128x128xf32>
    %mul3A_127 = arith.mulf %squeeze3A_124, %mul3A_126 : vector<128x128xf32>
    %add3A_128 = arith.addf %mul3A_122, %mul3A_127 : vector<128x128xf32>
    %slice3A_129 = vector.extract_strided_slice %get3A_14 {offsets = [6, 0, 0], sizes = [1, 128, 128], strides = [1, 1, 1]} : vector<64x128x128xf32> to vector<1x128x128xf32>
    %squeeze3A_130 = vector.shape_cast %slice3A_129 : vector<1x128x128xf32> to vector<128x128xf32>
    %mul3A_131 = arith.constant 0.903225898 : f32
    %mul3A_132 = vector.broadcast %mul3A_131 : f32 to vector<128x128xf32>
    %mul3A_133 = arith.mulf %squeeze3A_130, %mul3A_132 : vector<128x128xf32>
    %slice3A_134 = vector.extract_strided_slice %get3A_14 {offsets = [7, 0, 0], sizes = [1, 128, 128], strides = [1, 1, 1]} : vector<64x128x128xf32> to vector<1x128x128xf32>
    %squeeze3A_135 = vector.shape_cast %slice3A_134 : vector<1x128x128xf32> to vector<128x128xf32>
    %mul3A_136 = arith.constant 9.677410e-02 : f32
    %mul3A_137 = vector.broadcast %mul3A_136 : f32 to vector<128x128xf32>
    %mul3A_138 = arith.mulf %squeeze3A_135, %mul3A_137 : vector<128x128xf32>
    %add3A_139 = arith.addf %mul3A_133, %mul3A_138 : vector<128x128xf32>
    %dot_general3A_140 = arith.constant dense<0.000000e+00> : vector<128x64xf32>
    %dot_general3A_141 = tpu.matmul %add3A_128, %get3A_6, %dot_general3A_140 {dimension_numbers = #tpu.dot_dimension_numbers<[1], [0], [0], [1], [0, 0, 1, 1], [], []>, transpose_lhs_hint = false} : vector<128x128xf32>, vector<128x64xf32>, vector<128x64xf32> -> vector<128x64xf32>
    %dot_general3A_142 = arith.constant dense<0.000000e+00> : vector<128x64xf32>
    %dot_general3A_143 = tpu.matmul %add3A_139, %get3A_6, %dot_general3A_142 {dimension_numbers = #tpu.dot_dimension_numbers<[1], [0], [0], [1], [0, 0, 1, 1], [], []>, transpose_lhs_hint = false} : vector<128x128xf32>, vector<128x64xf32>, vector<128x64xf32> -> vector<128x64xf32>
    %dot_general3A_144 = arith.constant dense<0.000000e+00> : vector<64x64xf32>
    %dot_general3A_145 = tpu.matmul %get3A_3, %dot_general3A_141, %dot_general3A_144 {dimension_numbers = #tpu.dot_dimension_numbers<[1], [0], [0], [1], [0, 0, 1, 1], [], []>, transpose_lhs_hint = false} : vector<64x128xf32>, vector<128x64xf32>, vector<64x64xf32> -> vector<64x64xf32>
    %dot_general3A_146 = arith.constant dense<0.000000e+00> : vector<64x64xf32>
    %dot_general3A_147 = tpu.matmul %get3A_3, %dot_general3A_143, %dot_general3A_146 {dimension_numbers = #tpu.dot_dimension_numbers<[1], [0], [0], [1], [0, 0, 1, 1], [], []>, transpose_lhs_hint = false} : vector<64x128xf32>, vector<128x64xf32>, vector<64x64xf32> -> vector<64x64xf32>
    %slice3A_148 = vector.extract_strided_slice %get3A_18 {offsets = [3, 0, 0], sizes = [1, 64, 64], strides = [1, 1, 1]} : vector<32x64x64xf32> to vector<1x64x64xf32>
    %squeeze3A_149 = vector.shape_cast %slice3A_148 : vector<1x64x64xf32> to vector<64x64xf32>
    %sub3A_150 = arith.subf %squeeze3A_149, %dot_general3A_145 : vector<64x64xf32>
    %mul3A_151 = arith.mulf %dot_general3A_147, %sub3A_150 : vector<64x64xf32>
    %mul3A_152 = arith.mulf %mul3A_151, %sub3A_150 : vector<64x64xf32>
    %reduce_sum3A_153 = vector.shape_cast %mul3A_152 : vector<64x64xf32> to vector<1x64x64xf32>
    %reduce_sum3A_154 = arith.constant dense<0.000000e+00> : vector<1xf32>
    %reduce_sum3A_155 = vector.multi_reduction <add>, %reduce_sum3A_153, %reduce_sum3A_154 [1, 2] : vector<1x64x64xf32> to vector<1xf32>
    %reduce_sum3A_156 = vector.shape_cast %reduce_sum3A_155 : vector<1xf32> to vector<1x1x1xf32>
    %reduce_sum3A_157 = vector.extract %reduce_sum3A_156[0, 0, 0] : f32 from vector<1x1x1xf32>
    %add3A_158 = arith.addf %add3A_117, %reduce_sum3A_157 : f32
    %slice3A_159 = vector.extract_strided_slice %get3A_10 {offsets = [8, 0, 0], sizes = [1, 128, 128], strides = [1, 1, 1]} : vector<64x128x128xf32> to vector<1x128x128xf32>
    %squeeze3A_160 = vector.shape_cast %slice3A_159 : vector<1x128x128xf32> to vector<128x128xf32>
    %mul3A_161 = arith.constant 0.870967864 : f32
    %mul3A_162 = vector.broadcast %mul3A_161 : f32 to vector<128x128xf32>
    %mul3A_163 = arith.mulf %squeeze3A_160, %mul3A_162 : vector<128x128xf32>
    %slice3A_164 = vector.extract_strided_slice %get3A_10 {offsets = [9, 0, 0], sizes = [1, 128, 128], strides = [1, 1, 1]} : vector<64x128x128xf32> to vector<1x128x128xf32>
    %squeeze3A_165 = vector.shape_cast %slice3A_164 : vector<1x128x128xf32> to vector<128x128xf32>
    %mul3A_166 = arith.constant 0.129032135 : f32
    %mul3A_167 = vector.broadcast %mul3A_166 : f32 to vector<128x128xf32>
    %mul3A_168 = arith.mulf %squeeze3A_165, %mul3A_167 : vector<128x128xf32>
    %add3A_169 = arith.addf %mul3A_163, %mul3A_168 : vector<128x128xf32>
    %slice3A_170 = vector.extract_strided_slice %get3A_14 {offsets = [8, 0, 0], sizes = [1, 128, 128], strides = [1, 1, 1]} : vector<64x128x128xf32> to vector<1x128x128xf32>
    %squeeze3A_171 = vector.shape_cast %slice3A_170 : vector<1x128x128xf32> to vector<128x128xf32>
    %mul3A_172 = arith.constant 0.870967864 : f32
    %mul3A_173 = vector.broadcast %mul3A_172 : f32 to vector<128x128xf32>
    %mul3A_174 = arith.mulf %squeeze3A_171, %mul3A_173 : vector<128x128xf32>
    %slice3A_175 = vector.extract_strided_slice %get3A_14 {offsets = [9, 0, 0], sizes = [1, 128, 128], strides = [1, 1, 1]} : vector<64x128x128xf32> to vector<1x128x128xf32>
    %squeeze3A_176 = vector.shape_cast %slice3A_175 : vector<1x128x128xf32> to vector<128x128xf32>
    %mul3A_177 = arith.constant 0.129032135 : f32
    %mul3A_178 = vector.broadcast %mul3A_177 : f32 to vector<128x128xf32>
    %mul3A_179 = arith.mulf %squeeze3A_176, %mul3A_178 : vector<128x128xf32>
    %add3A_180 = arith.addf %mul3A_174, %mul3A_179 : vector<128x128xf32>
    %dot_general3A_181 = arith.constant dense<0.000000e+00> : vector<128x64xf32>
    %dot_general3A_182 = tpu.matmul %add3A_169, %get3A_6, %dot_general3A_181 {dimension_numbers = #tpu.dot_dimension_numbers<[1], [0], [0], [1], [0, 0, 1, 1], [], []>, transpose_lhs_hint = false} : vector<128x128xf32>, vector<128x64xf32>, vector<128x64xf32> -> vector<128x64xf32>
    %dot_general3A_183 = arith.constant dense<0.000000e+00> : vector<128x64xf32>
    %dot_general3A_184 = tpu.matmul %add3A_180, %get3A_6, %dot_general3A_183 {dimension_numbers = #tpu.dot_dimension_numbers<[1], [0], [0], [1], [0, 0, 1, 1], [], []>, transpose_lhs_hint = false} : vector<128x128xf32>, vector<128x64xf32>, vector<128x64xf32> -> vector<128x64xf32>
    %dot_general3A_185 = arith.constant dense<0.000000e+00> : vector<64x64xf32>
    %dot_general3A_186 = tpu.matmul %get3A_3, %dot_general3A_182, %dot_general3A_185 {dimension_numbers = #tpu.dot_dimension_numbers<[1], [0], [0], [1], [0, 0, 1, 1], [], []>, transpose_lhs_hint = false} : vector<64x128xf32>, vector<128x64xf32>, vector<64x64xf32> -> vector<64x64xf32>
    %dot_general3A_187 = arith.constant dense<0.000000e+00> : vector<64x64xf32>
    %dot_general3A_188 = tpu.matmul %get3A_3, %dot_general3A_184, %dot_general3A_187 {dimension_numbers = #tpu.dot_dimension_numbers<[1], [0], [0], [1], [0, 0, 1, 1], [], []>, transpose_lhs_hint = false} : vector<64x128xf32>, vector<128x64xf32>, vector<64x64xf32> -> vector<64x64xf32>
    %slice3A_189 = vector.extract_strided_slice %get3A_18 {offsets = [4, 0, 0], sizes = [1, 64, 64], strides = [1, 1, 1]} : vector<32x64x64xf32> to vector<1x64x64xf32>
    %squeeze3A_190 = vector.shape_cast %slice3A_189 : vector<1x64x64xf32> to vector<64x64xf32>
    %sub3A_191 = arith.subf %squeeze3A_190, %dot_general3A_186 : vector<64x64xf32>
    %mul3A_192 = arith.mulf %dot_general3A_188, %sub3A_191 : vector<64x64xf32>
    %mul3A_193 = arith.mulf %mul3A_192, %sub3A_191 : vector<64x64xf32>
    %reduce_sum3A_194 = vector.shape_cast %mul3A_193 : vector<64x64xf32> to vector<1x64x64xf32>
    %reduce_sum3A_195 = arith.constant dense<0.000000e+00> : vector<1xf32>
    %reduce_sum3A_196 = vector.multi_reduction <add>, %reduce_sum3A_194, %reduce_sum3A_195 [1, 2] : vector<1x64x64xf32> to vector<1xf32>
    %reduce_sum3A_197 = vector.shape_cast %reduce_sum3A_196 : vector<1xf32> to vector<1x1x1xf32>
    %reduce_sum3A_198 = vector.extract %reduce_sum3A_197[0, 0, 0] : f32 from vector<1x1x1xf32>
    %add3A_199 = arith.addf %add3A_158, %reduce_sum3A_198 : f32
    %slice3A_200 = vector.extract_strided_slice %get3A_10 {offsets = [10, 0, 0], sizes = [1, 128, 128], strides = [1, 1, 1]} : vector<64x128x128xf32> to vector<1x128x128xf32>
    %squeeze3A_201 = vector.shape_cast %slice3A_200 : vector<1x128x128xf32> to vector<128x128xf32>
    %mul3A_202 = arith.constant 0.838709831 : f32
    %mul3A_203 = vector.broadcast %mul3A_202 : f32 to vector<128x128xf32>
    %mul3A_204 = arith.mulf %squeeze3A_201, %mul3A_203 : vector<128x128xf32>
    %slice3A_205 = vector.extract_strided_slice %get3A_10 {offsets = [11, 0, 0], sizes = [1, 128, 128], strides = [1, 1, 1]} : vector<64x128x128xf32> to vector<1x128x128xf32>
    %squeeze3A_206 = vector.shape_cast %slice3A_205 : vector<1x128x128xf32> to vector<128x128xf32>
    %mul3A_207 = arith.constant 0.161290169 : f32
    %mul3A_208 = vector.broadcast %mul3A_207 : f32 to vector<128x128xf32>
    %mul3A_209 = arith.mulf %squeeze3A_206, %mul3A_208 : vector<128x128xf32>
    %add3A_210 = arith.addf %mul3A_204, %mul3A_209 : vector<128x128xf32>
    %slice3A_211 = vector.extract_strided_slice %get3A_14 {offsets = [10, 0, 0], sizes = [1, 128, 128], strides = [1, 1, 1]} : vector<64x128x128xf32> to vector<1x128x128xf32>
    %squeeze3A_212 = vector.shape_cast %slice3A_211 : vector<1x128x128xf32> to vector<128x128xf32>
    %mul3A_213 = arith.constant 0.838709831 : f32
    %mul3A_214 = vector.broadcast %mul3A_213 : f32 to vector<128x128xf32>
    %mul3A_215 = arith.mulf %squeeze3A_212, %mul3A_214 : vector<128x128xf32>
    %slice3A_216 = vector.extract_strided_slice %get3A_14 {offsets = [11, 0, 0], sizes = [1, 128, 128], strides = [1, 1, 1]} : vector<64x128x128xf32> to vector<1x128x128xf32>
    %squeeze3A_217 = vector.shape_cast %slice3A_216 : vector<1x128x128xf32> to vector<128x128xf32>
    %mul3A_218 = arith.constant 0.161290169 : f32
    %mul3A_219 = vector.broadcast %mul3A_218 : f32 to vector<128x128xf32>
    %mul3A_220 = arith.mulf %squeeze3A_217, %mul3A_219 : vector<128x128xf32>
    %add3A_221 = arith.addf %mul3A_215, %mul3A_220 : vector<128x128xf32>
    %dot_general3A_222 = arith.constant dense<0.000000e+00> : vector<128x64xf32>
    %dot_general3A_223 = tpu.matmul %add3A_210, %get3A_6, %dot_general3A_222 {dimension_numbers = #tpu.dot_dimension_numbers<[1], [0], [0], [1], [0, 0, 1, 1], [], []>, transpose_lhs_hint = false} : vector<128x128xf32>, vector<128x64xf32>, vector<128x64xf32> -> vector<128x64xf32>
    %dot_general3A_224 = arith.constant dense<0.000000e+00> : vector<128x64xf32>
    %dot_general3A_225 = tpu.matmul %add3A_221, %get3A_6, %dot_general3A_224 {dimension_numbers = #tpu.dot_dimension_numbers<[1], [0], [0], [1], [0, 0, 1, 1], [], []>, transpose_lhs_hint = false} : vector<128x128xf32>, vector<128x64xf32>, vector<128x64xf32> -> vector<128x64xf32>
    %dot_general3A_226 = arith.constant dense<0.000000e+00> : vector<64x64xf32>
    %dot_general3A_227 = tpu.matmul %get3A_3, %dot_general3A_223, %dot_general3A_226 {dimension_numbers = #tpu.dot_dimension_numbers<[1], [0], [0], [1], [0, 0, 1, 1], [], []>, transpose_lhs_hint = false} : vector<64x128xf32>, vector<128x64xf32>, vector<64x64xf32> -> vector<64x64xf32>
    %dot_general3A_228 = arith.constant dense<0.000000e+00> : vector<64x64xf32>
    %dot_general3A_229 = tpu.matmul %get3A_3, %dot_general3A_225, %dot_general3A_228 {dimension_numbers = #tpu.dot_dimension_numbers<[1], [0], [0], [1], [0, 0, 1, 1], [], []>, transpose_lhs_hint = false} : vector<64x128xf32>, vector<128x64xf32>, vector<64x64xf32> -> vector<64x64xf32>
    %slice3A_230 = vector.extract_strided_slice %get3A_18 {offsets = [5, 0, 0], sizes = [1, 64, 64], strides = [1, 1, 1]} : vector<32x64x64xf32> to vector<1x64x64xf32>
    %squeeze3A_231 = vector.shape_cast %slice3A_230 : vector<1x64x64xf32> to vector<64x64xf32>
    %sub3A_232 = arith.subf %squeeze3A_231, %dot_general3A_227 : vector<64x64xf32>
    %mul3A_233 = arith.mulf %dot_general3A_229, %sub3A_232 : vector<64x64xf32>
    %mul3A_234 = arith.mulf %mul3A_233, %sub3A_232 : vector<64x64xf32>
    %reduce_sum3A_235 = vector.shape_cast %mul3A_234 : vector<64x64xf32> to vector<1x64x64xf32>
    %reduce_sum3A_236 = arith.constant dense<0.000000e+00> : vector<1xf32>
    %reduce_sum3A_237 = vector.multi_reduction <add>, %reduce_sum3A_235, %reduce_sum3A_236 [1, 2] : vector<1x64x64xf32> to vector<1xf32>
    %reduce_sum3A_238 = vector.shape_cast %reduce_sum3A_237 : vector<1xf32> to vector<1x1x1xf32>
    %reduce_sum3A_239 = vector.extract %reduce_sum3A_238[0, 0, 0] : f32 from vector<1x1x1xf32>
    %add3A_240 = arith.addf %add3A_199, %reduce_sum3A_239 : f32
    %slice3A_241 = vector.extract_strided_slice %get3A_10 {offsets = [12, 0, 0], sizes = [1, 128, 128], strides = [1, 1, 1]} : vector<64x128x128xf32> to vector<1x128x128xf32>
    %squeeze3A_242 = vector.shape_cast %slice3A_241 : vector<1x128x128xf32> to vector<128x128xf32>
    %mul3A_243 = arith.constant 0.806451797 : f32
    %mul3A_244 = vector.broadcast %mul3A_243 : f32 to vector<128x128xf32>
    %mul3A_245 = arith.mulf %squeeze3A_242, %mul3A_244 : vector<128x128xf32>
    %slice3A_246 = vector.extract_strided_slice %get3A_10 {offsets = [13, 0, 0], sizes = [1, 128, 128], strides = [1, 1, 1]} : vector<64x128x128xf32> to vector<1x128x128xf32>
    %squeeze3A_247 = vector.shape_cast %slice3A_246 : vector<1x128x128xf32> to vector<128x128xf32>
    %mul3A_248 = arith.constant 0.193548203 : f32
    %mul3A_249 = vector.broadcast %mul3A_248 : f32 to vector<128x128xf32>
    %mul3A_250 = arith.mulf %squeeze3A_247, %mul3A_249 : vector<128x128xf32>
    %add3A_251 = arith.addf %mul3A_245, %mul3A_250 : vector<128x128xf32>
    %slice3A_252 = vector.extract_strided_slice %get3A_14 {offsets = [12, 0, 0], sizes = [1, 128, 128], strides = [1, 1, 1]} : vector<64x128x128xf32> to vector<1x128x128xf32>
    %squeeze3A_253 = vector.shape_cast %slice3A_252 : vector<1x128x128xf32> to vector<128x128xf32>
    %mul3A_254 = arith.constant 0.806451797 : f32
    %mul3A_255 = vector.broadcast %mul3A_254 : f32 to vector<128x128xf32>
    %mul3A_256 = arith.mulf %squeeze3A_253, %mul3A_255 : vector<128x128xf32>
    %slice3A_257 = vector.extract_strided_slice %get3A_14 {offsets = [13, 0, 0], sizes = [1, 128, 128], strides = [1, 1, 1]} : vector<64x128x128xf32> to vector<1x128x128xf32>
    %squeeze3A_258 = vector.shape_cast %slice3A_257 : vector<1x128x128xf32> to vector<128x128xf32>
    %mul3A_259 = arith.constant 0.193548203 : f32
    %mul3A_260 = vector.broadcast %mul3A_259 : f32 to vector<128x128xf32>
    %mul3A_261 = arith.mulf %squeeze3A_258, %mul3A_260 : vector<128x128xf32>
    %add3A_262 = arith.addf %mul3A_256, %mul3A_261 : vector<128x128xf32>
    %dot_general3A_263 = arith.constant dense<0.000000e+00> : vector<128x64xf32>
    %dot_general3A_264 = tpu.matmul %add3A_251, %get3A_6, %dot_general3A_263 {dimension_numbers = #tpu.dot_dimension_numbers<[1], [0], [0], [1], [0, 0, 1, 1], [], []>, transpose_lhs_hint = false} : vector<128x128xf32>, vector<128x64xf32>, vector<128x64xf32> -> vector<128x64xf32>
    %dot_general3A_265 = arith.constant dense<0.000000e+00> : vector<128x64xf32>
    %dot_general3A_266 = tpu.matmul %add3A_262, %get3A_6, %dot_general3A_265 {dimension_numbers = #tpu.dot_dimension_numbers<[1], [0], [0], [1], [0, 0, 1, 1], [], []>, transpose_lhs_hint = false} : vector<128x128xf32>, vector<128x64xf32>, vector<128x64xf32> -> vector<128x64xf32>
    %dot_general3A_267 = arith.constant dense<0.000000e+00> : vector<64x64xf32>
    %dot_general3A_268 = tpu.matmul %get3A_3, %dot_general3A_264, %dot_general3A_267 {dimension_numbers = #tpu.dot_dimension_numbers<[1], [0], [0], [1], [0, 0, 1, 1], [], []>, transpose_lhs_hint = false} : vector<64x128xf32>, vector<128x64xf32>, vector<64x64xf32> -> vector<64x64xf32>
    %dot_general3A_269 = arith.constant dense<0.000000e+00> : vector<64x64xf32>
    %dot_general3A_270 = tpu.matmul %get3A_3, %dot_general3A_266, %dot_general3A_269 {dimension_numbers = #tpu.dot_dimension_numbers<[1], [0], [0], [1], [0, 0, 1, 1], [], []>, transpose_lhs_hint = false} : vector<64x128xf32>, vector<128x64xf32>, vector<64x64xf32> -> vector<64x64xf32>
    %slice3A_271 = vector.extract_strided_slice %get3A_18 {offsets = [6, 0, 0], sizes = [1, 64, 64], strides = [1, 1, 1]} : vector<32x64x64xf32> to vector<1x64x64xf32>
    %squeeze3A_272 = vector.shape_cast %slice3A_271 : vector<1x64x64xf32> to vector<64x64xf32>
    %sub3A_273 = arith.subf %squeeze3A_272, %dot_general3A_268 : vector<64x64xf32>
    %mul3A_274 = arith.mulf %dot_general3A_270, %sub3A_273 : vector<64x64xf32>
    %mul3A_275 = arith.mulf %mul3A_274, %sub3A_273 : vector<64x64xf32>
    %reduce_sum3A_276 = vector.shape_cast %mul3A_275 : vector<64x64xf32> to vector<1x64x64xf32>
    %reduce_sum3A_277 = arith.constant dense<0.000000e+00> : vector<1xf32>
    %reduce_sum3A_278 = vector.multi_reduction <add>, %reduce_sum3A_276, %reduce_sum3A_277 [1, 2] : vector<1x64x64xf32> to vector<1xf32>
    %reduce_sum3A_279 = vector.shape_cast %reduce_sum3A_278 : vector<1xf32> to vector<1x1x1xf32>
    %reduce_sum3A_280 = vector.extract %reduce_sum3A_279[0, 0, 0] : f32 from vector<1x1x1xf32>
    %add3A_281 = arith.addf %add3A_240, %reduce_sum3A_280 : f32
    %slice3A_282 = vector.extract_strided_slice %get3A_10 {offsets = [14, 0, 0], sizes = [1, 128, 128], strides = [1, 1, 1]} : vector<64x128x128xf32> to vector<1x128x128xf32>
    %squeeze3A_283 = vector.shape_cast %slice3A_282 : vector<1x128x128xf32> to vector<128x128xf32>
    %mul3A_284 = arith.constant 0.774193763 : f32
    %mul3A_285 = vector.broadcast %mul3A_284 : f32 to vector<128x128xf32>
    %mul3A_286 = arith.mulf %squeeze3A_283, %mul3A_285 : vector<128x128xf32>
    %slice3A_287 = vector.extract_strided_slice %get3A_10 {offsets = [15, 0, 0], sizes = [1, 128, 128], strides = [1, 1, 1]} : vector<64x128x128xf32> to vector<1x128x128xf32>
    %squeeze3A_288 = vector.shape_cast %slice3A_287 : vector<1x128x128xf32> to vector<128x128xf32>
    %mul3A_289 = arith.constant 0.225806236 : f32
    %mul3A_290 = vector.broadcast %mul3A_289 : f32 to vector<128x128xf32>
    %mul3A_291 = arith.mulf %squeeze3A_288, %mul3A_290 : vector<128x128xf32>
    %add3A_292 = arith.addf %mul3A_286, %mul3A_291 : vector<128x128xf32>
    %slice3A_293 = vector.extract_strided_slice %get3A_14 {offsets = [14, 0, 0], sizes = [1, 128, 128], strides = [1, 1, 1]} : vector<64x128x128xf32> to vector<1x128x128xf32>
    %squeeze3A_294 = vector.shape_cast %slice3A_293 : vector<1x128x128xf32> to vector<128x128xf32>
    %mul3A_295 = arith.constant 0.774193763 : f32
    %mul3A_296 = vector.broadcast %mul3A_295 : f32 to vector<128x128xf32>
    %mul3A_297 = arith.mulf %squeeze3A_294, %mul3A_296 : vector<128x128xf32>
    %slice3A_298 = vector.extract_strided_slice %get3A_14 {offsets = [15, 0, 0], sizes = [1, 128, 128], strides = [1, 1, 1]} : vector<64x128x128xf32> to vector<1x128x128xf32>
    %squeeze3A_299 = vector.shape_cast %slice3A_298 : vector<1x128x128xf32> to vector<128x128xf32>
    %mul3A_300 = arith.constant 0.225806236 : f32
    %mul3A_301 = vector.broadcast %mul3A_300 : f32 to vector<128x128xf32>
    %mul3A_302 = arith.mulf %squeeze3A_299, %mul3A_301 : vector<128x128xf32>
    %add3A_303 = arith.addf %mul3A_297, %mul3A_302 : vector<128x128xf32>
    %dot_general3A_304 = arith.constant dense<0.000000e+00> : vector<128x64xf32>
    %dot_general3A_305 = tpu.matmul %add3A_292, %get3A_6, %dot_general3A_304 {dimension_numbers = #tpu.dot_dimension_numbers<[1], [0], [0], [1], [0, 0, 1, 1], [], []>, transpose_lhs_hint = false} : vector<128x128xf32>, vector<128x64xf32>, vector<128x64xf32> -> vector<128x64xf32>
    %dot_general3A_306 = arith.constant dense<0.000000e+00> : vector<128x64xf32>
    %dot_general3A_307 = tpu.matmul %add3A_303, %get3A_6, %dot_general3A_306 {dimension_numbers = #tpu.dot_dimension_numbers<[1], [0], [0], [1], [0, 0, 1, 1], [], []>, transpose_lhs_hint = false} : vector<128x128xf32>, vector<128x64xf32>, vector<128x64xf32> -> vector<128x64xf32>
    %dot_general3A_308 = arith.constant dense<0.000000e+00> : vector<64x64xf32>
    %dot_general3A_309 = tpu.matmul %get3A_3, %dot_general3A_305, %dot_general3A_308 {dimension_numbers = #tpu.dot_dimension_numbers<[1], [0], [0], [1], [0, 0, 1, 1], [], []>, transpose_lhs_hint = false} : vector<64x128xf32>, vector<128x64xf32>, vector<64x64xf32> -> vector<64x64xf32>
    %dot_general3A_310 = arith.constant dense<0.000000e+00> : vector<64x64xf32>
    %dot_general3A_311 = tpu.matmul %get3A_3, %dot_general3A_307, %dot_general3A_310 {dimension_numbers = #tpu.dot_dimension_numbers<[1], [0], [0], [1], [0, 0, 1, 1], [], []>, transpose_lhs_hint = false} : vector<64x128xf32>, vector<128x64xf32>, vector<64x64xf32> -> vector<64x64xf32>
    %slice3A_312 = vector.extract_strided_slice %get3A_18 {offsets = [7, 0, 0], sizes = [1, 64, 64], strides = [1, 1, 1]} : vector<32x64x64xf32> to vector<1x64x64xf32>
    %squeeze3A_313 = vector.shape_cast %slice3A_312 : vector<1x64x64xf32> to vector<64x64xf32>
    %sub3A_314 = arith.subf %squeeze3A_313, %dot_general3A_309 : vector<64x64xf32>
    %mul3A_315 = arith.mulf %dot_general3A_311, %sub3A_314 : vector<64x64xf32>
    %mul3A_316 = arith.mulf %mul3A_315, %sub3A_314 : vector<64x64xf32>
    %reduce_sum3A_317 = vector.shape_cast %mul3A_316 : vector<64x64xf32> to vector<1x64x64xf32>
    %reduce_sum3A_318 = arith.constant dense<0.000000e+00> : vector<1xf32>
    %reduce_sum3A_319 = vector.multi_reduction <add>, %reduce_sum3A_317, %reduce_sum3A_318 [1, 2] : vector<1x64x64xf32> to vector<1xf32>
    %reduce_sum3A_320 = vector.shape_cast %reduce_sum3A_319 : vector<1xf32> to vector<1x1x1xf32>
    %reduce_sum3A_321 = vector.extract %reduce_sum3A_320[0, 0, 0] : f32 from vector<1x1x1xf32>
    %add3A_322 = arith.addf %add3A_281, %reduce_sum3A_321 : f32
    %slice3A_323 = vector.extract_strided_slice %get3A_10 {offsets = [16, 0, 0], sizes = [1, 128, 128], strides = [1, 1, 1]} : vector<64x128x128xf32> to vector<1x128x128xf32>
    %squeeze3A_324 = vector.shape_cast %slice3A_323 : vector<1x128x128xf32> to vector<128x128xf32>
    %mul3A_325 = arith.constant 0.741935729 : f32
    %mul3A_326 = vector.broadcast %mul3A_325 : f32 to vector<128x128xf32>
    %mul3A_327 = arith.mulf %squeeze3A_324, %mul3A_326 : vector<128x128xf32>
    %slice3A_328 = vector.extract_strided_slice %get3A_10 {offsets = [17, 0, 0], sizes = [1, 128, 128], strides = [1, 1, 1]} : vector<64x128x128xf32> to vector<1x128x128xf32>
    %squeeze3A_329 = vector.shape_cast %slice3A_328 : vector<1x128x128xf32> to vector<128x128xf32>
    %mul3A_330 = arith.constant 0.25806427 : f32
    %mul3A_331 = vector.broadcast %mul3A_330 : f32 to vector<128x128xf32>
    %mul3A_332 = arith.mulf %squeeze3A_329, %mul3A_331 : vector<128x128xf32>
    %add3A_333 = arith.addf %mul3A_327, %mul3A_332 : vector<128x128xf32>
    %slice3A_334 = vector.extract_strided_slice %get3A_14 {offsets = [16, 0, 0], sizes = [1, 128, 128], strides = [1, 1, 1]} : vector<64x128x128xf32> to vector<1x128x128xf32>
    %squeeze3A_335 = vector.shape_cast %slice3A_334 : vector<1x128x128xf32> to vector<128x128xf32>
    %mul3A_336 = arith.constant 0.741935729 : f32
    %mul3A_337 = vector.broadcast %mul3A_336 : f32 to vector<128x128xf32>
    %mul3A_338 = arith.mulf %squeeze3A_335, %mul3A_337 : vector<128x128xf32>
    %slice3A_339 = vector.extract_strided_slice %get3A_14 {offsets = [17, 0, 0], sizes = [1, 128, 128], strides = [1, 1, 1]} : vector<64x128x128xf32> to vector<1x128x128xf32>
    %squeeze3A_340 = vector.shape_cast %slice3A_339 : vector<1x128x128xf32> to vector<128x128xf32>
    %mul3A_341 = arith.constant 0.25806427 : f32
    %mul3A_342 = vector.broadcast %mul3A_341 : f32 to vector<128x128xf32>
    %mul3A_343 = arith.mulf %squeeze3A_340, %mul3A_342 : vector<128x128xf32>
    %add3A_344 = arith.addf %mul3A_338, %mul3A_343 : vector<128x128xf32>
    %dot_general3A_345 = arith.constant dense<0.000000e+00> : vector<128x64xf32>
    %dot_general3A_346 = tpu.matmul %add3A_333, %get3A_6, %dot_general3A_345 {dimension_numbers = #tpu.dot_dimension_numbers<[1], [0], [0], [1], [0, 0, 1, 1], [], []>, transpose_lhs_hint = false} : vector<128x128xf32>, vector<128x64xf32>, vector<128x64xf32> -> vector<128x64xf32>
    %dot_general3A_347 = arith.constant dense<0.000000e+00> : vector<128x64xf32>
    %dot_general3A_348 = tpu.matmul %add3A_344, %get3A_6, %dot_general3A_347 {dimension_numbers = #tpu.dot_dimension_numbers<[1], [0], [0], [1], [0, 0, 1, 1], [], []>, transpose_lhs_hint = false} : vector<128x128xf32>, vector<128x64xf32>, vector<128x64xf32> -> vector<128x64xf32>
    %dot_general3A_349 = arith.constant dense<0.000000e+00> : vector<64x64xf32>
    %dot_general3A_350 = tpu.matmul %get3A_3, %dot_general3A_346, %dot_general3A_349 {dimension_numbers = #tpu.dot_dimension_numbers<[1], [0], [0], [1], [0, 0, 1, 1], [], []>, transpose_lhs_hint = false} : vector<64x128xf32>, vector<128x64xf32>, vector<64x64xf32> -> vector<64x64xf32>
    %dot_general3A_351 = arith.constant dense<0.000000e+00> : vector<64x64xf32>
    %dot_general3A_352 = tpu.matmul %get3A_3, %dot_general3A_348, %dot_general3A_351 {dimension_numbers = #tpu.dot_dimension_numbers<[1], [0], [0], [1], [0, 0, 1, 1], [], []>, transpose_lhs_hint = false} : vector<64x128xf32>, vector<128x64xf32>, vector<64x64xf32> -> vector<64x64xf32>
    %slice3A_353 = vector.extract_strided_slice %get3A_18 {offsets = [8, 0, 0], sizes = [1, 64, 64], strides = [1, 1, 1]} : vector<32x64x64xf32> to vector<1x64x64xf32>
    %squeeze3A_354 = vector.shape_cast %slice3A_353 : vector<1x64x64xf32> to vector<64x64xf32>
    %sub3A_355 = arith.subf %squeeze3A_354, %dot_general3A_350 : vector<64x64xf32>
    %mul3A_356 = arith.mulf %dot_general3A_352, %sub3A_355 : vector<64x64xf32>
    %mul3A_357 = arith.mulf %mul3A_356, %sub3A_355 : vector<64x64xf32>
    %reduce_sum3A_358 = vector.shape_cast %mul3A_357 : vector<64x64xf32> to vector<1x64x64xf32>
    %reduce_sum3A_359 = arith.constant dense<0.000000e+00> : vector<1xf32>
    %reduce_sum3A_360 = vector.multi_reduction <add>, %reduce_sum3A_358, %reduce_sum3A_359 [1, 2] : vector<1x64x64xf32> to vector<1xf32>
    %reduce_sum3A_361 = vector.shape_cast %reduce_sum3A_360 : vector<1xf32> to vector<1x1x1xf32>
    %reduce_sum3A_362 = vector.extract %reduce_sum3A_361[0, 0, 0] : f32 from vector<1x1x1xf32>
    %add3A_363 = arith.addf %add3A_322, %reduce_sum3A_362 : f32
    %slice3A_364 = vector.extract_strided_slice %get3A_10 {offsets = [18, 0, 0], sizes = [1, 128, 128], strides = [1, 1, 1]} : vector<64x128x128xf32> to vector<1x128x128xf32>
    %squeeze3A_365 = vector.shape_cast %slice3A_364 : vector<1x128x128xf32> to vector<128x128xf32>
    %mul3A_366 = arith.constant 0.709676743 : f32
    %mul3A_367 = vector.broadcast %mul3A_366 : f32 to vector<128x128xf32>
    %mul3A_368 = arith.mulf %squeeze3A_365, %mul3A_367 : vector<128x128xf32>
    %slice3A_369 = vector.extract_strided_slice %get3A_10 {offsets = [19, 0, 0], sizes = [1, 128, 128], strides = [1, 1, 1]} : vector<64x128x128xf32> to vector<1x128x128xf32>
    %squeeze3A_370 = vector.shape_cast %slice3A_369 : vector<1x128x128xf32> to vector<128x128xf32>
    %mul3A_371 = arith.constant 0.290323257 : f32
    %mul3A_372 = vector.broadcast %mul3A_371 : f32 to vector<128x128xf32>
    %mul3A_373 = arith.mulf %squeeze3A_370, %mul3A_372 : vector<128x128xf32>
    %add3A_374 = arith.addf %mul3A_368, %mul3A_373 : vector<128x128xf32>
    %slice3A_375 = vector.extract_strided_slice %get3A_14 {offsets = [18, 0, 0], sizes = [1, 128, 128], strides = [1, 1, 1]} : vector<64x128x128xf32> to vector<1x128x128xf32>
    %squeeze3A_376 = vector.shape_cast %slice3A_375 : vector<1x128x128xf32> to vector<128x128xf32>
    %mul3A_377 = arith.constant 0.709676743 : f32
    %mul3A_378 = vector.broadcast %mul3A_377 : f32 to vector<128x128xf32>
    %mul3A_379 = arith.mulf %squeeze3A_376, %mul3A_378 : vector<128x128xf32>
    %slice3A_380 = vector.extract_strided_slice %get3A_14 {offsets = [19, 0, 0], sizes = [1, 128, 128], strides = [1, 1, 1]} : vector<64x128x128xf32> to vector<1x128x128xf32>
    %squeeze3A_381 = vector.shape_cast %slice3A_380 : vector<1x128x128xf32> to vector<128x128xf32>
    %mul3A_382 = arith.constant 0.290323257 : f32
    %mul3A_383 = vector.broadcast %mul3A_382 : f32 to vector<128x128xf32>
    %mul3A_384 = arith.mulf %squeeze3A_381, %mul3A_383 : vector<128x128xf32>
    %add3A_385 = arith.addf %mul3A_379, %mul3A_384 : vector<128x128xf32>
    %dot_general3A_386 = arith.constant dense<0.000000e+00> : vector<128x64xf32>
    %dot_general3A_387 = tpu.matmul %add3A_374, %get3A_6, %dot_general3A_386 {dimension_numbers = #tpu.dot_dimension_numbers<[1], [0], [0], [1], [0, 0, 1, 1], [], []>, transpose_lhs_hint = false} : vector<128x128xf32>, vector<128x64xf32>, vector<128x64xf32> -> vector<128x64xf32>
    %dot_general3A_388 = arith.constant dense<0.000000e+00> : vector<128x64xf32>
    %dot_general3A_389 = tpu.matmul %add3A_385, %get3A_6, %dot_general3A_388 {dimension_numbers = #tpu.dot_dimension_numbers<[1], [0], [0], [1], [0, 0, 1, 1], [], []>, transpose_lhs_hint = false} : vector<128x128xf32>, vector<128x64xf32>, vector<128x64xf32> -> vector<128x64xf32>
    %dot_general3A_390 = arith.constant dense<0.000000e+00> : vector<64x64xf32>
    %dot_general3A_391 = tpu.matmul %get3A_3, %dot_general3A_387, %dot_general3A_390 {dimension_numbers = #tpu.dot_dimension_numbers<[1], [0], [0], [1], [0, 0, 1, 1], [], []>, transpose_lhs_hint = false} : vector<64x128xf32>, vector<128x64xf32>, vector<64x64xf32> -> vector<64x64xf32>
    %dot_general3A_392 = arith.constant dense<0.000000e+00> : vector<64x64xf32>
    %dot_general3A_393 = tpu.matmul %get3A_3, %dot_general3A_389, %dot_general3A_392 {dimension_numbers = #tpu.dot_dimension_numbers<[1], [0], [0], [1], [0, 0, 1, 1], [], []>, transpose_lhs_hint = false} : vector<64x128xf32>, vector<128x64xf32>, vector<64x64xf32> -> vector<64x64xf32>
    %slice3A_394 = vector.extract_strided_slice %get3A_18 {offsets = [9, 0, 0], sizes = [1, 64, 64], strides = [1, 1, 1]} : vector<32x64x64xf32> to vector<1x64x64xf32>
    %squeeze3A_395 = vector.shape_cast %slice3A_394 : vector<1x64x64xf32> to vector<64x64xf32>
    %sub3A_396 = arith.subf %squeeze3A_395, %dot_general3A_391 : vector<64x64xf32>
    %mul3A_397 = arith.mulf %dot_general3A_393, %sub3A_396 : vector<64x64xf32>
    %mul3A_398 = arith.mulf %mul3A_397, %sub3A_396 : vector<64x64xf32>
    %reduce_sum3A_399 = vector.shape_cast %mul3A_398 : vector<64x64xf32> to vector<1x64x64xf32>
    %reduce_sum3A_400 = arith.constant dense<0.000000e+00> : vector<1xf32>
    %reduce_sum3A_401 = vector.multi_reduction <add>, %reduce_sum3A_399, %reduce_sum3A_400 [1, 2] : vector<1x64x64xf32> to vector<1xf32>
    %reduce_sum3A_402 = vector.shape_cast %reduce_sum3A_401 : vector<1xf32> to vector<1x1x1xf32>
    %reduce_sum3A_403 = vector.extract %reduce_sum3A_402[0, 0, 0] : f32 from vector<1x1x1xf32>
    %add3A_404 = arith.addf %add3A_363, %reduce_sum3A_403 : f32
    %slice3A_405 = vector.extract_strided_slice %get3A_10 {offsets = [20, 0, 0], sizes = [1, 128, 128], strides = [1, 1, 1]} : vector<64x128x128xf32> to vector<1x128x128xf32>
    %squeeze3A_406 = vector.shape_cast %slice3A_405 : vector<1x128x128xf32> to vector<128x128xf32>
    %mul3A_407 = arith.constant 0.677419662 : f32
    %mul3A_408 = vector.broadcast %mul3A_407 : f32 to vector<128x128xf32>
    %mul3A_409 = arith.mulf %squeeze3A_406, %mul3A_408 : vector<128x128xf32>
    %slice3A_410 = vector.extract_strided_slice %get3A_10 {offsets = [21, 0, 0], sizes = [1, 128, 128], strides = [1, 1, 1]} : vector<64x128x128xf32> to vector<1x128x128xf32>
    %squeeze3A_411 = vector.shape_cast %slice3A_410 : vector<1x128x128xf32> to vector<128x128xf32>
    %mul3A_412 = arith.constant 0.322580338 : f32
    %mul3A_413 = vector.broadcast %mul3A_412 : f32 to vector<128x128xf32>
    %mul3A_414 = arith.mulf %squeeze3A_411, %mul3A_413 : vector<128x128xf32>
    %add3A_415 = arith.addf %mul3A_409, %mul3A_414 : vector<128x128xf32>
    %slice3A_416 = vector.extract_strided_slice %get3A_14 {offsets = [20, 0, 0], sizes = [1, 128, 128], strides = [1, 1, 1]} : vector<64x128x128xf32> to vector<1x128x128xf32>
    %squeeze3A_417 = vector.shape_cast %slice3A_416 : vector<1x128x128xf32> to vector<128x128xf32>
    %mul3A_418 = arith.constant 0.677419662 : f32
    %mul3A_419 = vector.broadcast %mul3A_418 : f32 to vector<128x128xf32>
    %mul3A_420 = arith.mulf %squeeze3A_417, %mul3A_419 : vector<128x128xf32>
    %slice3A_421 = vector.extract_strided_slice %get3A_14 {offsets = [21, 0, 0], sizes = [1, 128, 128], strides = [1, 1, 1]} : vector<64x128x128xf32> to vector<1x128x128xf32>
    %squeeze3A_422 = vector.shape_cast %slice3A_421 : vector<1x128x128xf32> to vector<128x128xf32>
    %mul3A_423 = arith.constant 0.322580338 : f32
    %mul3A_424 = vector.broadcast %mul3A_423 : f32 to vector<128x128xf32>
    %mul3A_425 = arith.mulf %squeeze3A_422, %mul3A_424 : vector<128x128xf32>
    %add3A_426 = arith.addf %mul3A_420, %mul3A_425 : vector<128x128xf32>
    %dot_general3A_427 = arith.constant dense<0.000000e+00> : vector<128x64xf32>
    %dot_general3A_428 = tpu.matmul %add3A_415, %get3A_6, %dot_general3A_427 {dimension_numbers = #tpu.dot_dimension_numbers<[1], [0], [0], [1], [0, 0, 1, 1], [], []>, transpose_lhs_hint = false} : vector<128x128xf32>, vector<128x64xf32>, vector<128x64xf32> -> vector<128x64xf32>
    %dot_general3A_429 = arith.constant dense<0.000000e+00> : vector<128x64xf32>
    %dot_general3A_430 = tpu.matmul %add3A_426, %get3A_6, %dot_general3A_429 {dimension_numbers = #tpu.dot_dimension_numbers<[1], [0], [0], [1], [0, 0, 1, 1], [], []>, transpose_lhs_hint = false} : vector<128x128xf32>, vector<128x64xf32>, vector<128x64xf32> -> vector<128x64xf32>
    %dot_general3A_431 = arith.constant dense<0.000000e+00> : vector<64x64xf32>
    %dot_general3A_432 = tpu.matmul %get3A_3, %dot_general3A_428, %dot_general3A_431 {dimension_numbers = #tpu.dot_dimension_numbers<[1], [0], [0], [1], [0, 0, 1, 1], [], []>, transpose_lhs_hint = false} : vector<64x128xf32>, vector<128x64xf32>, vector<64x64xf32> -> vector<64x64xf32>
    %dot_general3A_433 = arith.constant dense<0.000000e+00> : vector<64x64xf32>
    %dot_general3A_434 = tpu.matmul %get3A_3, %dot_general3A_430, %dot_general3A_433 {dimension_numbers = #tpu.dot_dimension_numbers<[1], [0], [0], [1], [0, 0, 1, 1], [], []>, transpose_lhs_hint = false} : vector<64x128xf32>, vector<128x64xf32>, vector<64x64xf32> -> vector<64x64xf32>
    %slice3A_435 = vector.extract_strided_slice %get3A_18 {offsets = [10, 0, 0], sizes = [1, 64, 64], strides = [1, 1, 1]} : vector<32x64x64xf32> to vector<1x64x64xf32>
    %squeeze3A_436 = vector.shape_cast %slice3A_435 : vector<1x64x64xf32> to vector<64x64xf32>
    %sub3A_437 = arith.subf %squeeze3A_436, %dot_general3A_432 : vector<64x64xf32>
    %mul3A_438 = arith.mulf %dot_general3A_434, %sub3A_437 : vector<64x64xf32>
    %mul3A_439 = arith.mulf %mul3A_438, %sub3A_437 : vector<64x64xf32>
    %reduce_sum3A_440 = vector.shape_cast %mul3A_439 : vector<64x64xf32> to vector<1x64x64xf32>
    %reduce_sum3A_441 = arith.constant dense<0.000000e+00> : vector<1xf32>
    %reduce_sum3A_442 = vector.multi_reduction <add>, %reduce_sum3A_440, %reduce_sum3A_441 [1, 2] : vector<1x64x64xf32> to vector<1xf32>
    %reduce_sum3A_443 = vector.shape_cast %reduce_sum3A_442 : vector<1xf32> to vector<1x1x1xf32>
    %reduce_sum3A_444 = vector.extract %reduce_sum3A_443[0, 0, 0] : f32 from vector<1x1x1xf32>
    %add3A_445 = arith.addf %add3A_404, %reduce_sum3A_444 : f32
    %slice3A_446 = vector.extract_strided_slice %get3A_10 {offsets = [22, 0, 0], sizes = [1, 128, 128], strides = [1, 1, 1]} : vector<64x128x128xf32> to vector<1x128x128xf32>
    %squeeze3A_447 = vector.shape_cast %slice3A_446 : vector<1x128x128xf32> to vector<128x128xf32>
    %mul3A_448 = arith.constant 0.645160675 : f32
    %mul3A_449 = vector.broadcast %mul3A_448 : f32 to vector<128x128xf32>
    %mul3A_450 = arith.mulf %squeeze3A_447, %mul3A_449 : vector<128x128xf32>
    %slice3A_451 = vector.extract_strided_slice %get3A_10 {offsets = [23, 0, 0], sizes = [1, 128, 128], strides = [1, 1, 1]} : vector<64x128x128xf32> to vector<1x128x128xf32>
    %squeeze3A_452 = vector.shape_cast %slice3A_451 : vector<1x128x128xf32> to vector<128x128xf32>
    %mul3A_453 = arith.constant 0.354839325 : f32
    %mul3A_454 = vector.broadcast %mul3A_453 : f32 to vector<128x128xf32>
    %mul3A_455 = arith.mulf %squeeze3A_452, %mul3A_454 : vector<128x128xf32>
    %add3A_456 = arith.addf %mul3A_450, %mul3A_455 : vector<128x128xf32>
    %slice3A_457 = vector.extract_strided_slice %get3A_14 {offsets = [22, 0, 0], sizes = [1, 128, 128], strides = [1, 1, 1]} : vector<64x128x128xf32> to vector<1x128x128xf32>
    %squeeze3A_458 = vector.shape_cast %slice3A_457 : vector<1x128x128xf32> to vector<128x128xf32>
    %mul3A_459 = arith.constant 0.645160675 : f32
    %mul3A_460 = vector.broadcast %mul3A_459 : f32 to vector<128x128xf32>
    %mul3A_461 = arith.mulf %squeeze3A_458, %mul3A_460 : vector<128x128xf32>
    %slice3A_462 = vector.extract_strided_slice %get3A_14 {offsets = [23, 0, 0], sizes = [1, 128, 128], strides = [1, 1, 1]} : vector<64x128x128xf32> to vector<1x128x128xf32>
    %squeeze3A_463 = vector.shape_cast %slice3A_462 : vector<1x128x128xf32> to vector<128x128xf32>
    %mul3A_464 = arith.constant 0.354839325 : f32
    %mul3A_465 = vector.broadcast %mul3A_464 : f32 to vector<128x128xf32>
    %mul3A_466 = arith.mulf %squeeze3A_463, %mul3A_465 : vector<128x128xf32>
    %add3A_467 = arith.addf %mul3A_461, %mul3A_466 : vector<128x128xf32>
    %dot_general3A_468 = arith.constant dense<0.000000e+00> : vector<128x64xf32>
    %dot_general3A_469 = tpu.matmul %add3A_456, %get3A_6, %dot_general3A_468 {dimension_numbers = #tpu.dot_dimension_numbers<[1], [0], [0], [1], [0, 0, 1, 1], [], []>, transpose_lhs_hint = false} : vector<128x128xf32>, vector<128x64xf32>, vector<128x64xf32> -> vector<128x64xf32>
    %dot_general3A_470 = arith.constant dense<0.000000e+00> : vector<128x64xf32>
    %dot_general3A_471 = tpu.matmul %add3A_467, %get3A_6, %dot_general3A_470 {dimension_numbers = #tpu.dot_dimension_numbers<[1], [0], [0], [1], [0, 0, 1, 1], [], []>, transpose_lhs_hint = false} : vector<128x128xf32>, vector<128x64xf32>, vector<128x64xf32> -> vector<128x64xf32>
    %dot_general3A_472 = arith.constant dense<0.000000e+00> : vector<64x64xf32>
    %dot_general3A_473 = tpu.matmul %get3A_3, %dot_general3A_469, %dot_general3A_472 {dimension_numbers = #tpu.dot_dimension_numbers<[1], [0], [0], [1], [0, 0, 1, 1], [], []>, transpose_lhs_hint = false} : vector<64x128xf32>, vector<128x64xf32>, vector<64x64xf32> -> vector<64x64xf32>
    %dot_general3A_474 = arith.constant dense<0.000000e+00> : vector<64x64xf32>
    %dot_general3A_475 = tpu.matmul %get3A_3, %dot_general3A_471, %dot_general3A_474 {dimension_numbers = #tpu.dot_dimension_numbers<[1], [0], [0], [1], [0, 0, 1, 1], [], []>, transpose_lhs_hint = false} : vector<64x128xf32>, vector<128x64xf32>, vector<64x64xf32> -> vector<64x64xf32>
    %slice3A_476 = vector.extract_strided_slice %get3A_18 {offsets = [11, 0, 0], sizes = [1, 64, 64], strides = [1, 1, 1]} : vector<32x64x64xf32> to vector<1x64x64xf32>
    %squeeze3A_477 = vector.shape_cast %slice3A_476 : vector<1x64x64xf32> to vector<64x64xf32>
    %sub3A_478 = arith.subf %squeeze3A_477, %dot_general3A_473 : vector<64x64xf32>
    %mul3A_479 = arith.mulf %dot_general3A_475, %sub3A_478 : vector<64x64xf32>
    %mul3A_480 = arith.mulf %mul3A_479, %sub3A_478 : vector<64x64xf32>
    %reduce_sum3A_481 = vector.shape_cast %mul3A_480 : vector<64x64xf32> to vector<1x64x64xf32>
    %reduce_sum3A_482 = arith.constant dense<0.000000e+00> : vector<1xf32>
    %reduce_sum3A_483 = vector.multi_reduction <add>, %reduce_sum3A_481, %reduce_sum3A_482 [1, 2] : vector<1x64x64xf32> to vector<1xf32>
    %reduce_sum3A_484 = vector.shape_cast %reduce_sum3A_483 : vector<1xf32> to vector<1x1x1xf32>
    %reduce_sum3A_485 = vector.extract %reduce_sum3A_484[0, 0, 0] : f32 from vector<1x1x1xf32>
    %add3A_486 = arith.addf %add3A_445, %reduce_sum3A_485 : f32
    %slice3A_487 = vector.extract_strided_slice %get3A_10 {offsets = [24, 0, 0], sizes = [1, 128, 128], strides = [1, 1, 1]} : vector<64x128x128xf32> to vector<1x128x128xf32>
    %squeeze3A_488 = vector.shape_cast %slice3A_487 : vector<1x128x128xf32> to vector<128x128xf32>
    %mul3A_489 = arith.constant 0.612903594 : f32
    %mul3A_490 = vector.broadcast %mul3A_489 : f32 to vector<128x128xf32>
    %mul3A_491 = arith.mulf %squeeze3A_488, %mul3A_490 : vector<128x128xf32>
    %slice3A_492 = vector.extract_strided_slice %get3A_10 {offsets = [25, 0, 0], sizes = [1, 128, 128], strides = [1, 1, 1]} : vector<64x128x128xf32> to vector<1x128x128xf32>
    %squeeze3A_493 = vector.shape_cast %slice3A_492 : vector<1x128x128xf32> to vector<128x128xf32>
    %mul3A_494 = arith.constant 0.387096405 : f32
    %mul3A_495 = vector.broadcast %mul3A_494 : f32 to vector<128x128xf32>
    %mul3A_496 = arith.mulf %squeeze3A_493, %mul3A_495 : vector<128x128xf32>
    %add3A_497 = arith.addf %mul3A_491, %mul3A_496 : vector<128x128xf32>
    %slice3A_498 = vector.extract_strided_slice %get3A_14 {offsets = [24, 0, 0], sizes = [1, 128, 128], strides = [1, 1, 1]} : vector<64x128x128xf32> to vector<1x128x128xf32>
    %squeeze3A_499 = vector.shape_cast %slice3A_498 : vector<1x128x128xf32> to vector<128x128xf32>
    %mul3A_500 = arith.constant 0.612903594 : f32
    %mul3A_501 = vector.broadcast %mul3A_500 : f32 to vector<128x128xf32>
    %mul3A_502 = arith.mulf %squeeze3A_499, %mul3A_501 : vector<128x128xf32>
    %slice3A_503 = vector.extract_strided_slice %get3A_14 {offsets = [25, 0, 0], sizes = [1, 128, 128], strides = [1, 1, 1]} : vector<64x128x128xf32> to vector<1x128x128xf32>
    %squeeze3A_504 = vector.shape_cast %slice3A_503 : vector<1x128x128xf32> to vector<128x128xf32>
    %mul3A_505 = arith.constant 0.387096405 : f32
    %mul3A_506 = vector.broadcast %mul3A_505 : f32 to vector<128x128xf32>
    %mul3A_507 = arith.mulf %squeeze3A_504, %mul3A_506 : vector<128x128xf32>
    %add3A_508 = arith.addf %mul3A_502, %mul3A_507 : vector<128x128xf32>
    %dot_general3A_509 = arith.constant dense<0.000000e+00> : vector<128x64xf32>
    %dot_general3A_510 = tpu.matmul %add3A_497, %get3A_6, %dot_general3A_509 {dimension_numbers = #tpu.dot_dimension_numbers<[1], [0], [0], [1], [0, 0, 1, 1], [], []>, transpose_lhs_hint = false} : vector<128x128xf32>, vector<128x64xf32>, vector<128x64xf32> -> vector<128x64xf32>
    %dot_general3A_511 = arith.constant dense<0.000000e+00> : vector<128x64xf32>
    %dot_general3A_512 = tpu.matmul %add3A_508, %get3A_6, %dot_general3A_511 {dimension_numbers = #tpu.dot_dimension_numbers<[1], [0], [0], [1], [0, 0, 1, 1], [], []>, transpose_lhs_hint = false} : vector<128x128xf32>, vector<128x64xf32>, vector<128x64xf32> -> vector<128x64xf32>
    %dot_general3A_513 = arith.constant dense<0.000000e+00> : vector<64x64xf32>
    %dot_general3A_514 = tpu.matmul %get3A_3, %dot_general3A_510, %dot_general3A_513 {dimension_numbers = #tpu.dot_dimension_numbers<[1], [0], [0], [1], [0, 0, 1, 1], [], []>, transpose_lhs_hint = false} : vector<64x128xf32>, vector<128x64xf32>, vector<64x64xf32> -> vector<64x64xf32>
    %dot_general3A_515 = arith.constant dense<0.000000e+00> : vector<64x64xf32>
    %dot_general3A_516 = tpu.matmul %get3A_3, %dot_general3A_512, %dot_general3A_515 {dimension_numbers = #tpu.dot_dimension_numbers<[1], [0], [0], [1], [0, 0, 1, 1], [], []>, transpose_lhs_hint = false} : vector<64x128xf32>, vector<128x64xf32>, vector<64x64xf32> -> vector<64x64xf32>
    %slice3A_517 = vector.extract_strided_slice %get3A_18 {offsets = [12, 0, 0], sizes = [1, 64, 64], strides = [1, 1, 1]} : vector<32x64x64xf32> to vector<1x64x64xf32>
    %squeeze3A_518 = vector.shape_cast %slice3A_517 : vector<1x64x64xf32> to vector<64x64xf32>
    %sub3A_519 = arith.subf %squeeze3A_518, %dot_general3A_514 : vector<64x64xf32>
    %mul3A_520 = arith.mulf %dot_general3A_516, %sub3A_519 : vector<64x64xf32>
    %mul3A_521 = arith.mulf %mul3A_520, %sub3A_519 : vector<64x64xf32>
    %reduce_sum3A_522 = vector.shape_cast %mul3A_521 : vector<64x64xf32> to vector<1x64x64xf32>
    %reduce_sum3A_523 = arith.constant dense<0.000000e+00> : vector<1xf32>
    %reduce_sum3A_524 = vector.multi_reduction <add>, %reduce_sum3A_522, %reduce_sum3A_523 [1, 2] : vector<1x64x64xf32> to vector<1xf32>
    %reduce_sum3A_525 = vector.shape_cast %reduce_sum3A_524 : vector<1xf32> to vector<1x1x1xf32>
    %reduce_sum3A_526 = vector.extract %reduce_sum3A_525[0, 0, 0] : f32 from vector<1x1x1xf32>
    %add3A_527 = arith.addf %add3A_486, %reduce_sum3A_526 : f32
    %slice3A_528 = vector.extract_strided_slice %get3A_10 {offsets = [26, 0, 0], sizes = [1, 128, 128], strides = [1, 1, 1]} : vector<64x128x128xf32> to vector<1x128x128xf32>
    %squeeze3A_529 = vector.shape_cast %slice3A_528 : vector<1x128x128xf32> to vector<128x128xf32>
    %mul3A_530 = arith.constant 0.580644608 : f32
    %mul3A_531 = vector.broadcast %mul3A_530 : f32 to vector<128x128xf32>
    %mul3A_532 = arith.mulf %squeeze3A_529, %mul3A_531 : vector<128x128xf32>
    %slice3A_533 = vector.extract_strided_slice %get3A_10 {offsets = [27, 0, 0], sizes = [1, 128, 128], strides = [1, 1, 1]} : vector<64x128x128xf32> to vector<1x128x128xf32>
    %squeeze3A_534 = vector.shape_cast %slice3A_533 : vector<1x128x128xf32> to vector<128x128xf32>
    %mul3A_535 = arith.constant 0.419355392 : f32
    %mul3A_536 = vector.broadcast %mul3A_535 : f32 to vector<128x128xf32>
    %mul3A_537 = arith.mulf %squeeze3A_534, %mul3A_536 : vector<128x128xf32>
    %add3A_538 = arith.addf %mul3A_532, %mul3A_537 : vector<128x128xf32>
    %slice3A_539 = vector.extract_strided_slice %get3A_14 {offsets = [26, 0, 0], sizes = [1, 128, 128], strides = [1, 1, 1]} : vector<64x128x128xf32> to vector<1x128x128xf32>
    %squeeze3A_540 = vector.shape_cast %slice3A_539 : vector<1x128x128xf32> to vector<128x128xf32>
    %mul3A_541 = arith.constant 0.580644608 : f32
    %mul3A_542 = vector.broadcast %mul3A_541 : f32 to vector<128x128xf32>
    %mul3A_543 = arith.mulf %squeeze3A_540, %mul3A_542 : vector<128x128xf32>
    %slice3A_544 = vector.extract_strided_slice %get3A_14 {offsets = [27, 0, 0], sizes = [1, 128, 128], strides = [1, 1, 1]} : vector<64x128x128xf32> to vector<1x128x128xf32>
    %squeeze3A_545 = vector.shape_cast %slice3A_544 : vector<1x128x128xf32> to vector<128x128xf32>
    %mul3A_546 = arith.constant 0.419355392 : f32
    %mul3A_547 = vector.broadcast %mul3A_546 : f32 to vector<128x128xf32>
    %mul3A_548 = arith.mulf %squeeze3A_545, %mul3A_547 : vector<128x128xf32>
    %add3A_549 = arith.addf %mul3A_543, %mul3A_548 : vector<128x128xf32>
    %dot_general3A_550 = arith.constant dense<0.000000e+00> : vector<128x64xf32>
    %dot_general3A_551 = tpu.matmul %add3A_538, %get3A_6, %dot_general3A_550 {dimension_numbers = #tpu.dot_dimension_numbers<[1], [0], [0], [1], [0, 0, 1, 1], [], []>, transpose_lhs_hint = false} : vector<128x128xf32>, vector<128x64xf32>, vector<128x64xf32> -> vector<128x64xf32>
    %dot_general3A_552 = arith.constant dense<0.000000e+00> : vector<128x64xf32>
    %dot_general3A_553 = tpu.matmul %add3A_549, %get3A_6, %dot_general3A_552 {dimension_numbers = #tpu.dot_dimension_numbers<[1], [0], [0], [1], [0, 0, 1, 1], [], []>, transpose_lhs_hint = false} : vector<128x128xf32>, vector<128x64xf32>, vector<128x64xf32> -> vector<128x64xf32>
    %dot_general3A_554 = arith.constant dense<0.000000e+00> : vector<64x64xf32>
    %dot_general3A_555 = tpu.matmul %get3A_3, %dot_general3A_551, %dot_general3A_554 {dimension_numbers = #tpu.dot_dimension_numbers<[1], [0], [0], [1], [0, 0, 1, 1], [], []>, transpose_lhs_hint = false} : vector<64x128xf32>, vector<128x64xf32>, vector<64x64xf32> -> vector<64x64xf32>
    %dot_general3A_556 = arith.constant dense<0.000000e+00> : vector<64x64xf32>
    %dot_general3A_557 = tpu.matmul %get3A_3, %dot_general3A_553, %dot_general3A_556 {dimension_numbers = #tpu.dot_dimension_numbers<[1], [0], [0], [1], [0, 0, 1, 1], [], []>, transpose_lhs_hint = false} : vector<64x128xf32>, vector<128x64xf32>, vector<64x64xf32> -> vector<64x64xf32>
    %slice3A_558 = vector.extract_strided_slice %get3A_18 {offsets = [13, 0, 0], sizes = [1, 64, 64], strides = [1, 1, 1]} : vector<32x64x64xf32> to vector<1x64x64xf32>
    %squeeze3A_559 = vector.shape_cast %slice3A_558 : vector<1x64x64xf32> to vector<64x64xf32>
    %sub3A_560 = arith.subf %squeeze3A_559, %dot_general3A_555 : vector<64x64xf32>
    %mul3A_561 = arith.mulf %dot_general3A_557, %sub3A_560 : vector<64x64xf32>
    %mul3A_562 = arith.mulf %mul3A_561, %sub3A_560 : vector<64x64xf32>
    %reduce_sum3A_563 = vector.shape_cast %mul3A_562 : vector<64x64xf32> to vector<1x64x64xf32>
    %reduce_sum3A_564 = arith.constant dense<0.000000e+00> : vector<1xf32>
    %reduce_sum3A_565 = vector.multi_reduction <add>, %reduce_sum3A_563, %reduce_sum3A_564 [1, 2] : vector<1x64x64xf32> to vector<1xf32>
    %reduce_sum3A_566 = vector.shape_cast %reduce_sum3A_565 : vector<1xf32> to vector<1x1x1xf32>
    %reduce_sum3A_567 = vector.extract %reduce_sum3A_566[0, 0, 0] : f32 from vector<1x1x1xf32>
    %add3A_568 = arith.addf %add3A_527, %reduce_sum3A_567 : f32
    %slice3A_569 = vector.extract_strided_slice %get3A_10 {offsets = [28, 0, 0], sizes = [1, 128, 128], strides = [1, 1, 1]} : vector<64x128x128xf32> to vector<1x128x128xf32>
    %squeeze3A_570 = vector.shape_cast %slice3A_569 : vector<1x128x128xf32> to vector<128x128xf32>
    %mul3A_571 = arith.constant 0.548387527 : f32
    %mul3A_572 = vector.broadcast %mul3A_571 : f32 to vector<128x128xf32>
    %mul3A_573 = arith.mulf %squeeze3A_570, %mul3A_572 : vector<128x128xf32>
    %slice3A_574 = vector.extract_strided_slice %get3A_10 {offsets = [29, 0, 0], sizes = [1, 128, 128], strides = [1, 1, 1]} : vector<64x128x128xf32> to vector<1x128x128xf32>
    %squeeze3A_575 = vector.shape_cast %slice3A_574 : vector<1x128x128xf32> to vector<128x128xf32>
    %mul3A_576 = arith.constant 0.451612473 : f32
    %mul3A_577 = vector.broadcast %mul3A_576 : f32 to vector<128x128xf32>
    %mul3A_578 = arith.mulf %squeeze3A_575, %mul3A_577 : vector<128x128xf32>
    %add3A_579 = arith.addf %mul3A_573, %mul3A_578 : vector<128x128xf32>
    %slice3A_580 = vector.extract_strided_slice %get3A_14 {offsets = [28, 0, 0], sizes = [1, 128, 128], strides = [1, 1, 1]} : vector<64x128x128xf32> to vector<1x128x128xf32>
    %squeeze3A_581 = vector.shape_cast %slice3A_580 : vector<1x128x128xf32> to vector<128x128xf32>
    %mul3A_582 = arith.constant 0.548387527 : f32
    %mul3A_583 = vector.broadcast %mul3A_582 : f32 to vector<128x128xf32>
    %mul3A_584 = arith.mulf %squeeze3A_581, %mul3A_583 : vector<128x128xf32>
    %slice3A_585 = vector.extract_strided_slice %get3A_14 {offsets = [29, 0, 0], sizes = [1, 128, 128], strides = [1, 1, 1]} : vector<64x128x128xf32> to vector<1x128x128xf32>
    %squeeze3A_586 = vector.shape_cast %slice3A_585 : vector<1x128x128xf32> to vector<128x128xf32>
    %mul3A_587 = arith.constant 0.451612473 : f32
    %mul3A_588 = vector.broadcast %mul3A_587 : f32 to vector<128x128xf32>
    %mul3A_589 = arith.mulf %squeeze3A_586, %mul3A_588 : vector<128x128xf32>
    %add3A_590 = arith.addf %mul3A_584, %mul3A_589 : vector<128x128xf32>
    %dot_general3A_591 = arith.constant dense<0.000000e+00> : vector<128x64xf32>
    %dot_general3A_592 = tpu.matmul %add3A_579, %get3A_6, %dot_general3A_591 {dimension_numbers = #tpu.dot_dimension_numbers<[1], [0], [0], [1], [0, 0, 1, 1], [], []>, transpose_lhs_hint = false} : vector<128x128xf32>, vector<128x64xf32>, vector<128x64xf32> -> vector<128x64xf32>
    %dot_general3A_593 = arith.constant dense<0.000000e+00> : vector<128x64xf32>
    %dot_general3A_594 = tpu.matmul %add3A_590, %get3A_6, %dot_general3A_593 {dimension_numbers = #tpu.dot_dimension_numbers<[1], [0], [0], [1], [0, 0, 1, 1], [], []>, transpose_lhs_hint = false} : vector<128x128xf32>, vector<128x64xf32>, vector<128x64xf32> -> vector<128x64xf32>
    %dot_general3A_595 = arith.constant dense<0.000000e+00> : vector<64x64xf32>
    %dot_general3A_596 = tpu.matmul %get3A_3, %dot_general3A_592, %dot_general3A_595 {dimension_numbers = #tpu.dot_dimension_numbers<[1], [0], [0], [1], [0, 0, 1, 1], [], []>, transpose_lhs_hint = false} : vector<64x128xf32>, vector<128x64xf32>, vector<64x64xf32> -> vector<64x64xf32>
    %dot_general3A_597 = arith.constant dense<0.000000e+00> : vector<64x64xf32>
    %dot_general3A_598 = tpu.matmul %get3A_3, %dot_general3A_594, %dot_general3A_597 {dimension_numbers = #tpu.dot_dimension_numbers<[1], [0], [0], [1], [0, 0, 1, 1], [], []>, transpose_lhs_hint = false} : vector<64x128xf32>, vector<128x64xf32>, vector<64x64xf32> -> vector<64x64xf32>
    %slice3A_599 = vector.extract_strided_slice %get3A_18 {offsets = [14, 0, 0], sizes = [1, 64, 64], strides = [1, 1, 1]} : vector<32x64x64xf32> to vector<1x64x64xf32>
    %squeeze3A_600 = vector.shape_cast %slice3A_599 : vector<1x64x64xf32> to vector<64x64xf32>
    %sub3A_601 = arith.subf %squeeze3A_600, %dot_general3A_596 : vector<64x64xf32>
    %mul3A_602 = arith.mulf %dot_general3A_598, %sub3A_601 : vector<64x64xf32>
    %mul3A_603 = arith.mulf %mul3A_602, %sub3A_601 : vector<64x64xf32>
    %reduce_sum3A_604 = vector.shape_cast %mul3A_603 : vector<64x64xf32> to vector<1x64x64xf32>
    %reduce_sum3A_605 = arith.constant dense<0.000000e+00> : vector<1xf32>
    %reduce_sum3A_606 = vector.multi_reduction <add>, %reduce_sum3A_604, %reduce_sum3A_605 [1, 2] : vector<1x64x64xf32> to vector<1xf32>
    %reduce_sum3A_607 = vector.shape_cast %reduce_sum3A_606 : vector<1xf32> to vector<1x1x1xf32>
    %reduce_sum3A_608 = vector.extract %reduce_sum3A_607[0, 0, 0] : f32 from vector<1x1x1xf32>
    %add3A_609 = arith.addf %add3A_568, %reduce_sum3A_608 : f32
    %slice3A_610 = vector.extract_strided_slice %get3A_10 {offsets = [30, 0, 0], sizes = [1, 128, 128], strides = [1, 1, 1]} : vector<64x128x128xf32> to vector<1x128x128xf32>
    %squeeze3A_611 = vector.shape_cast %slice3A_610 : vector<1x128x128xf32> to vector<128x128xf32>
    %mul3A_612 = arith.constant 0.51612854 : f32
    %mul3A_613 = vector.broadcast %mul3A_612 : f32 to vector<128x128xf32>
    %mul3A_614 = arith.mulf %squeeze3A_611, %mul3A_613 : vector<128x128xf32>
    %slice3A_615 = vector.extract_strided_slice %get3A_10 {offsets = [31, 0, 0], sizes = [1, 128, 128], strides = [1, 1, 1]} : vector<64x128x128xf32> to vector<1x128x128xf32>
    %squeeze3A_616 = vector.shape_cast %slice3A_615 : vector<1x128x128xf32> to vector<128x128xf32>
    %mul3A_617 = arith.constant 0.48387146 : f32
    %mul3A_618 = vector.broadcast %mul3A_617 : f32 to vector<128x128xf32>
    %mul3A_619 = arith.mulf %squeeze3A_616, %mul3A_618 : vector<128x128xf32>
    %add3A_620 = arith.addf %mul3A_614, %mul3A_619 : vector<128x128xf32>
    %slice3A_621 = vector.extract_strided_slice %get3A_14 {offsets = [30, 0, 0], sizes = [1, 128, 128], strides = [1, 1, 1]} : vector<64x128x128xf32> to vector<1x128x128xf32>
    %squeeze3A_622 = vector.shape_cast %slice3A_621 : vector<1x128x128xf32> to vector<128x128xf32>
    %mul3A_623 = arith.constant 0.51612854 : f32
    %mul3A_624 = vector.broadcast %mul3A_623 : f32 to vector<128x128xf32>
    %mul3A_625 = arith.mulf %squeeze3A_622, %mul3A_624 : vector<128x128xf32>
    %slice3A_626 = vector.extract_strided_slice %get3A_14 {offsets = [31, 0, 0], sizes = [1, 128, 128], strides = [1, 1, 1]} : vector<64x128x128xf32> to vector<1x128x128xf32>
    %squeeze3A_627 = vector.shape_cast %slice3A_626 : vector<1x128x128xf32> to vector<128x128xf32>
    %mul3A_628 = arith.constant 0.48387146 : f32
    %mul3A_629 = vector.broadcast %mul3A_628 : f32 to vector<128x128xf32>
    %mul3A_630 = arith.mulf %squeeze3A_627, %mul3A_629 : vector<128x128xf32>
    %add3A_631 = arith.addf %mul3A_625, %mul3A_630 : vector<128x128xf32>
    %dot_general3A_632 = arith.constant dense<0.000000e+00> : vector<128x64xf32>
    %dot_general3A_633 = tpu.matmul %add3A_620, %get3A_6, %dot_general3A_632 {dimension_numbers = #tpu.dot_dimension_numbers<[1], [0], [0], [1], [0, 0, 1, 1], [], []>, transpose_lhs_hint = false} : vector<128x128xf32>, vector<128x64xf32>, vector<128x64xf32> -> vector<128x64xf32>
    %dot_general3A_634 = arith.constant dense<0.000000e+00> : vector<128x64xf32>
    %dot_general3A_635 = tpu.matmul %add3A_631, %get3A_6, %dot_general3A_634 {dimension_numbers = #tpu.dot_dimension_numbers<[1], [0], [0], [1], [0, 0, 1, 1], [], []>, transpose_lhs_hint = false} : vector<128x128xf32>, vector<128x64xf32>, vector<128x64xf32> -> vector<128x64xf32>
    %dot_general3A_636 = arith.constant dense<0.000000e+00> : vector<64x64xf32>
    %dot_general3A_637 = tpu.matmul %get3A_3, %dot_general3A_633, %dot_general3A_636 {dimension_numbers = #tpu.dot_dimension_numbers<[1], [0], [0], [1], [0, 0, 1, 1], [], []>, transpose_lhs_hint = false} : vector<64x128xf32>, vector<128x64xf32>, vector<64x64xf32> -> vector<64x64xf32>
    %dot_general3A_638 = arith.constant dense<0.000000e+00> : vector<64x64xf32>
    %dot_general3A_639 = tpu.matmul %get3A_3, %dot_general3A_635, %dot_general3A_638 {dimension_numbers = #tpu.dot_dimension_numbers<[1], [0], [0], [1], [0, 0, 1, 1], [], []>, transpose_lhs_hint = false} : vector<64x128xf32>, vector<128x64xf32>, vector<64x64xf32> -> vector<64x64xf32>
    %slice3A_640 = vector.extract_strided_slice %get3A_18 {offsets = [15, 0, 0], sizes = [1, 64, 64], strides = [1, 1, 1]} : vector<32x64x64xf32> to vector<1x64x64xf32>
    %squeeze3A_641 = vector.shape_cast %slice3A_640 : vector<1x64x64xf32> to vector<64x64xf32>
    %sub3A_642 = arith.subf %squeeze3A_641, %dot_general3A_637 : vector<64x64xf32>
    %mul3A_643 = arith.mulf %dot_general3A_639, %sub3A_642 : vector<64x64xf32>
    %mul3A_644 = arith.mulf %mul3A_643, %sub3A_642 : vector<64x64xf32>
    %reduce_sum3A_645 = vector.shape_cast %mul3A_644 : vector<64x64xf32> to vector<1x64x64xf32>
    %reduce_sum3A_646 = arith.constant dense<0.000000e+00> : vector<1xf32>
    %reduce_sum3A_647 = vector.multi_reduction <add>, %reduce_sum3A_645, %reduce_sum3A_646 [1, 2] : vector<1x64x64xf32> to vector<1xf32>
    %reduce_sum3A_648 = vector.shape_cast %reduce_sum3A_647 : vector<1xf32> to vector<1x1x1xf32>
    %reduce_sum3A_649 = vector.extract %reduce_sum3A_648[0, 0, 0] : f32 from vector<1x1x1xf32>
    %add3A_650 = arith.addf %add3A_609, %reduce_sum3A_649 : f32
    %slice3A_651 = vector.extract_strided_slice %get3A_10 {offsets = [32, 0, 0], sizes = [1, 128, 128], strides = [1, 1, 1]} : vector<64x128x128xf32> to vector<1x128x128xf32>
    %squeeze3A_652 = vector.shape_cast %slice3A_651 : vector<1x128x128xf32> to vector<128x128xf32>
    %mul3A_653 = arith.constant 0.48387146 : f32
    %mul3A_654 = vector.broadcast %mul3A_653 : f32 to vector<128x128xf32>
    %mul3A_655 = arith.mulf %squeeze3A_652, %mul3A_654 : vector<128x128xf32>
    %slice3A_656 = vector.extract_strided_slice %get3A_10 {offsets = [33, 0, 0], sizes = [1, 128, 128], strides = [1, 1, 1]} : vector<64x128x128xf32> to vector<1x128x128xf32>
    %squeeze3A_657 = vector.shape_cast %slice3A_656 : vector<1x128x128xf32> to vector<128x128xf32>
    %mul3A_658 = arith.constant 0.51612854 : f32
    %mul3A_659 = vector.broadcast %mul3A_658 : f32 to vector<128x128xf32>
    %mul3A_660 = arith.mulf %squeeze3A_657, %mul3A_659 : vector<128x128xf32>
    %add3A_661 = arith.addf %mul3A_655, %mul3A_660 : vector<128x128xf32>
    %slice3A_662 = vector.extract_strided_slice %get3A_14 {offsets = [32, 0, 0], sizes = [1, 128, 128], strides = [1, 1, 1]} : vector<64x128x128xf32> to vector<1x128x128xf32>
    %squeeze3A_663 = vector.shape_cast %slice3A_662 : vector<1x128x128xf32> to vector<128x128xf32>
    %mul3A_664 = arith.constant 0.48387146 : f32
    %mul3A_665 = vector.broadcast %mul3A_664 : f32 to vector<128x128xf32>
    %mul3A_666 = arith.mulf %squeeze3A_663, %mul3A_665 : vector<128x128xf32>
    %slice3A_667 = vector.extract_strided_slice %get3A_14 {offsets = [33, 0, 0], sizes = [1, 128, 128], strides = [1, 1, 1]} : vector<64x128x128xf32> to vector<1x128x128xf32>
    %squeeze3A_668 = vector.shape_cast %slice3A_667 : vector<1x128x128xf32> to vector<128x128xf32>
    %mul3A_669 = arith.constant 0.51612854 : f32
    %mul3A_670 = vector.broadcast %mul3A_669 : f32 to vector<128x128xf32>
    %mul3A_671 = arith.mulf %squeeze3A_668, %mul3A_670 : vector<128x128xf32>
    %add3A_672 = arith.addf %mul3A_666, %mul3A_671 : vector<128x128xf32>
    %dot_general3A_673 = arith.constant dense<0.000000e+00> : vector<128x64xf32>
    %dot_general3A_674 = tpu.matmul %add3A_661, %get3A_6, %dot_general3A_673 {dimension_numbers = #tpu.dot_dimension_numbers<[1], [0], [0], [1], [0, 0, 1, 1], [], []>, transpose_lhs_hint = false} : vector<128x128xf32>, vector<128x64xf32>, vector<128x64xf32> -> vector<128x64xf32>
    %dot_general3A_675 = arith.constant dense<0.000000e+00> : vector<128x64xf32>
    %dot_general3A_676 = tpu.matmul %add3A_672, %get3A_6, %dot_general3A_675 {dimension_numbers = #tpu.dot_dimension_numbers<[1], [0], [0], [1], [0, 0, 1, 1], [], []>, transpose_lhs_hint = false} : vector<128x128xf32>, vector<128x64xf32>, vector<128x64xf32> -> vector<128x64xf32>
    %dot_general3A_677 = arith.constant dense<0.000000e+00> : vector<64x64xf32>
    %dot_general3A_678 = tpu.matmul %get3A_3, %dot_general3A_674, %dot_general3A_677 {dimension_numbers = #tpu.dot_dimension_numbers<[1], [0], [0], [1], [0, 0, 1, 1], [], []>, transpose_lhs_hint = false} : vector<64x128xf32>, vector<128x64xf32>, vector<64x64xf32> -> vector<64x64xf32>
    %dot_general3A_679 = arith.constant dense<0.000000e+00> : vector<64x64xf32>
    %dot_general3A_680 = tpu.matmul %get3A_3, %dot_general3A_676, %dot_general3A_679 {dimension_numbers = #tpu.dot_dimension_numbers<[1], [0], [0], [1], [0, 0, 1, 1], [], []>, transpose_lhs_hint = false} : vector<64x128xf32>, vector<128x64xf32>, vector<64x64xf32> -> vector<64x64xf32>
    %slice3A_681 = vector.extract_strided_slice %get3A_18 {offsets = [16, 0, 0], sizes = [1, 64, 64], strides = [1, 1, 1]} : vector<32x64x64xf32> to vector<1x64x64xf32>
    %squeeze3A_682 = vector.shape_cast %slice3A_681 : vector<1x64x64xf32> to vector<64x64xf32>
    %sub3A_683 = arith.subf %squeeze3A_682, %dot_general3A_678 : vector<64x64xf32>
    %mul3A_684 = arith.mulf %dot_general3A_680, %sub3A_683 : vector<64x64xf32>
    %mul3A_685 = arith.mulf %mul3A_684, %sub3A_683 : vector<64x64xf32>
    %reduce_sum3A_686 = vector.shape_cast %mul3A_685 : vector<64x64xf32> to vector<1x64x64xf32>
    %reduce_sum3A_687 = arith.constant dense<0.000000e+00> : vector<1xf32>
    %reduce_sum3A_688 = vector.multi_reduction <add>, %reduce_sum3A_686, %reduce_sum3A_687 [1, 2] : vector<1x64x64xf32> to vector<1xf32>
    %reduce_sum3A_689 = vector.shape_cast %reduce_sum3A_688 : vector<1xf32> to vector<1x1x1xf32>
    %reduce_sum3A_690 = vector.extract %reduce_sum3A_689[0, 0, 0] : f32 from vector<1x1x1xf32>
    %add3A_691 = arith.addf %add3A_650, %reduce_sum3A_690 : f32
    %slice3A_692 = vector.extract_strided_slice %get3A_10 {offsets = [34, 0, 0], sizes = [1, 128, 128], strides = [1, 1, 1]} : vector<64x128x128xf32> to vector<1x128x128xf32>
    %squeeze3A_693 = vector.shape_cast %slice3A_692 : vector<1x128x128xf32> to vector<128x128xf32>
    %mul3A_694 = arith.constant 0.45161438 : f32
    %mul3A_695 = vector.broadcast %mul3A_694 : f32 to vector<128x128xf32>
    %mul3A_696 = arith.mulf %squeeze3A_693, %mul3A_695 : vector<128x128xf32>
    %slice3A_697 = vector.extract_strided_slice %get3A_10 {offsets = [35, 0, 0], sizes = [1, 128, 128], strides = [1, 1, 1]} : vector<64x128x128xf32> to vector<1x128x128xf32>
    %squeeze3A_698 = vector.shape_cast %slice3A_697 : vector<1x128x128xf32> to vector<128x128xf32>
    %mul3A_699 = arith.constant 0.54838562 : f32
    %mul3A_700 = vector.broadcast %mul3A_699 : f32 to vector<128x128xf32>
    %mul3A_701 = arith.mulf %squeeze3A_698, %mul3A_700 : vector<128x128xf32>
    %add3A_702 = arith.addf %mul3A_696, %mul3A_701 : vector<128x128xf32>
    %slice3A_703 = vector.extract_strided_slice %get3A_14 {offsets = [34, 0, 0], sizes = [1, 128, 128], strides = [1, 1, 1]} : vector<64x128x128xf32> to vector<1x128x128xf32>
    %squeeze3A_704 = vector.shape_cast %slice3A_703 : vector<1x128x128xf32> to vector<128x128xf32>
    %mul3A_705 = arith.constant 0.45161438 : f32
    %mul3A_706 = vector.broadcast %mul3A_705 : f32 to vector<128x128xf32>
    %mul3A_707 = arith.mulf %squeeze3A_704, %mul3A_706 : vector<128x128xf32>
    %slice3A_708 = vector.extract_strided_slice %get3A_14 {offsets = [35, 0, 0], sizes = [1, 128, 128], strides = [1, 1, 1]} : vector<64x128x128xf32> to vector<1x128x128xf32>
    %squeeze3A_709 = vector.shape_cast %slice3A_708 : vector<1x128x128xf32> to vector<128x128xf32>
    %mul3A_710 = arith.constant 0.54838562 : f32
    %mul3A_711 = vector.broadcast %mul3A_710 : f32 to vector<128x128xf32>
    %mul3A_712 = arith.mulf %squeeze3A_709, %mul3A_711 : vector<128x128xf32>
    %add3A_713 = arith.addf %mul3A_707, %mul3A_712 : vector<128x128xf32>
    %dot_general3A_714 = arith.constant dense<0.000000e+00> : vector<128x64xf32>
    %dot_general3A_715 = tpu.matmul %add3A_702, %get3A_6, %dot_general3A_714 {dimension_numbers = #tpu.dot_dimension_numbers<[1], [0], [0], [1], [0, 0, 1, 1], [], []>, transpose_lhs_hint = false} : vector<128x128xf32>, vector<128x64xf32>, vector<128x64xf32> -> vector<128x64xf32>
    %dot_general3A_716 = arith.constant dense<0.000000e+00> : vector<128x64xf32>
    %dot_general3A_717 = tpu.matmul %add3A_713, %get3A_6, %dot_general3A_716 {dimension_numbers = #tpu.dot_dimension_numbers<[1], [0], [0], [1], [0, 0, 1, 1], [], []>, transpose_lhs_hint = false} : vector<128x128xf32>, vector<128x64xf32>, vector<128x64xf32> -> vector<128x64xf32>
    %dot_general3A_718 = arith.constant dense<0.000000e+00> : vector<64x64xf32>
    %dot_general3A_719 = tpu.matmul %get3A_3, %dot_general3A_715, %dot_general3A_718 {dimension_numbers = #tpu.dot_dimension_numbers<[1], [0], [0], [1], [0, 0, 1, 1], [], []>, transpose_lhs_hint = false} : vector<64x128xf32>, vector<128x64xf32>, vector<64x64xf32> -> vector<64x64xf32>
    %dot_general3A_720 = arith.constant dense<0.000000e+00> : vector<64x64xf32>
    %dot_general3A_721 = tpu.matmul %get3A_3, %dot_general3A_717, %dot_general3A_720 {dimension_numbers = #tpu.dot_dimension_numbers<[1], [0], [0], [1], [0, 0, 1, 1], [], []>, transpose_lhs_hint = false} : vector<64x128xf32>, vector<128x64xf32>, vector<64x64xf32> -> vector<64x64xf32>
    %slice3A_722 = vector.extract_strided_slice %get3A_18 {offsets = [17, 0, 0], sizes = [1, 64, 64], strides = [1, 1, 1]} : vector<32x64x64xf32> to vector<1x64x64xf32>
    %squeeze3A_723 = vector.shape_cast %slice3A_722 : vector<1x64x64xf32> to vector<64x64xf32>
    %sub3A_724 = arith.subf %squeeze3A_723, %dot_general3A_719 : vector<64x64xf32>
    %mul3A_725 = arith.mulf %dot_general3A_721, %sub3A_724 : vector<64x64xf32>
    %mul3A_726 = arith.mulf %mul3A_725, %sub3A_724 : vector<64x64xf32>
    %reduce_sum3A_727 = vector.shape_cast %mul3A_726 : vector<64x64xf32> to vector<1x64x64xf32>
    %reduce_sum3A_728 = arith.constant dense<0.000000e+00> : vector<1xf32>
    %reduce_sum3A_729 = vector.multi_reduction <add>, %reduce_sum3A_727, %reduce_sum3A_728 [1, 2] : vector<1x64x64xf32> to vector<1xf32>
    %reduce_sum3A_730 = vector.shape_cast %reduce_sum3A_729 : vector<1xf32> to vector<1x1x1xf32>
    %reduce_sum3A_731 = vector.extract %reduce_sum3A_730[0, 0, 0] : f32 from vector<1x1x1xf32>
    %add3A_732 = arith.addf %add3A_691, %reduce_sum3A_731 : f32
    %slice3A_733 = vector.extract_strided_slice %get3A_10 {offsets = [36, 0, 0], sizes = [1, 128, 128], strides = [1, 1, 1]} : vector<64x128x128xf32> to vector<1x128x128xf32>
    %squeeze3A_734 = vector.shape_cast %slice3A_733 : vector<1x128x128xf32> to vector<128x128xf32>
    %mul3A_735 = arith.constant 0.419353485 : f32
    %mul3A_736 = vector.broadcast %mul3A_735 : f32 to vector<128x128xf32>
    %mul3A_737 = arith.mulf %squeeze3A_734, %mul3A_736 : vector<128x128xf32>
    %slice3A_738 = vector.extract_strided_slice %get3A_10 {offsets = [37, 0, 0], sizes = [1, 128, 128], strides = [1, 1, 1]} : vector<64x128x128xf32> to vector<1x128x128xf32>
    %squeeze3A_739 = vector.shape_cast %slice3A_738 : vector<1x128x128xf32> to vector<128x128xf32>
    %mul3A_740 = arith.constant 0.580646514 : f32
    %mul3A_741 = vector.broadcast %mul3A_740 : f32 to vector<128x128xf32>
    %mul3A_742 = arith.mulf %squeeze3A_739, %mul3A_741 : vector<128x128xf32>
    %add3A_743 = arith.addf %mul3A_737, %mul3A_742 : vector<128x128xf32>
    %slice3A_744 = vector.extract_strided_slice %get3A_14 {offsets = [36, 0, 0], sizes = [1, 128, 128], strides = [1, 1, 1]} : vector<64x128x128xf32> to vector<1x128x128xf32>
    %squeeze3A_745 = vector.shape_cast %slice3A_744 : vector<1x128x128xf32> to vector<128x128xf32>
    %mul3A_746 = arith.constant 0.419353485 : f32
    %mul3A_747 = vector.broadcast %mul3A_746 : f32 to vector<128x128xf32>
    %mul3A_748 = arith.mulf %squeeze3A_745, %mul3A_747 : vector<128x128xf32>
    %slice3A_749 = vector.extract_strided_slice %get3A_14 {offsets = [37, 0, 0], sizes = [1, 128, 128], strides = [1, 1, 1]} : vector<64x128x128xf32> to vector<1x128x128xf32>
    %squeeze3A_750 = vector.shape_cast %slice3A_749 : vector<1x128x128xf32> to vector<128x128xf32>
    %mul3A_751 = arith.constant 0.580646514 : f32
    %mul3A_752 = vector.broadcast %mul3A_751 : f32 to vector<128x128xf32>
    %mul3A_753 = arith.mulf %squeeze3A_750, %mul3A_752 : vector<128x128xf32>
    %add3A_754 = arith.addf %mul3A_748, %mul3A_753 : vector<128x128xf32>
    %dot_general3A_755 = arith.constant dense<0.000000e+00> : vector<128x64xf32>
    %dot_general3A_756 = tpu.matmul %add3A_743, %get3A_6, %dot_general3A_755 {dimension_numbers = #tpu.dot_dimension_numbers<[1], [0], [0], [1], [0, 0, 1, 1], [], []>, transpose_lhs_hint = false} : vector<128x128xf32>, vector<128x64xf32>, vector<128x64xf32> -> vector<128x64xf32>
    %dot_general3A_757 = arith.constant dense<0.000000e+00> : vector<128x64xf32>
    %dot_general3A_758 = tpu.matmul %add3A_754, %get3A_6, %dot_general3A_757 {dimension_numbers = #tpu.dot_dimension_numbers<[1], [0], [0], [1], [0, 0, 1, 1], [], []>, transpose_lhs_hint = false} : vector<128x128xf32>, vector<128x64xf32>, vector<128x64xf32> -> vector<128x64xf32>
    %dot_general3A_759 = arith.constant dense<0.000000e+00> : vector<64x64xf32>
    %dot_general3A_760 = tpu.matmul %get3A_3, %dot_general3A_756, %dot_general3A_759 {dimension_numbers = #tpu.dot_dimension_numbers<[1], [0], [0], [1], [0, 0, 1, 1], [], []>, transpose_lhs_hint = false} : vector<64x128xf32>, vector<128x64xf32>, vector<64x64xf32> -> vector<64x64xf32>
    %dot_general3A_761 = arith.constant dense<0.000000e+00> : vector<64x64xf32>
    %dot_general3A_762 = tpu.matmul %get3A_3, %dot_general3A_758, %dot_general3A_761 {dimension_numbers = #tpu.dot_dimension_numbers<[1], [0], [0], [1], [0, 0, 1, 1], [], []>, transpose_lhs_hint = false} : vector<64x128xf32>, vector<128x64xf32>, vector<64x64xf32> -> vector<64x64xf32>
    %slice3A_763 = vector.extract_strided_slice %get3A_18 {offsets = [18, 0, 0], sizes = [1, 64, 64], strides = [1, 1, 1]} : vector<32x64x64xf32> to vector<1x64x64xf32>
    %squeeze3A_764 = vector.shape_cast %slice3A_763 : vector<1x64x64xf32> to vector<64x64xf32>
    %sub3A_765 = arith.subf %squeeze3A_764, %dot_general3A_760 : vector<64x64xf32>
    %mul3A_766 = arith.mulf %dot_general3A_762, %sub3A_765 : vector<64x64xf32>
    %mul3A_767 = arith.mulf %mul3A_766, %sub3A_765 : vector<64x64xf32>
    %reduce_sum3A_768 = vector.shape_cast %mul3A_767 : vector<64x64xf32> to vector<1x64x64xf32>
    %reduce_sum3A_769 = arith.constant dense<0.000000e+00> : vector<1xf32>
    %reduce_sum3A_770 = vector.multi_reduction <add>, %reduce_sum3A_768, %reduce_sum3A_769 [1, 2] : vector<1x64x64xf32> to vector<1xf32>
    %reduce_sum3A_771 = vector.shape_cast %reduce_sum3A_770 : vector<1xf32> to vector<1x1x1xf32>
    %reduce_sum3A_772 = vector.extract %reduce_sum3A_771[0, 0, 0] : f32 from vector<1x1x1xf32>
    %add3A_773 = arith.addf %add3A_732, %reduce_sum3A_772 : f32
    %slice3A_774 = vector.extract_strided_slice %get3A_10 {offsets = [38, 0, 0], sizes = [1, 128, 128], strides = [1, 1, 1]} : vector<64x128x128xf32> to vector<1x128x128xf32>
    %squeeze3A_775 = vector.shape_cast %slice3A_774 : vector<1x128x128xf32> to vector<128x128xf32>
    %mul3A_776 = arith.constant 0.387096405 : f32
    %mul3A_777 = vector.broadcast %mul3A_776 : f32 to vector<128x128xf32>
    %mul3A_778 = arith.mulf %squeeze3A_775, %mul3A_777 : vector<128x128xf32>
    %slice3A_779 = vector.extract_strided_slice %get3A_10 {offsets = [39, 0, 0], sizes = [1, 128, 128], strides = [1, 1, 1]} : vector<64x128x128xf32> to vector<1x128x128xf32>
    %squeeze3A_780 = vector.shape_cast %slice3A_779 : vector<1x128x128xf32> to vector<128x128xf32>
    %mul3A_781 = arith.constant 0.612903594 : f32
    %mul3A_782 = vector.broadcast %mul3A_781 : f32 to vector<128x128xf32>
    %mul3A_783 = arith.mulf %squeeze3A_780, %mul3A_782 : vector<128x128xf32>
    %add3A_784 = arith.addf %mul3A_778, %mul3A_783 : vector<128x128xf32>
    %slice3A_785 = vector.extract_strided_slice %get3A_14 {offsets = [38, 0, 0], sizes = [1, 128, 128], strides = [1, 1, 1]} : vector<64x128x128xf32> to vector<1x128x128xf32>
    %squeeze3A_786 = vector.shape_cast %slice3A_785 : vector<1x128x128xf32> to vector<128x128xf32>
    %mul3A_787 = arith.constant 0.387096405 : f32
    %mul3A_788 = vector.broadcast %mul3A_787 : f32 to vector<128x128xf32>
    %mul3A_789 = arith.mulf %squeeze3A_786, %mul3A_788 : vector<128x128xf32>
    %slice3A_790 = vector.extract_strided_slice %get3A_14 {offsets = [39, 0, 0], sizes = [1, 128, 128], strides = [1, 1, 1]} : vector<64x128x128xf32> to vector<1x128x128xf32>
    %squeeze3A_791 = vector.shape_cast %slice3A_790 : vector<1x128x128xf32> to vector<128x128xf32>
    %mul3A_792 = arith.constant 0.612903594 : f32
    %mul3A_793 = vector.broadcast %mul3A_792 : f32 to vector<128x128xf32>
    %mul3A_794 = arith.mulf %squeeze3A_791, %mul3A_793 : vector<128x128xf32>
    %add3A_795 = arith.addf %mul3A_789, %mul3A_794 : vector<128x128xf32>
    %dot_general3A_796 = arith.constant dense<0.000000e+00> : vector<128x64xf32>
    %dot_general3A_797 = tpu.matmul %add3A_784, %get3A_6, %dot_general3A_796 {dimension_numbers = #tpu.dot_dimension_numbers<[1], [0], [0], [1], [0, 0, 1, 1], [], []>, transpose_lhs_hint = false} : vector<128x128xf32>, vector<128x64xf32>, vector<128x64xf32> -> vector<128x64xf32>
    %dot_general3A_798 = arith.constant dense<0.000000e+00> : vector<128x64xf32>
    %dot_general3A_799 = tpu.matmul %add3A_795, %get3A_6, %dot_general3A_798 {dimension_numbers = #tpu.dot_dimension_numbers<[1], [0], [0], [1], [0, 0, 1, 1], [], []>, transpose_lhs_hint = false} : vector<128x128xf32>, vector<128x64xf32>, vector<128x64xf32> -> vector<128x64xf32>
    %dot_general3A_800 = arith.constant dense<0.000000e+00> : vector<64x64xf32>
    %dot_general3A_801 = tpu.matmul %get3A_3, %dot_general3A_797, %dot_general3A_800 {dimension_numbers = #tpu.dot_dimension_numbers<[1], [0], [0], [1], [0, 0, 1, 1], [], []>, transpose_lhs_hint = false} : vector<64x128xf32>, vector<128x64xf32>, vector<64x64xf32> -> vector<64x64xf32>
    %dot_general3A_802 = arith.constant dense<0.000000e+00> : vector<64x64xf32>
    %dot_general3A_803 = tpu.matmul %get3A_3, %dot_general3A_799, %dot_general3A_802 {dimension_numbers = #tpu.dot_dimension_numbers<[1], [0], [0], [1], [0, 0, 1, 1], [], []>, transpose_lhs_hint = false} : vector<64x128xf32>, vector<128x64xf32>, vector<64x64xf32> -> vector<64x64xf32>
    %slice3A_804 = vector.extract_strided_slice %get3A_18 {offsets = [19, 0, 0], sizes = [1, 64, 64], strides = [1, 1, 1]} : vector<32x64x64xf32> to vector<1x64x64xf32>
    %squeeze3A_805 = vector.shape_cast %slice3A_804 : vector<1x64x64xf32> to vector<64x64xf32>
    %sub3A_806 = arith.subf %squeeze3A_805, %dot_general3A_801 : vector<64x64xf32>
    %mul3A_807 = arith.mulf %dot_general3A_803, %sub3A_806 : vector<64x64xf32>
    %mul3A_808 = arith.mulf %mul3A_807, %sub3A_806 : vector<64x64xf32>
    %reduce_sum3A_809 = vector.shape_cast %mul3A_808 : vector<64x64xf32> to vector<1x64x64xf32>
    %reduce_sum3A_810 = arith.constant dense<0.000000e+00> : vector<1xf32>
    %reduce_sum3A_811 = vector.multi_reduction <add>, %reduce_sum3A_809, %reduce_sum3A_810 [1, 2] : vector<1x64x64xf32> to vector<1xf32>
    %reduce_sum3A_812 = vector.shape_cast %reduce_sum3A_811 : vector<1xf32> to vector<1x1x1xf32>
    %reduce_sum3A_813 = vector.extract %reduce_sum3A_812[0, 0, 0] : f32 from vector<1x1x1xf32>
    %add3A_814 = arith.addf %add3A_773, %reduce_sum3A_813 : f32
    %slice3A_815 = vector.extract_strided_slice %get3A_10 {offsets = [40, 0, 0], sizes = [1, 128, 128], strides = [1, 1, 1]} : vector<64x128x128xf32> to vector<1x128x128xf32>
    %squeeze3A_816 = vector.shape_cast %slice3A_815 : vector<1x128x128xf32> to vector<128x128xf32>
    %mul3A_817 = arith.constant 0.354839325 : f32
    %mul3A_818 = vector.broadcast %mul3A_817 : f32 to vector<128x128xf32>
    %mul3A_819 = arith.mulf %squeeze3A_816, %mul3A_818 : vector<128x128xf32>
    %slice3A_820 = vector.extract_strided_slice %get3A_10 {offsets = [41, 0, 0], sizes = [1, 128, 128], strides = [1, 1, 1]} : vector<64x128x128xf32> to vector<1x128x128xf32>
    %squeeze3A_821 = vector.shape_cast %slice3A_820 : vector<1x128x128xf32> to vector<128x128xf32>
    %mul3A_822 = arith.constant 0.645160675 : f32
    %mul3A_823 = vector.broadcast %mul3A_822 : f32 to vector<128x128xf32>
    %mul3A_824 = arith.mulf %squeeze3A_821, %mul3A_823 : vector<128x128xf32>
    %add3A_825 = arith.addf %mul3A_819, %mul3A_824 : vector<128x128xf32>
    %slice3A_826 = vector.extract_strided_slice %get3A_14 {offsets = [40, 0, 0], sizes = [1, 128, 128], strides = [1, 1, 1]} : vector<64x128x128xf32> to vector<1x128x128xf32>
    %squeeze3A_827 = vector.shape_cast %slice3A_826 : vector<1x128x128xf32> to vector<128x128xf32>
    %mul3A_828 = arith.constant 0.354839325 : f32
    %mul3A_829 = vector.broadcast %mul3A_828 : f32 to vector<128x128xf32>
    %mul3A_830 = arith.mulf %squeeze3A_827, %mul3A_829 : vector<128x128xf32>
    %slice3A_831 = vector.extract_strided_slice %get3A_14 {offsets = [41, 0, 0], sizes = [1, 128, 128], strides = [1, 1, 1]} : vector<64x128x128xf32> to vector<1x128x128xf32>
    %squeeze3A_832 = vector.shape_cast %slice3A_831 : vector<1x128x128xf32> to vector<128x128xf32>
    %mul3A_833 = arith.constant 0.645160675 : f32
    %mul3A_834 = vector.broadcast %mul3A_833 : f32 to vector<128x128xf32>
    %mul3A_835 = arith.mulf %squeeze3A_832, %mul3A_834 : vector<128x128xf32>
    %add3A_836 = arith.addf %mul3A_830, %mul3A_835 : vector<128x128xf32>
    %dot_general3A_837 = arith.constant dense<0.000000e+00> : vector<128x64xf32>
    %dot_general3A_838 = tpu.matmul %add3A_825, %get3A_6, %dot_general3A_837 {dimension_numbers = #tpu.dot_dimension_numbers<[1], [0], [0], [1], [0, 0, 1, 1], [], []>, transpose_lhs_hint = false} : vector<128x128xf32>, vector<128x64xf32>, vector<128x64xf32> -> vector<128x64xf32>
    %dot_general3A_839 = arith.constant dense<0.000000e+00> : vector<128x64xf32>
    %dot_general3A_840 = tpu.matmul %add3A_836, %get3A_6, %dot_general3A_839 {dimension_numbers = #tpu.dot_dimension_numbers<[1], [0], [0], [1], [0, 0, 1, 1], [], []>, transpose_lhs_hint = false} : vector<128x128xf32>, vector<128x64xf32>, vector<128x64xf32> -> vector<128x64xf32>
    %dot_general3A_841 = arith.constant dense<0.000000e+00> : vector<64x64xf32>
    %dot_general3A_842 = tpu.matmul %get3A_3, %dot_general3A_838, %dot_general3A_841 {dimension_numbers = #tpu.dot_dimension_numbers<[1], [0], [0], [1], [0, 0, 1, 1], [], []>, transpose_lhs_hint = false} : vector<64x128xf32>, vector<128x64xf32>, vector<64x64xf32> -> vector<64x64xf32>
    %dot_general3A_843 = arith.constant dense<0.000000e+00> : vector<64x64xf32>
    %dot_general3A_844 = tpu.matmul %get3A_3, %dot_general3A_840, %dot_general3A_843 {dimension_numbers = #tpu.dot_dimension_numbers<[1], [0], [0], [1], [0, 0, 1, 1], [], []>, transpose_lhs_hint = false} : vector<64x128xf32>, vector<128x64xf32>, vector<64x64xf32> -> vector<64x64xf32>
    %slice3A_845 = vector.extract_strided_slice %get3A_18 {offsets = [20, 0, 0], sizes = [1, 64, 64], strides = [1, 1, 1]} : vector<32x64x64xf32> to vector<1x64x64xf32>
    %squeeze3A_846 = vector.shape_cast %slice3A_845 : vector<1x64x64xf32> to vector<64x64xf32>
    %sub3A_847 = arith.subf %squeeze3A_846, %dot_general3A_842 : vector<64x64xf32>
    %mul3A_848 = arith.mulf %dot_general3A_844, %sub3A_847 : vector<64x64xf32>
    %mul3A_849 = arith.mulf %mul3A_848, %sub3A_847 : vector<64x64xf32>
    %reduce_sum3A_850 = vector.shape_cast %mul3A_849 : vector<64x64xf32> to vector<1x64x64xf32>
    %reduce_sum3A_851 = arith.constant dense<0.000000e+00> : vector<1xf32>
    %reduce_sum3A_852 = vector.multi_reduction <add>, %reduce_sum3A_850, %reduce_sum3A_851 [1, 2] : vector<1x64x64xf32> to vector<1xf32>
    %reduce_sum3A_853 = vector.shape_cast %reduce_sum3A_852 : vector<1xf32> to vector<1x1x1xf32>
    %reduce_sum3A_854 = vector.extract %reduce_sum3A_853[0, 0, 0] : f32 from vector<1x1x1xf32>
    %add3A_855 = arith.addf %add3A_814, %reduce_sum3A_854 : f32
    %slice3A_856 = vector.extract_strided_slice %get3A_10 {offsets = [42, 0, 0], sizes = [1, 128, 128], strides = [1, 1, 1]} : vector<64x128x128xf32> to vector<1x128x128xf32>
    %squeeze3A_857 = vector.shape_cast %slice3A_856 : vector<1x128x128xf32> to vector<128x128xf32>
    %mul3A_858 = arith.constant 0.322582245 : f32
    %mul3A_859 = vector.broadcast %mul3A_858 : f32 to vector<128x128xf32>
    %mul3A_860 = arith.mulf %squeeze3A_857, %mul3A_859 : vector<128x128xf32>
    %slice3A_861 = vector.extract_strided_slice %get3A_10 {offsets = [43, 0, 0], sizes = [1, 128, 128], strides = [1, 1, 1]} : vector<64x128x128xf32> to vector<1x128x128xf32>
    %squeeze3A_862 = vector.shape_cast %slice3A_861 : vector<1x128x128xf32> to vector<128x128xf32>
    %mul3A_863 = arith.constant 0.677417755 : f32
    %mul3A_864 = vector.broadcast %mul3A_863 : f32 to vector<128x128xf32>
    %mul3A_865 = arith.mulf %squeeze3A_862, %mul3A_864 : vector<128x128xf32>
    %add3A_866 = arith.addf %mul3A_860, %mul3A_865 : vector<128x128xf32>
    %slice3A_867 = vector.extract_strided_slice %get3A_14 {offsets = [42, 0, 0], sizes = [1, 128, 128], strides = [1, 1, 1]} : vector<64x128x128xf32> to vector<1x128x128xf32>
    %squeeze3A_868 = vector.shape_cast %slice3A_867 : vector<1x128x128xf32> to vector<128x128xf32>
    %mul3A_869 = arith.constant 0.322582245 : f32
    %mul3A_870 = vector.broadcast %mul3A_869 : f32 to vector<128x128xf32>
    %mul3A_871 = arith.mulf %squeeze3A_868, %mul3A_870 : vector<128x128xf32>
    %slice3A_872 = vector.extract_strided_slice %get3A_14 {offsets = [43, 0, 0], sizes = [1, 128, 128], strides = [1, 1, 1]} : vector<64x128x128xf32> to vector<1x128x128xf32>
    %squeeze3A_873 = vector.shape_cast %slice3A_872 : vector<1x128x128xf32> to vector<128x128xf32>
    %mul3A_874 = arith.constant 0.677417755 : f32
    %mul3A_875 = vector.broadcast %mul3A_874 : f32 to vector<128x128xf32>
    %mul3A_876 = arith.mulf %squeeze3A_873, %mul3A_875 : vector<128x128xf32>
    %add3A_877 = arith.addf %mul3A_871, %mul3A_876 : vector<128x128xf32>
    %dot_general3A_878 = arith.constant dense<0.000000e+00> : vector<128x64xf32>
    %dot_general3A_879 = tpu.matmul %add3A_866, %get3A_6, %dot_general3A_878 {dimension_numbers = #tpu.dot_dimension_numbers<[1], [0], [0], [1], [0, 0, 1, 1], [], []>, transpose_lhs_hint = false} : vector<128x128xf32>, vector<128x64xf32>, vector<128x64xf32> -> vector<128x64xf32>
    %dot_general3A_880 = arith.constant dense<0.000000e+00> : vector<128x64xf32>
    %dot_general3A_881 = tpu.matmul %add3A_877, %get3A_6, %dot_general3A_880 {dimension_numbers = #tpu.dot_dimension_numbers<[1], [0], [0], [1], [0, 0, 1, 1], [], []>, transpose_lhs_hint = false} : vector<128x128xf32>, vector<128x64xf32>, vector<128x64xf32> -> vector<128x64xf32>
    %dot_general3A_882 = arith.constant dense<0.000000e+00> : vector<64x64xf32>
    %dot_general3A_883 = tpu.matmul %get3A_3, %dot_general3A_879, %dot_general3A_882 {dimension_numbers = #tpu.dot_dimension_numbers<[1], [0], [0], [1], [0, 0, 1, 1], [], []>, transpose_lhs_hint = false} : vector<64x128xf32>, vector<128x64xf32>, vector<64x64xf32> -> vector<64x64xf32>
    %dot_general3A_884 = arith.constant dense<0.000000e+00> : vector<64x64xf32>
    %dot_general3A_885 = tpu.matmul %get3A_3, %dot_general3A_881, %dot_general3A_884 {dimension_numbers = #tpu.dot_dimension_numbers<[1], [0], [0], [1], [0, 0, 1, 1], [], []>, transpose_lhs_hint = false} : vector<64x128xf32>, vector<128x64xf32>, vector<64x64xf32> -> vector<64x64xf32>
    %slice3A_886 = vector.extract_strided_slice %get3A_18 {offsets = [21, 0, 0], sizes = [1, 64, 64], strides = [1, 1, 1]} : vector<32x64x64xf32> to vector<1x64x64xf32>
    %squeeze3A_887 = vector.shape_cast %slice3A_886 : vector<1x64x64xf32> to vector<64x64xf32>
    %sub3A_888 = arith.subf %squeeze3A_887, %dot_general3A_883 : vector<64x64xf32>
    %mul3A_889 = arith.mulf %dot_general3A_885, %sub3A_888 : vector<64x64xf32>
    %mul3A_890 = arith.mulf %mul3A_889, %sub3A_888 : vector<64x64xf32>
    %reduce_sum3A_891 = vector.shape_cast %mul3A_890 : vector<64x64xf32> to vector<1x64x64xf32>
    %reduce_sum3A_892 = arith.constant dense<0.000000e+00> : vector<1xf32>
    %reduce_sum3A_893 = vector.multi_reduction <add>, %reduce_sum3A_891, %reduce_sum3A_892 [1, 2] : vector<1x64x64xf32> to vector<1xf32>
    %reduce_sum3A_894 = vector.shape_cast %reduce_sum3A_893 : vector<1xf32> to vector<1x1x1xf32>
    %reduce_sum3A_895 = vector.extract %reduce_sum3A_894[0, 0, 0] : f32 from vector<1x1x1xf32>
    %add3A_896 = arith.addf %add3A_855, %reduce_sum3A_895 : f32
    %slice3A_897 = vector.extract_strided_slice %get3A_10 {offsets = [44, 0, 0], sizes = [1, 128, 128], strides = [1, 1, 1]} : vector<64x128x128xf32> to vector<1x128x128xf32>
    %squeeze3A_898 = vector.shape_cast %slice3A_897 : vector<1x128x128xf32> to vector<128x128xf32>
    %mul3A_899 = arith.constant 0.29032135 : f32
    %mul3A_900 = vector.broadcast %mul3A_899 : f32 to vector<128x128xf32>
    %mul3A_901 = arith.mulf %squeeze3A_898, %mul3A_900 : vector<128x128xf32>
    %slice3A_902 = vector.extract_strided_slice %get3A_10 {offsets = [45, 0, 0], sizes = [1, 128, 128], strides = [1, 1, 1]} : vector<64x128x128xf32> to vector<1x128x128xf32>
    %squeeze3A_903 = vector.shape_cast %slice3A_902 : vector<1x128x128xf32> to vector<128x128xf32>
    %mul3A_904 = arith.constant 0.70967865 : f32
    %mul3A_905 = vector.broadcast %mul3A_904 : f32 to vector<128x128xf32>
    %mul3A_906 = arith.mulf %squeeze3A_903, %mul3A_905 : vector<128x128xf32>
    %add3A_907 = arith.addf %mul3A_901, %mul3A_906 : vector<128x128xf32>
    %slice3A_908 = vector.extract_strided_slice %get3A_14 {offsets = [44, 0, 0], sizes = [1, 128, 128], strides = [1, 1, 1]} : vector<64x128x128xf32> to vector<1x128x128xf32>
    %squeeze3A_909 = vector.shape_cast %slice3A_908 : vector<1x128x128xf32> to vector<128x128xf32>
    %mul3A_910 = arith.constant 0.29032135 : f32
    %mul3A_911 = vector.broadcast %mul3A_910 : f32 to vector<128x128xf32>
    %mul3A_912 = arith.mulf %squeeze3A_909, %mul3A_911 : vector<128x128xf32>
    %slice3A_913 = vector.extract_strided_slice %get3A_14 {offsets = [45, 0, 0], sizes = [1, 128, 128], strides = [1, 1, 1]} : vector<64x128x128xf32> to vector<1x128x128xf32>
    %squeeze3A_914 = vector.shape_cast %slice3A_913 : vector<1x128x128xf32> to vector<128x128xf32>
    %mul3A_915 = arith.constant 0.70967865 : f32
    %mul3A_916 = vector.broadcast %mul3A_915 : f32 to vector<128x128xf32>
    %mul3A_917 = arith.mulf %squeeze3A_914, %mul3A_916 : vector<128x128xf32>
    %add3A_918 = arith.addf %mul3A_912, %mul3A_917 : vector<128x128xf32>
    %dot_general3A_919 = arith.constant dense<0.000000e+00> : vector<128x64xf32>
    %dot_general3A_920 = tpu.matmul %add3A_907, %get3A_6, %dot_general3A_919 {dimension_numbers = #tpu.dot_dimension_numbers<[1], [0], [0], [1], [0, 0, 1, 1], [], []>, transpose_lhs_hint = false} : vector<128x128xf32>, vector<128x64xf32>, vector<128x64xf32> -> vector<128x64xf32>
    %dot_general3A_921 = arith.constant dense<0.000000e+00> : vector<128x64xf32>
    %dot_general3A_922 = tpu.matmul %add3A_918, %get3A_6, %dot_general3A_921 {dimension_numbers = #tpu.dot_dimension_numbers<[1], [0], [0], [1], [0, 0, 1, 1], [], []>, transpose_lhs_hint = false} : vector<128x128xf32>, vector<128x64xf32>, vector<128x64xf32> -> vector<128x64xf32>
    %dot_general3A_923 = arith.constant dense<0.000000e+00> : vector<64x64xf32>
    %dot_general3A_924 = tpu.matmul %get3A_3, %dot_general3A_920, %dot_general3A_923 {dimension_numbers = #tpu.dot_dimension_numbers<[1], [0], [0], [1], [0, 0, 1, 1], [], []>, transpose_lhs_hint = false} : vector<64x128xf32>, vector<128x64xf32>, vector<64x64xf32> -> vector<64x64xf32>
    %dot_general3A_925 = arith.constant dense<0.000000e+00> : vector<64x64xf32>
    %dot_general3A_926 = tpu.matmul %get3A_3, %dot_general3A_922, %dot_general3A_925 {dimension_numbers = #tpu.dot_dimension_numbers<[1], [0], [0], [1], [0, 0, 1, 1], [], []>, transpose_lhs_hint = false} : vector<64x128xf32>, vector<128x64xf32>, vector<64x64xf32> -> vector<64x64xf32>
    %slice3A_927 = vector.extract_strided_slice %get3A_18 {offsets = [22, 0, 0], sizes = [1, 64, 64], strides = [1, 1, 1]} : vector<32x64x64xf32> to vector<1x64x64xf32>
    %squeeze3A_928 = vector.shape_cast %slice3A_927 : vector<1x64x64xf32> to vector<64x64xf32>
    %sub3A_929 = arith.subf %squeeze3A_928, %dot_general3A_924 : vector<64x64xf32>
    %mul3A_930 = arith.mulf %dot_general3A_926, %sub3A_929 : vector<64x64xf32>
    %mul3A_931 = arith.mulf %mul3A_930, %sub3A_929 : vector<64x64xf32>
    %reduce_sum3A_932 = vector.shape_cast %mul3A_931 : vector<64x64xf32> to vector<1x64x64xf32>
    %reduce_sum3A_933 = arith.constant dense<0.000000e+00> : vector<1xf32>
    %reduce_sum3A_934 = vector.multi_reduction <add>, %reduce_sum3A_932, %reduce_sum3A_933 [1, 2] : vector<1x64x64xf32> to vector<1xf32>
    %reduce_sum3A_935 = vector.shape_cast %reduce_sum3A_934 : vector<1xf32> to vector<1x1x1xf32>
    %reduce_sum3A_936 = vector.extract %reduce_sum3A_935[0, 0, 0] : f32 from vector<1x1x1xf32>
    %add3A_937 = arith.addf %add3A_896, %reduce_sum3A_936 : f32
    %slice3A_938 = vector.extract_strided_slice %get3A_10 {offsets = [46, 0, 0], sizes = [1, 128, 128], strides = [1, 1, 1]} : vector<64x128x128xf32> to vector<1x128x128xf32>
    %squeeze3A_939 = vector.shape_cast %slice3A_938 : vector<1x128x128xf32> to vector<128x128xf32>
    %mul3A_940 = arith.constant 0.25806427 : f32
    %mul3A_941 = vector.broadcast %mul3A_940 : f32 to vector<128x128xf32>
    %mul3A_942 = arith.mulf %squeeze3A_939, %mul3A_941 : vector<128x128xf32>
    %slice3A_943 = vector.extract_strided_slice %get3A_10 {offsets = [47, 0, 0], sizes = [1, 128, 128], strides = [1, 1, 1]} : vector<64x128x128xf32> to vector<1x128x128xf32>
    %squeeze3A_944 = vector.shape_cast %slice3A_943 : vector<1x128x128xf32> to vector<128x128xf32>
    %mul3A_945 = arith.constant 0.741935729 : f32
    %mul3A_946 = vector.broadcast %mul3A_945 : f32 to vector<128x128xf32>
    %mul3A_947 = arith.mulf %squeeze3A_944, %mul3A_946 : vector<128x128xf32>
    %add3A_948 = arith.addf %mul3A_942, %mul3A_947 : vector<128x128xf32>
    %slice3A_949 = vector.extract_strided_slice %get3A_14 {offsets = [46, 0, 0], sizes = [1, 128, 128], strides = [1, 1, 1]} : vector<64x128x128xf32> to vector<1x128x128xf32>
    %squeeze3A_950 = vector.shape_cast %slice3A_949 : vector<1x128x128xf32> to vector<128x128xf32>
    %mul3A_951 = arith.constant 0.25806427 : f32
    %mul3A_952 = vector.broadcast %mul3A_951 : f32 to vector<128x128xf32>
    %mul3A_953 = arith.mulf %squeeze3A_950, %mul3A_952 : vector<128x128xf32>
    %slice3A_954 = vector.extract_strided_slice %get3A_14 {offsets = [47, 0, 0], sizes = [1, 128, 128], strides = [1, 1, 1]} : vector<64x128x128xf32> to vector<1x128x128xf32>
    %squeeze3A_955 = vector.shape_cast %slice3A_954 : vector<1x128x128xf32> to vector<128x128xf32>
    %mul3A_956 = arith.constant 0.741935729 : f32
    %mul3A_957 = vector.broadcast %mul3A_956 : f32 to vector<128x128xf32>
    %mul3A_958 = arith.mulf %squeeze3A_955, %mul3A_957 : vector<128x128xf32>
    %add3A_959 = arith.addf %mul3A_953, %mul3A_958 : vector<128x128xf32>
    %dot_general3A_960 = arith.constant dense<0.000000e+00> : vector<128x64xf32>
    %dot_general3A_961 = tpu.matmul %add3A_948, %get3A_6, %dot_general3A_960 {dimension_numbers = #tpu.dot_dimension_numbers<[1], [0], [0], [1], [0, 0, 1, 1], [], []>, transpose_lhs_hint = false} : vector<128x128xf32>, vector<128x64xf32>, vector<128x64xf32> -> vector<128x64xf32>
    %dot_general3A_962 = arith.constant dense<0.000000e+00> : vector<128x64xf32>
    %dot_general3A_963 = tpu.matmul %add3A_959, %get3A_6, %dot_general3A_962 {dimension_numbers = #tpu.dot_dimension_numbers<[1], [0], [0], [1], [0, 0, 1, 1], [], []>, transpose_lhs_hint = false} : vector<128x128xf32>, vector<128x64xf32>, vector<128x64xf32> -> vector<128x64xf32>
    %dot_general3A_964 = arith.constant dense<0.000000e+00> : vector<64x64xf32>
    %dot_general3A_965 = tpu.matmul %get3A_3, %dot_general3A_961, %dot_general3A_964 {dimension_numbers = #tpu.dot_dimension_numbers<[1], [0], [0], [1], [0, 0, 1, 1], [], []>, transpose_lhs_hint = false} : vector<64x128xf32>, vector<128x64xf32>, vector<64x64xf32> -> vector<64x64xf32>
    %dot_general3A_966 = arith.constant dense<0.000000e+00> : vector<64x64xf32>
    %dot_general3A_967 = tpu.matmul %get3A_3, %dot_general3A_963, %dot_general3A_966 {dimension_numbers = #tpu.dot_dimension_numbers<[1], [0], [0], [1], [0, 0, 1, 1], [], []>, transpose_lhs_hint = false} : vector<64x128xf32>, vector<128x64xf32>, vector<64x64xf32> -> vector<64x64xf32>
    %slice3A_968 = vector.extract_strided_slice %get3A_18 {offsets = [23, 0, 0], sizes = [1, 64, 64], strides = [1, 1, 1]} : vector<32x64x64xf32> to vector<1x64x64xf32>
    %squeeze3A_969 = vector.shape_cast %slice3A_968 : vector<1x64x64xf32> to vector<64x64xf32>
    %sub3A_970 = arith.subf %squeeze3A_969, %dot_general3A_965 : vector<64x64xf32>
    %mul3A_971 = arith.mulf %dot_general3A_967, %sub3A_970 : vector<64x64xf32>
    %mul3A_972 = arith.mulf %mul3A_971, %sub3A_970 : vector<64x64xf32>
    %reduce_sum3A_973 = vector.shape_cast %mul3A_972 : vector<64x64xf32> to vector<1x64x64xf32>
    %reduce_sum3A_974 = arith.constant dense<0.000000e+00> : vector<1xf32>
    %reduce_sum3A_975 = vector.multi_reduction <add>, %reduce_sum3A_973, %reduce_sum3A_974 [1, 2] : vector<1x64x64xf32> to vector<1xf32>
    %reduce_sum3A_976 = vector.shape_cast %reduce_sum3A_975 : vector<1xf32> to vector<1x1x1xf32>
    %reduce_sum3A_977 = vector.extract %reduce_sum3A_976[0, 0, 0] : f32 from vector<1x1x1xf32>
    %add3A_978 = arith.addf %add3A_937, %reduce_sum3A_977 : f32
    %slice3A_979 = vector.extract_strided_slice %get3A_10 {offsets = [48, 0, 0], sizes = [1, 128, 128], strides = [1, 1, 1]} : vector<64x128x128xf32> to vector<1x128x128xf32>
    %squeeze3A_980 = vector.shape_cast %slice3A_979 : vector<1x128x128xf32> to vector<128x128xf32>
    %mul3A_981 = arith.constant 0.22580719 : f32
    %mul3A_982 = vector.broadcast %mul3A_981 : f32 to vector<128x128xf32>
    %mul3A_983 = arith.mulf %squeeze3A_980, %mul3A_982 : vector<128x128xf32>
    %slice3A_984 = vector.extract_strided_slice %get3A_10 {offsets = [49, 0, 0], sizes = [1, 128, 128], strides = [1, 1, 1]} : vector<64x128x128xf32> to vector<1x128x128xf32>
    %squeeze3A_985 = vector.shape_cast %slice3A_984 : vector<1x128x128xf32> to vector<128x128xf32>
    %mul3A_986 = arith.constant 0.77419281 : f32
    %mul3A_987 = vector.broadcast %mul3A_986 : f32 to vector<128x128xf32>
    %mul3A_988 = arith.mulf %squeeze3A_985, %mul3A_987 : vector<128x128xf32>
    %add3A_989 = arith.addf %mul3A_983, %mul3A_988 : vector<128x128xf32>
    %slice3A_990 = vector.extract_strided_slice %get3A_14 {offsets = [48, 0, 0], sizes = [1, 128, 128], strides = [1, 1, 1]} : vector<64x128x128xf32> to vector<1x128x128xf32>
    %squeeze3A_991 = vector.shape_cast %slice3A_990 : vector<1x128x128xf32> to vector<128x128xf32>
    %mul3A_992 = arith.constant 0.22580719 : f32
    %mul3A_993 = vector.broadcast %mul3A_992 : f32 to vector<128x128xf32>
    %mul3A_994 = arith.mulf %squeeze3A_991, %mul3A_993 : vector<128x128xf32>
    %slice3A_995 = vector.extract_strided_slice %get3A_14 {offsets = [49, 0, 0], sizes = [1, 128, 128], strides = [1, 1, 1]} : vector<64x128x128xf32> to vector<1x128x128xf32>
    %squeeze3A_996 = vector.shape_cast %slice3A_995 : vector<1x128x128xf32> to vector<128x128xf32>
    %mul3A_997 = arith.constant 0.77419281 : f32
    %mul3A_998 = vector.broadcast %mul3A_997 : f32 to vector<128x128xf32>
    %mul3A_999 = arith.mulf %squeeze3A_996, %mul3A_998 : vector<128x128xf32>
    %add3A_1000 = arith.addf %mul3A_994, %mul3A_999 : vector<128x128xf32>
    %dot_general3A_1001 = arith.constant dense<0.000000e+00> : vector<128x64xf32>
    %dot_general3A_1002 = tpu.matmul %add3A_989, %get3A_6, %dot_general3A_1001 {dimension_numbers = #tpu.dot_dimension_numbers<[1], [0], [0], [1], [0, 0, 1, 1], [], []>, transpose_lhs_hint = false} : vector<128x128xf32>, vector<128x64xf32>, vector<128x64xf32> -> vector<128x64xf32>
    %dot_general3A_1003 = arith.constant dense<0.000000e+00> : vector<128x64xf32>
    %dot_general3A_1004 = tpu.matmul %add3A_1000, %get3A_6, %dot_general3A_1003 {dimension_numbers = #tpu.dot_dimension_numbers<[1], [0], [0], [1], [0, 0, 1, 1], [], []>, transpose_lhs_hint = false} : vector<128x128xf32>, vector<128x64xf32>, vector<128x64xf32> -> vector<128x64xf32>
    %dot_general3A_1005 = arith.constant dense<0.000000e+00> : vector<64x64xf32>
    %dot_general3A_1006 = tpu.matmul %get3A_3, %dot_general3A_1002, %dot_general3A_1005 {dimension_numbers = #tpu.dot_dimension_numbers<[1], [0], [0], [1], [0, 0, 1, 1], [], []>, transpose_lhs_hint = false} : vector<64x128xf32>, vector<128x64xf32>, vector<64x64xf32> -> vector<64x64xf32>
    %dot_general3A_1007 = arith.constant dense<0.000000e+00> : vector<64x64xf32>
    %dot_general3A_1008 = tpu.matmul %get3A_3, %dot_general3A_1004, %dot_general3A_1007 {dimension_numbers = #tpu.dot_dimension_numbers<[1], [0], [0], [1], [0, 0, 1, 1], [], []>, transpose_lhs_hint = false} : vector<64x128xf32>, vector<128x64xf32>, vector<64x64xf32> -> vector<64x64xf32>
    %slice3A_1009 = vector.extract_strided_slice %get3A_18 {offsets = [24, 0, 0], sizes = [1, 64, 64], strides = [1, 1, 1]} : vector<32x64x64xf32> to vector<1x64x64xf32>
    %squeeze3A_1010 = vector.shape_cast %slice3A_1009 : vector<1x64x64xf32> to vector<64x64xf32>
    %sub3A_1011 = arith.subf %squeeze3A_1010, %dot_general3A_1006 : vector<64x64xf32>
    %mul3A_1012 = arith.mulf %dot_general3A_1008, %sub3A_1011 : vector<64x64xf32>
    %mul3A_1013 = arith.mulf %mul3A_1012, %sub3A_1011 : vector<64x64xf32>
    %reduce_sum3A_1014 = vector.shape_cast %mul3A_1013 : vector<64x64xf32> to vector<1x64x64xf32>
    %reduce_sum3A_1015 = arith.constant dense<0.000000e+00> : vector<1xf32>
    %reduce_sum3A_1016 = vector.multi_reduction <add>, %reduce_sum3A_1014, %reduce_sum3A_1015 [1, 2] : vector<1x64x64xf32> to vector<1xf32>
    %reduce_sum3A_1017 = vector.shape_cast %reduce_sum3A_1016 : vector<1xf32> to vector<1x1x1xf32>
    %reduce_sum3A_1018 = vector.extract %reduce_sum3A_1017[0, 0, 0] : f32 from vector<1x1x1xf32>
    %add3A_1019 = arith.addf %add3A_978, %reduce_sum3A_1018 : f32
    %slice3A_1020 = vector.extract_strided_slice %get3A_10 {offsets = [50, 0, 0], sizes = [1, 128, 128], strides = [1, 1, 1]} : vector<64x128x128xf32> to vector<1x128x128xf32>
    %squeeze3A_1021 = vector.shape_cast %slice3A_1020 : vector<1x128x128xf32> to vector<128x128xf32>
    %mul3A_1022 = arith.constant 0.19355011 : f32
    %mul3A_1023 = vector.broadcast %mul3A_1022 : f32 to vector<128x128xf32>
    %mul3A_1024 = arith.mulf %squeeze3A_1021, %mul3A_1023 : vector<128x128xf32>
    %slice3A_1025 = vector.extract_strided_slice %get3A_10 {offsets = [51, 0, 0], sizes = [1, 128, 128], strides = [1, 1, 1]} : vector<64x128x128xf32> to vector<1x128x128xf32>
    %squeeze3A_1026 = vector.shape_cast %slice3A_1025 : vector<1x128x128xf32> to vector<128x128xf32>
    %mul3A_1027 = arith.constant 0.80644989 : f32
    %mul3A_1028 = vector.broadcast %mul3A_1027 : f32 to vector<128x128xf32>
    %mul3A_1029 = arith.mulf %squeeze3A_1026, %mul3A_1028 : vector<128x128xf32>
    %add3A_1030 = arith.addf %mul3A_1024, %mul3A_1029 : vector<128x128xf32>
    %slice3A_1031 = vector.extract_strided_slice %get3A_14 {offsets = [50, 0, 0], sizes = [1, 128, 128], strides = [1, 1, 1]} : vector<64x128x128xf32> to vector<1x128x128xf32>
    %squeeze3A_1032 = vector.shape_cast %slice3A_1031 : vector<1x128x128xf32> to vector<128x128xf32>
    %mul3A_1033 = arith.constant 0.19355011 : f32
    %mul3A_1034 = vector.broadcast %mul3A_1033 : f32 to vector<128x128xf32>
    %mul3A_1035 = arith.mulf %squeeze3A_1032, %mul3A_1034 : vector<128x128xf32>
    %slice3A_1036 = vector.extract_strided_slice %get3A_14 {offsets = [51, 0, 0], sizes = [1, 128, 128], strides = [1, 1, 1]} : vector<64x128x128xf32> to vector<1x128x128xf32>
    %squeeze3A_1037 = vector.shape_cast %slice3A_1036 : vector<1x128x128xf32> to vector<128x128xf32>
    %mul3A_1038 = arith.constant 0.80644989 : f32
    %mul3A_1039 = vector.broadcast %mul3A_1038 : f32 to vector<128x128xf32>
    %mul3A_1040 = arith.mulf %squeeze3A_1037, %mul3A_1039 : vector<128x128xf32>
    %add3A_1041 = arith.addf %mul3A_1035, %mul3A_1040 : vector<128x128xf32>
    %dot_general3A_1042 = arith.constant dense<0.000000e+00> : vector<128x64xf32>
    %dot_general3A_1043 = tpu.matmul %add3A_1030, %get3A_6, %dot_general3A_1042 {dimension_numbers = #tpu.dot_dimension_numbers<[1], [0], [0], [1], [0, 0, 1, 1], [], []>, transpose_lhs_hint = false} : vector<128x128xf32>, vector<128x64xf32>, vector<128x64xf32> -> vector<128x64xf32>
    %dot_general3A_1044 = arith.constant dense<0.000000e+00> : vector<128x64xf32>
    %dot_general3A_1045 = tpu.matmul %add3A_1041, %get3A_6, %dot_general3A_1044 {dimension_numbers = #tpu.dot_dimension_numbers<[1], [0], [0], [1], [0, 0, 1, 1], [], []>, transpose_lhs_hint = false} : vector<128x128xf32>, vector<128x64xf32>, vector<128x64xf32> -> vector<128x64xf32>
    %dot_general3A_1046 = arith.constant dense<0.000000e+00> : vector<64x64xf32>
    %dot_general3A_1047 = tpu.matmul %get3A_3, %dot_general3A_1043, %dot_general3A_1046 {dimension_numbers = #tpu.dot_dimension_numbers<[1], [0], [0], [1], [0, 0, 1, 1], [], []>, transpose_lhs_hint = false} : vector<64x128xf32>, vector<128x64xf32>, vector<64x64xf32> -> vector<64x64xf32>
    %dot_general3A_1048 = arith.constant dense<0.000000e+00> : vector<64x64xf32>
    %dot_general3A_1049 = tpu.matmul %get3A_3, %dot_general3A_1045, %dot_general3A_1048 {dimension_numbers = #tpu.dot_dimension_numbers<[1], [0], [0], [1], [0, 0, 1, 1], [], []>, transpose_lhs_hint = false} : vector<64x128xf32>, vector<128x64xf32>, vector<64x64xf32> -> vector<64x64xf32>
    %slice3A_1050 = vector.extract_strided_slice %get3A_18 {offsets = [25, 0, 0], sizes = [1, 64, 64], strides = [1, 1, 1]} : vector<32x64x64xf32> to vector<1x64x64xf32>
    %squeeze3A_1051 = vector.shape_cast %slice3A_1050 : vector<1x64x64xf32> to vector<64x64xf32>
    %sub3A_1052 = arith.subf %squeeze3A_1051, %dot_general3A_1047 : vector<64x64xf32>
    %mul3A_1053 = arith.mulf %dot_general3A_1049, %sub3A_1052 : vector<64x64xf32>
    %mul3A_1054 = arith.mulf %mul3A_1053, %sub3A_1052 : vector<64x64xf32>
    %reduce_sum3A_1055 = vector.shape_cast %mul3A_1054 : vector<64x64xf32> to vector<1x64x64xf32>
    %reduce_sum3A_1056 = arith.constant dense<0.000000e+00> : vector<1xf32>
    %reduce_sum3A_1057 = vector.multi_reduction <add>, %reduce_sum3A_1055, %reduce_sum3A_1056 [1, 2] : vector<1x64x64xf32> to vector<1xf32>
    %reduce_sum3A_1058 = vector.shape_cast %reduce_sum3A_1057 : vector<1xf32> to vector<1x1x1xf32>
    %reduce_sum3A_1059 = vector.extract %reduce_sum3A_1058[0, 0, 0] : f32 from vector<1x1x1xf32>
    %add3A_1060 = arith.addf %add3A_1019, %reduce_sum3A_1059 : f32
    %slice3A_1061 = vector.extract_strided_slice %get3A_10 {offsets = [52, 0, 0], sizes = [1, 128, 128], strides = [1, 1, 1]} : vector<64x128x128xf32> to vector<1x128x128xf32>
    %squeeze3A_1062 = vector.shape_cast %slice3A_1061 : vector<1x128x128xf32> to vector<128x128xf32>
    %mul3A_1063 = arith.constant 0.161289215 : f32
    %mul3A_1064 = vector.broadcast %mul3A_1063 : f32 to vector<128x128xf32>
    %mul3A_1065 = arith.mulf %squeeze3A_1062, %mul3A_1064 : vector<128x128xf32>
    %slice3A_1066 = vector.extract_strided_slice %get3A_10 {offsets = [53, 0, 0], sizes = [1, 128, 128], strides = [1, 1, 1]} : vector<64x128x128xf32> to vector<1x128x128xf32>
    %squeeze3A_1067 = vector.shape_cast %slice3A_1066 : vector<1x128x128xf32> to vector<128x128xf32>
    %mul3A_1068 = arith.constant 0.838710784 : f32
    %mul3A_1069 = vector.broadcast %mul3A_1068 : f32 to vector<128x128xf32>
    %mul3A_1070 = arith.mulf %squeeze3A_1067, %mul3A_1069 : vector<128x128xf32>
    %add3A_1071 = arith.addf %mul3A_1065, %mul3A_1070 : vector<128x128xf32>
    %slice3A_1072 = vector.extract_strided_slice %get3A_14 {offsets = [52, 0, 0], sizes = [1, 128, 128], strides = [1, 1, 1]} : vector<64x128x128xf32> to vector<1x128x128xf32>
    %squeeze3A_1073 = vector.shape_cast %slice3A_1072 : vector<1x128x128xf32> to vector<128x128xf32>
    %mul3A_1074 = arith.constant 0.161289215 : f32
    %mul3A_1075 = vector.broadcast %mul3A_1074 : f32 to vector<128x128xf32>
    %mul3A_1076 = arith.mulf %squeeze3A_1073, %mul3A_1075 : vector<128x128xf32>
    %slice3A_1077 = vector.extract_strided_slice %get3A_14 {offsets = [53, 0, 0], sizes = [1, 128, 128], strides = [1, 1, 1]} : vector<64x128x128xf32> to vector<1x128x128xf32>
    %squeeze3A_1078 = vector.shape_cast %slice3A_1077 : vector<1x128x128xf32> to vector<128x128xf32>
    %mul3A_1079 = arith.constant 0.838710784 : f32
    %mul3A_1080 = vector.broadcast %mul3A_1079 : f32 to vector<128x128xf32>
    %mul3A_1081 = arith.mulf %squeeze3A_1078, %mul3A_1080 : vector<128x128xf32>
    %add3A_1082 = arith.addf %mul3A_1076, %mul3A_1081 : vector<128x128xf32>
    %dot_general3A_1083 = arith.constant dense<0.000000e+00> : vector<128x64xf32>
    %dot_general3A_1084 = tpu.matmul %add3A_1071, %get3A_6, %dot_general3A_1083 {dimension_numbers = #tpu.dot_dimension_numbers<[1], [0], [0], [1], [0, 0, 1, 1], [], []>, transpose_lhs_hint = false} : vector<128x128xf32>, vector<128x64xf32>, vector<128x64xf32> -> vector<128x64xf32>
    %dot_general3A_1085 = arith.constant dense<0.000000e+00> : vector<128x64xf32>
    %dot_general3A_1086 = tpu.matmul %add3A_1082, %get3A_6, %dot_general3A_1085 {dimension_numbers = #tpu.dot_dimension_numbers<[1], [0], [0], [1], [0, 0, 1, 1], [], []>, transpose_lhs_hint = false} : vector<128x128xf32>, vector<128x64xf32>, vector<128x64xf32> -> vector<128x64xf32>
    %dot_general3A_1087 = arith.constant dense<0.000000e+00> : vector<64x64xf32>
    %dot_general3A_1088 = tpu.matmul %get3A_3, %dot_general3A_1084, %dot_general3A_1087 {dimension_numbers = #tpu.dot_dimension_numbers<[1], [0], [0], [1], [0, 0, 1, 1], [], []>, transpose_lhs_hint = false} : vector<64x128xf32>, vector<128x64xf32>, vector<64x64xf32> -> vector<64x64xf32>
    %dot_general3A_1089 = arith.constant dense<0.000000e+00> : vector<64x64xf32>
    %dot_general3A_1090 = tpu.matmul %get3A_3, %dot_general3A_1086, %dot_general3A_1089 {dimension_numbers = #tpu.dot_dimension_numbers<[1], [0], [0], [1], [0, 0, 1, 1], [], []>, transpose_lhs_hint = false} : vector<64x128xf32>, vector<128x64xf32>, vector<64x64xf32> -> vector<64x64xf32>
    %slice3A_1091 = vector.extract_strided_slice %get3A_18 {offsets = [26, 0, 0], sizes = [1, 64, 64], strides = [1, 1, 1]} : vector<32x64x64xf32> to vector<1x64x64xf32>
    %squeeze3A_1092 = vector.shape_cast %slice3A_1091 : vector<1x64x64xf32> to vector<64x64xf32>
    %sub3A_1093 = arith.subf %squeeze3A_1092, %dot_general3A_1088 : vector<64x64xf32>
    %mul3A_1094 = arith.mulf %dot_general3A_1090, %sub3A_1093 : vector<64x64xf32>
    %mul3A_1095 = arith.mulf %mul3A_1094, %sub3A_1093 : vector<64x64xf32>
    %reduce_sum3A_1096 = vector.shape_cast %mul3A_1095 : vector<64x64xf32> to vector<1x64x64xf32>
    %reduce_sum3A_1097 = arith.constant dense<0.000000e+00> : vector<1xf32>
    %reduce_sum3A_1098 = vector.multi_reduction <add>, %reduce_sum3A_1096, %reduce_sum3A_1097 [1, 2] : vector<1x64x64xf32> to vector<1xf32>
    %reduce_sum3A_1099 = vector.shape_cast %reduce_sum3A_1098 : vector<1xf32> to vector<1x1x1xf32>
    %reduce_sum3A_1100 = vector.extract %reduce_sum3A_1099[0, 0, 0] : f32 from vector<1x1x1xf32>
    %add3A_1101 = arith.addf %add3A_1060, %reduce_sum3A_1100 : f32
    %slice3A_1102 = vector.extract_strided_slice %get3A_10 {offsets = [54, 0, 0], sizes = [1, 128, 128], strides = [1, 1, 1]} : vector<64x128x128xf32> to vector<1x128x128xf32>
    %squeeze3A_1103 = vector.shape_cast %slice3A_1102 : vector<1x128x128xf32> to vector<128x128xf32>
    %mul3A_1104 = arith.constant 0.129032135 : f32
    %mul3A_1105 = vector.broadcast %mul3A_1104 : f32 to vector<128x128xf32>
    %mul3A_1106 = arith.mulf %squeeze3A_1103, %mul3A_1105 : vector<128x128xf32>
    %slice3A_1107 = vector.extract_strided_slice %get3A_10 {offsets = [55, 0, 0], sizes = [1, 128, 128], strides = [1, 1, 1]} : vector<64x128x128xf32> to vector<1x128x128xf32>
    %squeeze3A_1108 = vector.shape_cast %slice3A_1107 : vector<1x128x128xf32> to vector<128x128xf32>
    %mul3A_1109 = arith.constant 0.870967864 : f32
    %mul3A_1110 = vector.broadcast %mul3A_1109 : f32 to vector<128x128xf32>
    %mul3A_1111 = arith.mulf %squeeze3A_1108, %mul3A_1110 : vector<128x128xf32>
    %add3A_1112 = arith.addf %mul3A_1106, %mul3A_1111 : vector<128x128xf32>
    %slice3A_1113 = vector.extract_strided_slice %get3A_14 {offsets = [54, 0, 0], sizes = [1, 128, 128], strides = [1, 1, 1]} : vector<64x128x128xf32> to vector<1x128x128xf32>
    %squeeze3A_1114 = vector.shape_cast %slice3A_1113 : vector<1x128x128xf32> to vector<128x128xf32>
    %mul3A_1115 = arith.constant 0.129032135 : f32
    %mul3A_1116 = vector.broadcast %mul3A_1115 : f32 to vector<128x128xf32>
    %mul3A_1117 = arith.mulf %squeeze3A_1114, %mul3A_1116 : vector<128x128xf32>
    %slice3A_1118 = vector.extract_strided_slice %get3A_14 {offsets = [55, 0, 0], sizes = [1, 128, 128], strides = [1, 1, 1]} : vector<64x128x128xf32> to vector<1x128x128xf32>
    %squeeze3A_1119 = vector.shape_cast %slice3A_1118 : vector<1x128x128xf32> to vector<128x128xf32>
    %mul3A_1120 = arith.constant 0.870967864 : f32
    %mul3A_1121 = vector.broadcast %mul3A_1120 : f32 to vector<128x128xf32>
    %mul3A_1122 = arith.mulf %squeeze3A_1119, %mul3A_1121 : vector<128x128xf32>
    %add3A_1123 = arith.addf %mul3A_1117, %mul3A_1122 : vector<128x128xf32>
    %dot_general3A_1124 = arith.constant dense<0.000000e+00> : vector<128x64xf32>
    %dot_general3A_1125 = tpu.matmul %add3A_1112, %get3A_6, %dot_general3A_1124 {dimension_numbers = #tpu.dot_dimension_numbers<[1], [0], [0], [1], [0, 0, 1, 1], [], []>, transpose_lhs_hint = false} : vector<128x128xf32>, vector<128x64xf32>, vector<128x64xf32> -> vector<128x64xf32>
    %dot_general3A_1126 = arith.constant dense<0.000000e+00> : vector<128x64xf32>
    %dot_general3A_1127 = tpu.matmul %add3A_1123, %get3A_6, %dot_general3A_1126 {dimension_numbers = #tpu.dot_dimension_numbers<[1], [0], [0], [1], [0, 0, 1, 1], [], []>, transpose_lhs_hint = false} : vector<128x128xf32>, vector<128x64xf32>, vector<128x64xf32> -> vector<128x64xf32>
    %dot_general3A_1128 = arith.constant dense<0.000000e+00> : vector<64x64xf32>
    %dot_general3A_1129 = tpu.matmul %get3A_3, %dot_general3A_1125, %dot_general3A_1128 {dimension_numbers = #tpu.dot_dimension_numbers<[1], [0], [0], [1], [0, 0, 1, 1], [], []>, transpose_lhs_hint = false} : vector<64x128xf32>, vector<128x64xf32>, vector<64x64xf32> -> vector<64x64xf32>
    %dot_general3A_1130 = arith.constant dense<0.000000e+00> : vector<64x64xf32>
    %dot_general3A_1131 = tpu.matmul %get3A_3, %dot_general3A_1127, %dot_general3A_1130 {dimension_numbers = #tpu.dot_dimension_numbers<[1], [0], [0], [1], [0, 0, 1, 1], [], []>, transpose_lhs_hint = false} : vector<64x128xf32>, vector<128x64xf32>, vector<64x64xf32> -> vector<64x64xf32>
    %slice3A_1132 = vector.extract_strided_slice %get3A_18 {offsets = [27, 0, 0], sizes = [1, 64, 64], strides = [1, 1, 1]} : vector<32x64x64xf32> to vector<1x64x64xf32>
    %squeeze3A_1133 = vector.shape_cast %slice3A_1132 : vector<1x64x64xf32> to vector<64x64xf32>
    %sub3A_1134 = arith.subf %squeeze3A_1133, %dot_general3A_1129 : vector<64x64xf32>
    %mul3A_1135 = arith.mulf %dot_general3A_1131, %sub3A_1134 : vector<64x64xf32>
    %mul3A_1136 = arith.mulf %mul3A_1135, %sub3A_1134 : vector<64x64xf32>
    %reduce_sum3A_1137 = vector.shape_cast %mul3A_1136 : vector<64x64xf32> to vector<1x64x64xf32>
    %reduce_sum3A_1138 = arith.constant dense<0.000000e+00> : vector<1xf32>
    %reduce_sum3A_1139 = vector.multi_reduction <add>, %reduce_sum3A_1137, %reduce_sum3A_1138 [1, 2] : vector<1x64x64xf32> to vector<1xf32>
    %reduce_sum3A_1140 = vector.shape_cast %reduce_sum3A_1139 : vector<1xf32> to vector<1x1x1xf32>
    %reduce_sum3A_1141 = vector.extract %reduce_sum3A_1140[0, 0, 0] : f32 from vector<1x1x1xf32>
    %add3A_1142 = arith.addf %add3A_1101, %reduce_sum3A_1141 : f32
    %slice3A_1143 = vector.extract_strided_slice %get3A_10 {offsets = [56, 0, 0], sizes = [1, 128, 128], strides = [1, 1, 1]} : vector<64x128x128xf32> to vector<1x128x128xf32>
    %squeeze3A_1144 = vector.shape_cast %slice3A_1143 : vector<1x128x128xf32> to vector<128x128xf32>
    %mul3A_1145 = arith.constant 0.0967750549 : f32
    %mul3A_1146 = vector.broadcast %mul3A_1145 : f32 to vector<128x128xf32>
    %mul3A_1147 = arith.mulf %squeeze3A_1144, %mul3A_1146 : vector<128x128xf32>
    %slice3A_1148 = vector.extract_strided_slice %get3A_10 {offsets = [57, 0, 0], sizes = [1, 128, 128], strides = [1, 1, 1]} : vector<64x128x128xf32> to vector<1x128x128xf32>
    %squeeze3A_1149 = vector.shape_cast %slice3A_1148 : vector<1x128x128xf32> to vector<128x128xf32>
    %mul3A_1150 = arith.constant 0.903224945 : f32
    %mul3A_1151 = vector.broadcast %mul3A_1150 : f32 to vector<128x128xf32>
    %mul3A_1152 = arith.mulf %squeeze3A_1149, %mul3A_1151 : vector<128x128xf32>
    %add3A_1153 = arith.addf %mul3A_1147, %mul3A_1152 : vector<128x128xf32>
    %slice3A_1154 = vector.extract_strided_slice %get3A_14 {offsets = [56, 0, 0], sizes = [1, 128, 128], strides = [1, 1, 1]} : vector<64x128x128xf32> to vector<1x128x128xf32>
    %squeeze3A_1155 = vector.shape_cast %slice3A_1154 : vector<1x128x128xf32> to vector<128x128xf32>
    %mul3A_1156 = arith.constant 0.0967750549 : f32
    %mul3A_1157 = vector.broadcast %mul3A_1156 : f32 to vector<128x128xf32>
    %mul3A_1158 = arith.mulf %squeeze3A_1155, %mul3A_1157 : vector<128x128xf32>
    %slice3A_1159 = vector.extract_strided_slice %get3A_14 {offsets = [57, 0, 0], sizes = [1, 128, 128], strides = [1, 1, 1]} : vector<64x128x128xf32> to vector<1x128x128xf32>
    %squeeze3A_1160 = vector.shape_cast %slice3A_1159 : vector<1x128x128xf32> to vector<128x128xf32>
    %mul3A_1161 = arith.constant 0.903224945 : f32
    %mul3A_1162 = vector.broadcast %mul3A_1161 : f32 to vector<128x128xf32>
    %mul3A_1163 = arith.mulf %squeeze3A_1160, %mul3A_1162 : vector<128x128xf32>
    %add3A_1164 = arith.addf %mul3A_1158, %mul3A_1163 : vector<128x128xf32>
    %dot_general3A_1165 = arith.constant dense<0.000000e+00> : vector<128x64xf32>
    %dot_general3A_1166 = tpu.matmul %add3A_1153, %get3A_6, %dot_general3A_1165 {dimension_numbers = #tpu.dot_dimension_numbers<[1], [0], [0], [1], [0, 0, 1, 1], [], []>, transpose_lhs_hint = false} : vector<128x128xf32>, vector<128x64xf32>, vector<128x64xf32> -> vector<128x64xf32>
    %dot_general3A_1167 = arith.constant dense<0.000000e+00> : vector<128x64xf32>
    %dot_general3A_1168 = tpu.matmul %add3A_1164, %get3A_6, %dot_general3A_1167 {dimension_numbers = #tpu.dot_dimension_numbers<[1], [0], [0], [1], [0, 0, 1, 1], [], []>, transpose_lhs_hint = false} : vector<128x128xf32>, vector<128x64xf32>, vector<128x64xf32> -> vector<128x64xf32>
    %dot_general3A_1169 = arith.constant dense<0.000000e+00> : vector<64x64xf32>
    %dot_general3A_1170 = tpu.matmul %get3A_3, %dot_general3A_1166, %dot_general3A_1169 {dimension_numbers = #tpu.dot_dimension_numbers<[1], [0], [0], [1], [0, 0, 1, 1], [], []>, transpose_lhs_hint = false} : vector<64x128xf32>, vector<128x64xf32>, vector<64x64xf32> -> vector<64x64xf32>
    %dot_general3A_1171 = arith.constant dense<0.000000e+00> : vector<64x64xf32>
    %dot_general3A_1172 = tpu.matmul %get3A_3, %dot_general3A_1168, %dot_general3A_1171 {dimension_numbers = #tpu.dot_dimension_numbers<[1], [0], [0], [1], [0, 0, 1, 1], [], []>, transpose_lhs_hint = false} : vector<64x128xf32>, vector<128x64xf32>, vector<64x64xf32> -> vector<64x64xf32>
    %slice3A_1173 = vector.extract_strided_slice %get3A_18 {offsets = [28, 0, 0], sizes = [1, 64, 64], strides = [1, 1, 1]} : vector<32x64x64xf32> to vector<1x64x64xf32>
    %squeeze3A_1174 = vector.shape_cast %slice3A_1173 : vector<1x64x64xf32> to vector<64x64xf32>
    %sub3A_1175 = arith.subf %squeeze3A_1174, %dot_general3A_1170 : vector<64x64xf32>
    %mul3A_1176 = arith.mulf %dot_general3A_1172, %sub3A_1175 : vector<64x64xf32>
    %mul3A_1177 = arith.mulf %mul3A_1176, %sub3A_1175 : vector<64x64xf32>
    %reduce_sum3A_1178 = vector.shape_cast %mul3A_1177 : vector<64x64xf32> to vector<1x64x64xf32>
    %reduce_sum3A_1179 = arith.constant dense<0.000000e+00> : vector<1xf32>
    %reduce_sum3A_1180 = vector.multi_reduction <add>, %reduce_sum3A_1178, %reduce_sum3A_1179 [1, 2] : vector<1x64x64xf32> to vector<1xf32>
    %reduce_sum3A_1181 = vector.shape_cast %reduce_sum3A_1180 : vector<1xf32> to vector<1x1x1xf32>
    %reduce_sum3A_1182 = vector.extract %reduce_sum3A_1181[0, 0, 0] : f32 from vector<1x1x1xf32>
    %add3A_1183 = arith.addf %add3A_1142, %reduce_sum3A_1182 : f32
    %slice3A_1184 = vector.extract_strided_slice %get3A_10 {offsets = [58, 0, 0], sizes = [1, 128, 128], strides = [1, 1, 1]} : vector<64x128x128xf32> to vector<1x128x128xf32>
    %squeeze3A_1185 = vector.shape_cast %slice3A_1184 : vector<1x128x128xf32> to vector<128x128xf32>
    %mul3A_1186 = arith.constant 0.0645179749 : f32
    %mul3A_1187 = vector.broadcast %mul3A_1186 : f32 to vector<128x128xf32>
    %mul3A_1188 = arith.mulf %squeeze3A_1185, %mul3A_1187 : vector<128x128xf32>
    %slice3A_1189 = vector.extract_strided_slice %get3A_10 {offsets = [59, 0, 0], sizes = [1, 128, 128], strides = [1, 1, 1]} : vector<64x128x128xf32> to vector<1x128x128xf32>
    %squeeze3A_1190 = vector.shape_cast %slice3A_1189 : vector<1x128x128xf32> to vector<128x128xf32>
    %mul3A_1191 = arith.constant 9.354820e-01 : f32
    %mul3A_1192 = vector.broadcast %mul3A_1191 : f32 to vector<128x128xf32>
    %mul3A_1193 = arith.mulf %squeeze3A_1190, %mul3A_1192 : vector<128x128xf32>
    %add3A_1194 = arith.addf %mul3A_1188, %mul3A_1193 : vector<128x128xf32>
    %slice3A_1195 = vector.extract_strided_slice %get3A_14 {offsets = [58, 0, 0], sizes = [1, 128, 128], strides = [1, 1, 1]} : vector<64x128x128xf32> to vector<1x128x128xf32>
    %squeeze3A_1196 = vector.shape_cast %slice3A_1195 : vector<1x128x128xf32> to vector<128x128xf32>
    %mul3A_1197 = arith.constant 0.0645179749 : f32
    %mul3A_1198 = vector.broadcast %mul3A_1197 : f32 to vector<128x128xf32>
    %mul3A_1199 = arith.mulf %squeeze3A_1196, %mul3A_1198 : vector<128x128xf32>
    %slice3A_1200 = vector.extract_strided_slice %get3A_14 {offsets = [59, 0, 0], sizes = [1, 128, 128], strides = [1, 1, 1]} : vector<64x128x128xf32> to vector<1x128x128xf32>
    %squeeze3A_1201 = vector.shape_cast %slice3A_1200 : vector<1x128x128xf32> to vector<128x128xf32>
    %mul3A_1202 = arith.constant 9.354820e-01 : f32
    %mul3A_1203 = vector.broadcast %mul3A_1202 : f32 to vector<128x128xf32>
    %mul3A_1204 = arith.mulf %squeeze3A_1201, %mul3A_1203 : vector<128x128xf32>
    %add3A_1205 = arith.addf %mul3A_1199, %mul3A_1204 : vector<128x128xf32>
    %dot_general3A_1206 = arith.constant dense<0.000000e+00> : vector<128x64xf32>
    %dot_general3A_1207 = tpu.matmul %add3A_1194, %get3A_6, %dot_general3A_1206 {dimension_numbers = #tpu.dot_dimension_numbers<[1], [0], [0], [1], [0, 0, 1, 1], [], []>, transpose_lhs_hint = false} : vector<128x128xf32>, vector<128x64xf32>, vector<128x64xf32> -> vector<128x64xf32>
    %dot_general3A_1208 = arith.constant dense<0.000000e+00> : vector<128x64xf32>
    %dot_general3A_1209 = tpu.matmul %add3A_1205, %get3A_6, %dot_general3A_1208 {dimension_numbers = #tpu.dot_dimension_numbers<[1], [0], [0], [1], [0, 0, 1, 1], [], []>, transpose_lhs_hint = false} : vector<128x128xf32>, vector<128x64xf32>, vector<128x64xf32> -> vector<128x64xf32>
    %dot_general3A_1210 = arith.constant dense<0.000000e+00> : vector<64x64xf32>
    %dot_general3A_1211 = tpu.matmul %get3A_3, %dot_general3A_1207, %dot_general3A_1210 {dimension_numbers = #tpu.dot_dimension_numbers<[1], [0], [0], [1], [0, 0, 1, 1], [], []>, transpose_lhs_hint = false} : vector<64x128xf32>, vector<128x64xf32>, vector<64x64xf32> -> vector<64x64xf32>
    %dot_general3A_1212 = arith.constant dense<0.000000e+00> : vector<64x64xf32>
    %dot_general3A_1213 = tpu.matmul %get3A_3, %dot_general3A_1209, %dot_general3A_1212 {dimension_numbers = #tpu.dot_dimension_numbers<[1], [0], [0], [1], [0, 0, 1, 1], [], []>, transpose_lhs_hint = false} : vector<64x128xf32>, vector<128x64xf32>, vector<64x64xf32> -> vector<64x64xf32>
    %slice3A_1214 = vector.extract_strided_slice %get3A_18 {offsets = [29, 0, 0], sizes = [1, 64, 64], strides = [1, 1, 1]} : vector<32x64x64xf32> to vector<1x64x64xf32>
    %squeeze3A_1215 = vector.shape_cast %slice3A_1214 : vector<1x64x64xf32> to vector<64x64xf32>
    %sub3A_1216 = arith.subf %squeeze3A_1215, %dot_general3A_1211 : vector<64x64xf32>
    %mul3A_1217 = arith.mulf %dot_general3A_1213, %sub3A_1216 : vector<64x64xf32>
    %mul3A_1218 = arith.mulf %mul3A_1217, %sub3A_1216 : vector<64x64xf32>
    %reduce_sum3A_1219 = vector.shape_cast %mul3A_1218 : vector<64x64xf32> to vector<1x64x64xf32>
    %reduce_sum3A_1220 = arith.constant dense<0.000000e+00> : vector<1xf32>
    %reduce_sum3A_1221 = vector.multi_reduction <add>, %reduce_sum3A_1219, %reduce_sum3A_1220 [1, 2] : vector<1x64x64xf32> to vector<1xf32>
    %reduce_sum3A_1222 = vector.shape_cast %reduce_sum3A_1221 : vector<1xf32> to vector<1x1x1xf32>
    %reduce_sum3A_1223 = vector.extract %reduce_sum3A_1222[0, 0, 0] : f32 from vector<1x1x1xf32>
    %add3A_1224 = arith.addf %add3A_1183, %reduce_sum3A_1223 : f32
    %slice3A_1225 = vector.extract_strided_slice %get3A_10 {offsets = [60, 0, 0], sizes = [1, 128, 128], strides = [1, 1, 1]} : vector<64x128x128xf32> to vector<1x128x128xf32>
    %squeeze3A_1226 = vector.shape_cast %slice3A_1225 : vector<1x128x128xf32> to vector<128x128xf32>
    %mul3A_1227 = arith.constant 0.0322570801 : f32
    %mul3A_1228 = vector.broadcast %mul3A_1227 : f32 to vector<128x128xf32>
    %mul3A_1229 = arith.mulf %squeeze3A_1226, %mul3A_1228 : vector<128x128xf32>
    %slice3A_1230 = vector.extract_strided_slice %get3A_10 {offsets = [61, 0, 0], sizes = [1, 128, 128], strides = [1, 1, 1]} : vector<64x128x128xf32> to vector<1x128x128xf32>
    %squeeze3A_1231 = vector.shape_cast %slice3A_1230 : vector<1x128x128xf32> to vector<128x128xf32>
    %mul3A_1232 = arith.constant 0.967742919 : f32
    %mul3A_1233 = vector.broadcast %mul3A_1232 : f32 to vector<128x128xf32>
    %mul3A_1234 = arith.mulf %squeeze3A_1231, %mul3A_1233 : vector<128x128xf32>
    %add3A_1235 = arith.addf %mul3A_1229, %mul3A_1234 : vector<128x128xf32>
    %slice3A_1236 = vector.extract_strided_slice %get3A_14 {offsets = [60, 0, 0], sizes = [1, 128, 128], strides = [1, 1, 1]} : vector<64x128x128xf32> to vector<1x128x128xf32>
    %squeeze3A_1237 = vector.shape_cast %slice3A_1236 : vector<1x128x128xf32> to vector<128x128xf32>
    %mul3A_1238 = arith.constant 0.0322570801 : f32
    %mul3A_1239 = vector.broadcast %mul3A_1238 : f32 to vector<128x128xf32>
    %mul3A_1240 = arith.mulf %squeeze3A_1237, %mul3A_1239 : vector<128x128xf32>
    %slice3A_1241 = vector.extract_strided_slice %get3A_14 {offsets = [61, 0, 0], sizes = [1, 128, 128], strides = [1, 1, 1]} : vector<64x128x128xf32> to vector<1x128x128xf32>
    %squeeze3A_1242 = vector.shape_cast %slice3A_1241 : vector<1x128x128xf32> to vector<128x128xf32>
    %mul3A_1243 = arith.constant 0.967742919 : f32
    %mul3A_1244 = vector.broadcast %mul3A_1243 : f32 to vector<128x128xf32>
    %mul3A_1245 = arith.mulf %squeeze3A_1242, %mul3A_1244 : vector<128x128xf32>
    %add3A_1246 = arith.addf %mul3A_1240, %mul3A_1245 : vector<128x128xf32>
    %dot_general3A_1247 = arith.constant dense<0.000000e+00> : vector<128x64xf32>
    %dot_general3A_1248 = tpu.matmul %add3A_1235, %get3A_6, %dot_general3A_1247 {dimension_numbers = #tpu.dot_dimension_numbers<[1], [0], [0], [1], [0, 0, 1, 1], [], []>, transpose_lhs_hint = false} : vector<128x128xf32>, vector<128x64xf32>, vector<128x64xf32> -> vector<128x64xf32>
    %dot_general3A_1249 = arith.constant dense<0.000000e+00> : vector<128x64xf32>
    %dot_general3A_1250 = tpu.matmul %add3A_1246, %get3A_6, %dot_general3A_1249 {dimension_numbers = #tpu.dot_dimension_numbers<[1], [0], [0], [1], [0, 0, 1, 1], [], []>, transpose_lhs_hint = false} : vector<128x128xf32>, vector<128x64xf32>, vector<128x64xf32> -> vector<128x64xf32>
    %dot_general3A_1251 = arith.constant dense<0.000000e+00> : vector<64x64xf32>
    %dot_general3A_1252 = tpu.matmul %get3A_3, %dot_general3A_1248, %dot_general3A_1251 {dimension_numbers = #tpu.dot_dimension_numbers<[1], [0], [0], [1], [0, 0, 1, 1], [], []>, transpose_lhs_hint = false} : vector<64x128xf32>, vector<128x64xf32>, vector<64x64xf32> -> vector<64x64xf32>
    %dot_general3A_1253 = arith.constant dense<0.000000e+00> : vector<64x64xf32>
    %dot_general3A_1254 = tpu.matmul %get3A_3, %dot_general3A_1250, %dot_general3A_1253 {dimension_numbers = #tpu.dot_dimension_numbers<[1], [0], [0], [1], [0, 0, 1, 1], [], []>, transpose_lhs_hint = false} : vector<64x128xf32>, vector<128x64xf32>, vector<64x64xf32> -> vector<64x64xf32>
    %slice3A_1255 = vector.extract_strided_slice %get3A_18 {offsets = [30, 0, 0], sizes = [1, 64, 64], strides = [1, 1, 1]} : vector<32x64x64xf32> to vector<1x64x64xf32>
    %squeeze3A_1256 = vector.shape_cast %slice3A_1255 : vector<1x64x64xf32> to vector<64x64xf32>
    %sub3A_1257 = arith.subf %squeeze3A_1256, %dot_general3A_1252 : vector<64x64xf32>
    %mul3A_1258 = arith.mulf %dot_general3A_1254, %sub3A_1257 : vector<64x64xf32>
    %mul3A_1259 = arith.mulf %mul3A_1258, %sub3A_1257 : vector<64x64xf32>
    %reduce_sum3A_1260 = vector.shape_cast %mul3A_1259 : vector<64x64xf32> to vector<1x64x64xf32>
    %reduce_sum3A_1261 = arith.constant dense<0.000000e+00> : vector<1xf32>
    %reduce_sum3A_1262 = vector.multi_reduction <add>, %reduce_sum3A_1260, %reduce_sum3A_1261 [1, 2] : vector<1x64x64xf32> to vector<1xf32>
    %reduce_sum3A_1263 = vector.shape_cast %reduce_sum3A_1262 : vector<1xf32> to vector<1x1x1xf32>
    %reduce_sum3A_1264 = vector.extract %reduce_sum3A_1263[0, 0, 0] : f32 from vector<1x1x1xf32>
    %add3A_1265 = arith.addf %add3A_1224, %reduce_sum3A_1264 : f32
    %slice3A_1266 = vector.extract_strided_slice %get3A_10 {offsets = [63, 0, 0], sizes = [1, 128, 128], strides = [1, 1, 1]} : vector<64x128x128xf32> to vector<1x128x128xf32>
    %squeeze3A_1267 = vector.shape_cast %slice3A_1266 : vector<1x128x128xf32> to vector<128x128xf32>
    %slice3A_1268 = vector.extract_strided_slice %get3A_14 {offsets = [63, 0, 0], sizes = [1, 128, 128], strides = [1, 1, 1]} : vector<64x128x128xf32> to vector<1x128x128xf32>
    %squeeze3A_1269 = vector.shape_cast %slice3A_1268 : vector<1x128x128xf32> to vector<128x128xf32>
    %dot_general3A_1270 = arith.constant dense<0.000000e+00> : vector<128x64xf32>
    %dot_general3A_1271 = tpu.matmul %squeeze3A_1267, %get3A_6, %dot_general3A_1270 {dimension_numbers = #tpu.dot_dimension_numbers<[1], [0], [0], [1], [0, 0, 1, 1], [], []>, transpose_lhs_hint = false} : vector<128x128xf32>, vector<128x64xf32>, vector<128x64xf32> -> vector<128x64xf32>
    %dot_general3A_1272 = arith.constant dense<0.000000e+00> : vector<128x64xf32>
    %dot_general3A_1273 = tpu.matmul %squeeze3A_1269, %get3A_6, %dot_general3A_1272 {dimension_numbers = #tpu.dot_dimension_numbers<[1], [0], [0], [1], [0, 0, 1, 1], [], []>, transpose_lhs_hint = false} : vector<128x128xf32>, vector<128x64xf32>, vector<128x64xf32> -> vector<128x64xf32>
    %dot_general3A_1274 = arith.constant dense<0.000000e+00> : vector<64x64xf32>
    %dot_general3A_1275 = tpu.matmul %get3A_3, %dot_general3A_1271, %dot_general3A_1274 {dimension_numbers = #tpu.dot_dimension_numbers<[1], [0], [0], [1], [0, 0, 1, 1], [], []>, transpose_lhs_hint = false} : vector<64x128xf32>, vector<128x64xf32>, vector<64x64xf32> -> vector<64x64xf32>
    %dot_general3A_1276 = arith.constant dense<0.000000e+00> : vector<64x64xf32>
    %dot_general3A_1277 = tpu.matmul %get3A_3, %dot_general3A_1273, %dot_general3A_1276 {dimension_numbers = #tpu.dot_dimension_numbers<[1], [0], [0], [1], [0, 0, 1, 1], [], []>, transpose_lhs_hint = false} : vector<64x128xf32>, vector<128x64xf32>, vector<64x64xf32> -> vector<64x64xf32>
    %slice3A_1278 = vector.extract_strided_slice %get3A_18 {offsets = [31, 0, 0], sizes = [1, 64, 64], strides = [1, 1, 1]} : vector<32x64x64xf32> to vector<1x64x64xf32>
    %squeeze3A_1279 = vector.shape_cast %slice3A_1278 : vector<1x64x64xf32> to vector<64x64xf32>
    %sub3A_1280 = arith.subf %squeeze3A_1279, %dot_general3A_1275 : vector<64x64xf32>
    %mul3A_1281 = arith.mulf %dot_general3A_1277, %sub3A_1280 : vector<64x64xf32>
    %mul3A_1282 = arith.mulf %mul3A_1281, %sub3A_1280 : vector<64x64xf32>
    %reduce_sum3A_1283 = vector.shape_cast %mul3A_1282 : vector<64x64xf32> to vector<1x64x64xf32>
    %reduce_sum3A_1284 = arith.constant dense<0.000000e+00> : vector<1xf32>
    %reduce_sum3A_1285 = vector.multi_reduction <add>, %reduce_sum3A_1283, %reduce_sum3A_1284 [1, 2] : vector<1x64x64xf32> to vector<1xf32>
    %reduce_sum3A_1286 = vector.shape_cast %reduce_sum3A_1285 : vector<1xf32> to vector<1x1x1xf32>
    %reduce_sum3A_1287 = vector.extract %reduce_sum3A_1286[0, 0, 0] : f32 from vector<1x1x1xf32>
    %add3A_1288 = arith.addf %add3A_1265, %reduce_sum3A_1287 : f32
    %get3A_1289 = arith.constant 0 : index
    %get3A_1290 = memref.load %arg7[%get3A_1289] : memref<1xf32, #tpu.memory_space<smem>>
    %add3A_1291 = arith.addf %get3A_1290, %add3A_1288 : f32
    %swap3A = arith.constant 0 : index
    %swap3A_1292 = memref.load %arg7[%swap3A] : memref<1xf32, #tpu.memory_space<smem>>
    memref.store %add3A_1291, %arg7[%swap3A] : memref<1xf32, #tpu.memory_space<smem>>
    %broadcast_in_dim3A = arith.constant 0.000000e+00 : f32
    %broadcast_in_dim3A_1293 = vector.broadcast %broadcast_in_dim3A : f32 to vector<8x128xf32>
    %get3A_1294 = arith.constant 0 : index
    %get3A_1295 = memref.load %arg7[%get3A_1294] : memref<1xf32, #tpu.memory_space<smem>>
    %add3A_1296 = vector.broadcast %get3A_1295 : f32 to vector<8x128xf32>
    %add3A_1297 = arith.addf %broadcast_in_dim3A_1293, %add3A_1296 : vector<8x128xf32>
    %swap3A_1298 = arith.constant 0 : index
    %swap3A_1299 = arith.constant 0 : index
    %swap3A_1300 = vector.load %arg6[%swap3A_1298, %swap3A_1299] : memref<8x128xf32, #tpu.memory_space<vmem>>, vector<8x128xf32>
    tpu.vector_store %arg6[%swap3A_1298, %swap3A_1299], %add3A_1297 {strides = array<i32>} : memref<8x128xf32, #tpu.memory_space<vmem>>, vector<8x128xf32>,
    return
  }
  func.func @transform_0(%arg0: i32) -> (i32, i32) {
    %c0_i32 = arith.constant 0 : i32
    %c0_i32_0 = arith.constant 0 : i32
    %c0_i32_1 = arith.constant 0 : i32
    return %c0_i32, %c0_i32_0 : i32, i32
  }
  func.func @transform_1(%arg0: i32) -> (i32, i32) {
    %c0_i32 = arith.constant 0 : i32
    %c0_i32_0 = arith.constant 0 : i32
    %c0_i32_1 = arith.constant 0 : i32
    return %c0_i32, %c0_i32_0 : i32, i32
  }
  func.func @transform_2(%arg0: i32) -> (i32, i32, i32) {
    %c0_i32 = arith.constant 0 : i32
    %c0_i32_0 = arith.constant 0 : i32
    %c0_i32_1 = arith.constant 0 : i32
    return %arg0, %c0_i32, %c0_i32_0 : i32, i32, i32
  }
  func.func @transform_3(%arg0: i32) -> (i32, i32, i32) {
    %c0_i32 = arith.constant 0 : i32
    %c0_i32_0 = arith.constant 0 : i32
    %c0_i32_1 = arith.constant 0 : i32
    return %arg0, %c0_i32, %c0_i32_0 : i32, i32, i32
  }
  func.func @transform_4(%arg0: i32) -> (i32, i32, i32) {
    %c0_i32 = arith.constant 0 : i32
    %c0_i32_0 = arith.constant 0 : i32
    %c0_i32_1 = arith.constant 0 : i32
    return %arg0, %c0_i32, %c0_i32_0 : i32, i32, i32
  }
  func.func @transform_5(%arg0: i32) -> (i32, i32) {
    %c0_i32 = arith.constant 0 : i32
    %c0_i32_0 = arith.constant 0 : i32
    %c0_i32_1 = arith.constant 0 : i32
    return %c0_i32, %c0_i32_0 : i32, i32
  }
}

module attributes {stable_mosaic.version = 14 : i64} {
  func.func @_fin_body(%arg0: memref<32x4096xf32, #tpu.memory_space<vmem>>, %arg1: memref<32x4096xf32, #tpu.memory_space<vmem>>, %arg2: memref<8x128xf32, #tpu.memory_space<vmem>>, %arg3: memref<1x1xf32, #tpu.memory_space<vmem>>) attributes {dimension_semantics = [], scalar_prefetch = 0 : i64, scratch_operands = 0 : i64, tpu.core_type = #tpu.core_type<tc>} {
    %get3A = arith.constant 0 : index
    %get3A_0 = arith.constant 0 : index
    %get3A_1 = vector.load %arg0[%get3A, %get3A_0] : memref<32x4096xf32, #tpu.memory_space<vmem>>, vector<32x4096xf32>
    %reshape3A = vector.shape_cast %get3A_1 : vector<32x4096xf32> to vector<32x32x128xf32>
    %reduce_sum3A = arith.constant dense<0.000000e+00> : vector<32x128xf32>
    %reduce_sum3A_2 = vector.multi_reduction <add>, %reshape3A, %reduce_sum3A [0] : vector<32x32x128xf32> to vector<32x128xf32>
    %get3A_3 = arith.constant 0 : index
    %get3A_4 = arith.constant 0 : index
    %get3A_5 = vector.load %arg1[%get3A_3, %get3A_4] : memref<32x4096xf32, #tpu.memory_space<vmem>>, vector<32x4096xf32>
    %reshape3A_6 = vector.shape_cast %get3A_5 : vector<32x4096xf32> to vector<32x32x128xf32>
    %reduce_sum3A_7 = arith.constant dense<0.000000e+00> : vector<32x128xf32>
    %reduce_sum3A_8 = vector.multi_reduction <add>, %reshape3A_6, %reduce_sum3A_7 [0] : vector<32x32x128xf32> to vector<32x128xf32>
    %iota3A = tpu.iota {dimensions = array<i32: 0>} : vector<128x128xi32>
    %iota3A_9 = tpu.iota {dimensions = array<i32: 1>} : vector<128x128xi32>
    %ge3A = arith.cmpi sge, %iota3A, %iota3A_9 : vector<128x128xi32>
    %convert_element_type3A = arith.extui %ge3A : vector<128x128xi1> to vector<128x128xi32>
    %convert_element_type3A_10 = arith.sitofp %convert_element_type3A : vector<128x128xi32> to vector<128x128xf32>
    %broadcast_in_dim3A = arith.constant 1.000000e+00 : f32
    %broadcast_in_dim3A_11 = vector.broadcast %broadcast_in_dim3A : f32 to vector<128x128xf32>
    %iota3A_12 = tpu.iota {dimensions = array<i32: 0>} : vector<32x32xi32>
    %iota3A_13 = tpu.iota {dimensions = array<i32: 1>} : vector<32x32xi32>
    %gt3A = arith.cmpi sgt, %iota3A_13, %iota3A_12 : vector<32x32xi32>
    %convert_element_type3A_14 = arith.extui %gt3A : vector<32x32xi1> to vector<32x32xi32>
    %convert_element_type3A_15 = arith.sitofp %convert_element_type3A_14 : vector<32x32xi32> to vector<32x32xf32>
    %dot_general3A = arith.constant dense<0.000000e+00> : vector<32x128xf32>
    %dot_general3A_16 = tpu.matmul %reduce_sum3A_2, %convert_element_type3A_10, %dot_general3A {dimension_numbers = #tpu.dot_dimension_numbers<[1], [0], [0], [1], [0, 0, 1, 1], [], []>, transpose_lhs_hint = false} : vector<32x128xf32>, vector<128x128xf32>, vector<32x128xf32> -> vector<32x128xf32>
    %dot_general3A_17 = arith.constant dense<0.000000e+00> : vector<32x128xf32>
    %dot_general3A_18 = tpu.matmul %reduce_sum3A_2, %broadcast_in_dim3A_11, %dot_general3A_17 {dimension_numbers = #tpu.dot_dimension_numbers<[1], [0], [0], [1], [0, 0, 1, 1], [], []>, transpose_lhs_hint = false} : vector<32x128xf32>, vector<128x128xf32>, vector<32x128xf32> -> vector<32x128xf32>
    %dot_general3A_19 = arith.constant dense<0.000000e+00> : vector<32x128xf32>
    %dot_general3A_20 = tpu.matmul %convert_element_type3A_15, %dot_general3A_18, %dot_general3A_19 {dimension_numbers = #tpu.dot_dimension_numbers<[1], [0], [0], [1], [0, 0, 1, 1], [], []>, transpose_lhs_hint = false} : vector<32x32xf32>, vector<32x128xf32>, vector<32x128xf32> -> vector<32x128xf32>
    %add3A = arith.addf %dot_general3A_16, %dot_general3A_20 : vector<32x128xf32>
    %dot_general3A_21 = arith.constant dense<0.000000e+00> : vector<32x128xf32>
    %dot_general3A_22 = tpu.matmul %reduce_sum3A_8, %convert_element_type3A_10, %dot_general3A_21 {dimension_numbers = #tpu.dot_dimension_numbers<[1], [0], [0], [1], [0, 0, 1, 1], [], []>, transpose_lhs_hint = false} : vector<32x128xf32>, vector<128x128xf32>, vector<32x128xf32> -> vector<32x128xf32>
    %dot_general3A_23 = arith.constant dense<0.000000e+00> : vector<32x128xf32>
    %dot_general3A_24 = tpu.matmul %reduce_sum3A_8, %broadcast_in_dim3A_11, %dot_general3A_23 {dimension_numbers = #tpu.dot_dimension_numbers<[1], [0], [0], [1], [0, 0, 1, 1], [], []>, transpose_lhs_hint = false} : vector<32x128xf32>, vector<128x128xf32>, vector<32x128xf32> -> vector<32x128xf32>
    %dot_general3A_25 = arith.constant dense<0.000000e+00> : vector<32x128xf32>
    %dot_general3A_26 = tpu.matmul %convert_element_type3A_15, %dot_general3A_24, %dot_general3A_25 {dimension_numbers = #tpu.dot_dimension_numbers<[1], [0], [0], [1], [0, 0, 1, 1], [], []>, transpose_lhs_hint = false} : vector<32x32xf32>, vector<32x128xf32>, vector<32x128xf32> -> vector<32x128xf32>
    %add3A_27 = arith.addf %dot_general3A_22, %dot_general3A_26 : vector<32x128xf32>
    %iota3A_28 = tpu.iota {dimensions = array<i32: 0>} : vector<32x128xi32>
    %mul3A = arith.constant 128 : i32
    %mul3A_29 = vector.broadcast %mul3A : i32 to vector<32x128xi32>
    %mul3A_30 = arith.muli %iota3A_28, %mul3A_29 : vector<32x128xi32>
    %iota3A_31 = tpu.iota {dimensions = array<i32: 1>} : vector<32x128xi32>
    %add3A_32 = arith.addi %mul3A_30, %iota3A_31 : vector<32x128xi32>
    %convert_element_type3A_33 = arith.sitofp %add3A_32 : vector<32x128xi32> to vector<32x128xf32>
    %ge3A_34 = arith.constant 1.000000e+05 : f32
    %ge3A_35 = vector.broadcast %ge3A_34 : f32 to vector<32x128xf32>
    %ge3A_36 = arith.cmpf oge, %add3A, %ge3A_35 : vector<32x128xf32>
    %jit3A = arith.constant -1.000000e+00 : f32
    %broadcast_in_dim3A_37 = vector.broadcast %jit3A : f32 to vector<32x128xf32>
    %select_n3A = arith.select %ge3A_36, %convert_element_type3A_33, %broadcast_in_dim3A_37 : vector<32x128xi1>, vector<32x128xf32>
    %reduce_max3A = vector.shape_cast %select_n3A : vector<32x128xf32> to vector<1x32x128xf32>
    %reduce_max3A_38 = arith.constant dense<0xFF800000> : vector<1xf32>
    %reduce_max3A_39 = vector.multi_reduction <maximumf>, %reduce_max3A, %reduce_max3A_38 [1, 2] : vector<1x32x128xf32> to vector<1xf32>
    %reduce_max3A_40 = vector.shape_cast %reduce_max3A_39 : vector<1xf32> to vector<1x1x1xf32>
    %reduce_max3A_41 = vector.extract %reduce_max3A_40[0, 0, 0] : f32 from vector<1x1x1xf32>
    %add3A_42 = arith.constant 1.000000e+00 : f32
    %add3A_43 = arith.addf %reduce_max3A_41, %add3A_42 : f32
    %eq3A = vector.broadcast %add3A_43 : f32 to vector<32x128xf32>
    %eq3A_44 = arith.cmpf oeq, %convert_element_type3A_33, %eq3A : vector<32x128xf32>
    %jit3A_45 = arith.constant 0.000000e+00 : f32
    %broadcast_in_dim3A_46 = vector.broadcast %jit3A_45 : f32 to vector<32x128xf32>
    %select_n3A_47 = arith.select %eq3A_44, %add3A_27, %broadcast_in_dim3A_46 : vector<32x128xi1>, vector<32x128xf32>
    %reduce_sum3A_48 = vector.shape_cast %select_n3A_47 : vector<32x128xf32> to vector<1x32x128xf32>
    %reduce_sum3A_49 = arith.constant dense<0.000000e+00> : vector<1xf32>
    %reduce_sum3A_50 = vector.multi_reduction <add>, %reduce_sum3A_48, %reduce_sum3A_49 [1, 2] : vector<1x32x128xf32> to vector<1xf32>
    %reduce_sum3A_51 = vector.shape_cast %reduce_sum3A_50 : vector<1xf32> to vector<1x1x1xf32>
    %reduce_sum3A_52 = vector.extract %reduce_sum3A_51[0, 0, 0] : f32 from vector<1x1x1xf32>
    %jit3A_53 = arith.constant 0.000000e+00 : f32
    %broadcast_in_dim3A_54 = vector.broadcast %jit3A_53 : f32 to vector<32x128xf32>
    %select_n3A_55 = arith.select %eq3A_44, %add3A, %broadcast_in_dim3A_54 : vector<32x128xi1>, vector<32x128xf32>
    %reduce_sum3A_56 = vector.shape_cast %select_n3A_55 : vector<32x128xf32> to vector<1x32x128xf32>
    %reduce_sum3A_57 = arith.constant dense<0.000000e+00> : vector<1xf32>
    %reduce_sum3A_58 = vector.multi_reduction <add>, %reduce_sum3A_56, %reduce_sum3A_57 [1, 2] : vector<1x32x128xf32> to vector<1xf32>
    %reduce_sum3A_59 = vector.shape_cast %reduce_sum3A_58 : vector<1xf32> to vector<1x1x1xf32>
    %reduce_sum3A_60 = vector.extract %reduce_sum3A_59[0, 0, 0] : f32 from vector<1x1x1xf32>
    %max3A = arith.constant 1.000000e+00 : f32
    %max3A_61 = arith.maximumf %reduce_sum3A_60, %max3A : f32
    %div3A = arith.constant 0x4A000000 : f32
    %div3A_62 = arith.divf %reduce_sum3A_52, %div3A : f32
    %div3A_63 = arith.divf %div3A_62, %max3A_61 : f32
    %get3A_64 = arith.constant 0 : index
    %get3A_65 = arith.constant 0 : index
    %get3A_66 = vector.load %arg2[%get3A_64, %get3A_65] : memref<8x128xf32, #tpu.memory_space<vmem>>, vector<1x1xf32>
    %get3A_67 = vector.extract %get3A_66[0, 0] : f32 from vector<1x1xf32>
    %div3A_68 = arith.constant 2.621440e+05 : f32
    %div3A_69 = arith.divf %get3A_67, %div3A_68 : f32
    %mul3A_70 = arith.constant 5.000000e-01 : f32
    %mul3A_71 = arith.mulf %mul3A_70, %div3A_69 : f32
    %add3A_72 = arith.addf %div3A_63, %mul3A_71 : f32
    %broadcast_in_dim3A_73 = vector.broadcast %add3A_72 : f32 to vector<1x1xf32>
    %swap3A = arith.constant 0 : index
    %swap3A_74 = arith.constant 0 : index
    %swap3A_75 = vector.load %arg3[%swap3A, %swap3A_74] : memref<1x1xf32, #tpu.memory_space<vmem>>, vector<1x1xf32>
    tpu.vector_store %arg3[%swap3A, %swap3A_74], %broadcast_in_dim3A_73 {strides = array<i32>} : memref<1x1xf32, #tpu.memory_space<vmem>>, vector<1x1xf32>,
    return
  }
}

</mosaic_0001>

<sc_bundles>
// kernel: kernel.5.cloned.1.call-start
scs
__scs_entry_jumppad:
0x0: {  	(pc) =	sbr.rel $0x88, $3  }
0x1: {  	(tag) =	ssettag $0x0;
	lr =	simm.s32 $0x1  }
0x2: {  	[smem:$0x3F9D] =	sst lr;
	_ =	strace $0xD0000000  }
0x3: {  	_ = 	snop  }
0x4: {  	_ = 	snop  }
0x5: {  	_ = 	snop  }
0x6: {  	_ = 	snop  }
0x7: {  	_ = 	snop  }
__scs_overlays_trampoline_lowered:
0x8: {  	[smem:$0x3FAC] =	sst s0  }
0x9: {  	[smem:$0x3FAD] =	sst s1  }
0xa: {  	[smem:$0x3FAE] =	sst s2  }
0xb: {  	[smem:$0x3FAF] =	sst s3  }
0xc: {  	[smem:$0x3FB0] =	sst s4  }
0xd: {  	[smem:$0x3FB1] =	sst s5  }
0xe: {  	[smem:$0x3FB2] =	sst s6  }
0xf: {  	[smem:$0x3FB3] =	sst s7  }
0x10: {  	[smem:$0x3FB4] =	sst s8  }
0x11: {  	[smem:$0x3FB5] =	sst s9;
	s0 =	simm.s32 @!p0 $0x0  }
0x12: {  	s1 =	sld [smem:$0x3F9B];
	s0 =	simm.s32 @p0 $0x1  }
0x13: {  	[smem:$0x3FB6] =	sst s0;
	s0 =	simm.s32 @!p1 $0x0  }
0x14: {  	s2 =	sld [smem:$0x3F9A];
	s0 =	simm.s32 @p1 $0x1  }
0x15: {  	[smem:$0x3FB7] =	sst s0;
	s0 =	simm.s32 @!p2 $0x0  }
0x16: {  	s3 =	sld [smem:$0x3FDB];
	s0 =	simm.s32 @p2 $0x1  }
0x17: {  	s4 =	simm.s32 $0x1BF5;
	[smem:$0x3FB9] =	sst s0  }
0x18: {  	s0 =	sld [smem:$0x3F9C];
	_ =	swait.ge [sflag:s4], $0x0  }
0x19: {  	s7 =	sld [smem:$0x3F9D]  }
0x1a: {  	s8 =	sadd.s32 $0xFFFFE003, lr  }
0x1b: {  	s9 =	sadd.s32 $0xFFFFFEF7, lr;
	s5 =	simm.s32 $0xFFFFFFFF;
	p2 =	slt.u32 s8, $0xFFFFF086  }
0x1c: {  	p1 =	slt.u32 s9, $0xF7A;
	s5 =	simm.s32 @!p2 $0x0  }
0x1d: {  	s5 =	simm.s32 @p1 $0x1;
	p0 =	seq.s32 s7, s2  }
0x1e: {  	s7 =	smul.u32 @!p0 $0xF7A, s2;
	p2 =	seq.s32 @!p0 s5, $0x0  }
0x1f: {  	s9 =	smul.u32 $0xF7A, s1;
	s8 =	simm.s32 @!p0 $0x1BF5;
	p2 =	por !p2, p0  }
0x20: {  	[sflag:s8] =	ssyncset.s32 @!p0 $0xFFFFF086;
	s6 =	sadd.s32 @!p0 s3, s7;
	s7 =	simm.s32 @!p0 $0x108  }
0x21: {  	s3 =	sadd.s32 s3, s9;
	s6 =	sadd.s32 @!p0 $0x88, s6;
	s7 =	simm.s32 @p2 $0x1082  }
0x22: {  	[simem:s7], [sflag:s8] =	dma.local @!p0 [hbm:s6], $0xF7A  }
0x23: {  	s9 =	sor.u32 $0xD0000000, s2;
	s6 =	simm.s32 $0x108;
	_ =	swait.ge @!p0 [sflag:s8], $0x0  }
0x24: {  	s3 =	sadd.s32 $0x88, s3;
	s6 =	simm.s32 @!p1 $0x1082;
	[sflag:s4] =	ssyncset.s32 $0xFFFFF086  }
0x25: {  	[simem:s6], [sflag:s4] =	dma.local [hbm:s3], $0xF7A  }
0x26: {  	[smem:$0x3F9D] =	sst s1;
	(tag) =	ssettag s2;
	_ =	strace s9  }
0x27: {  	s1 =	sld [smem:$0x3FAD]  }
0x28: {  	s2 =	sld [smem:$0x3FAE]  }
0x29: {  	s4 =	sld [smem:$0x3FB0]  }
0x2a: {  	p0 =	seq.s32 s5, $0x0;
	s5 =	sld [smem:$0x3FB1]  }
0x2b: {  	s6 =	sld [smem:$0x3FB2]  }
0x2c: {  	s7 =	sld [smem:$0x3FB3]  }
0x2d: {  	s3 =	simm.s32 $0x108;
	s8 =	sld [smem:$0x3FB4]  }
0x2e: {  	s3 =	simm.s32 @!p0 $0x1082;
	s9 =	sld [smem:$0x3FB5]  }
0x2f: {  	lr =	sadd.s32 s0, s3;
	s0 =	sld [smem:$0x3FAC]  }
0x30: {  	s3 =	sld [smem:$0x3FAF]  }
0x31: {  	[smem:$0x3FB8] =	sst s10  }
0x32: {  	s10 =	sld [smem:$0x3FB6];
	_ =	sdelay $0x3  }
0x33: {  	p0 =	seq.s32 s10, $0x1;
	s10 =	sld [smem:$0x3FB8];
	_ =	sdelay $0x3  }
0x34: {  	[smem:$0x3FB8] =	sst s10  }
0x35: {  	s10 =	sld [smem:$0x3FB7];
	_ =	sdelay $0x3  }
0x36: {  	p1 =	seq.s32 s10, $0x1;
	s10 =	sld [smem:$0x3FB8];
	_ =	sdelay $0x3  }
0x37: {  	[smem:$0x3FB8] =	sst s10  }
0x38: {  	s10 =	sld [smem:$0x3FB9]  }
0x39: {  	_ = 	snop;
	(pc) =	sbr.ind lr, $3  }
0x3a: {  	_ = 	snop  }
0x3b: {  	_ = 	snop  }
0x3c: {  	p2 =	seq.s32 s10, $0x1;
	s10 =	sld [smem:$0x3FB8]  }
0x3d: {  	_ =	shalt  }
0x3e: {  	_ =	shalt  }
0x3f: {  	_ =	shalt  }
0x40: {  	_ =	shalt  }
0x41: {  	_ =	shalt  }
0x42: {  	_ =	shalt  }
0x43: {  	_ =	shalt  }
0x44: {  	_ =	shalt  }
0x45: {  	_ =	shalt  }
0x46: {  	_ =	shalt  }
0x47: {  	_ =	shalt  }
0x48: {  	_ =	shalt  }
0x49: {  	_ =	shalt  }
0x4a: {  	_ =	shalt  }
0x4b: {  	_ =	shalt  }
0x4c: {  	_ =	shalt  }
0x4d: {  	_ =	shalt  }
0x4e: {  	_ =	shalt  }
0x4f: {  	_ =	shalt  }
0x50: {  	_ =	shalt  }
0x51: {  	_ =	shalt  }
0x52: {  	_ =	shalt  }
0x53: {  	_ =	shalt  }
0x54: {  	_ =	shalt  }
0x55: {  	_ =	shalt  }
0x56: {  	_ =	shalt  }
0x57: {  	_ =	shalt  }
0x58: {  	_ =	shalt  }
0x59: {  	_ =	shalt  }
0x5a: {  	_ =	shalt  }
0x5b: {  	_ =	shalt  }
0x5c: {  	_ =	shalt  }
0x5d: {  	_ =	shalt  }
0x5e: {  	_ =	shalt  }
0x5f: {  	_ =	shalt  }
0x60: {  	_ =	shalt  }
0x61: {  	_ =	shalt  }
0x62: {  	_ =	shalt  }
0x63: {  	_ =	shalt  }
0x64: {  	_ =	shalt  }
0x65: {  	_ =	shalt  }
0x66: {  	_ =	shalt  }
0x67: {  	_ =	shalt  }
0x68: {  	_ =	shalt  }
0x69: {  	_ =	shalt  }
0x6a: {  	_ =	shalt  }
0x6b: {  	_ =	shalt  }
0x6c: {  	_ =	shalt  }
0x6d: {  	_ =	shalt  }
0x6e: {  	_ =	shalt  }
0x6f: {  	_ =	shalt  }
0x70: {  	_ =	shalt  }
0x71: {  	_ =	shalt  }
0x72: {  	_ =	shalt  }
0x73: {  	_ =	shalt  }
0x74: {  	_ =	shalt  }
0x75: {  	_ =	shalt  }
0x76: {  	_ =	shalt  }
0x77: {  	_ =	shalt  }
0x78: {  	_ =	shalt  }
0x79: {  	_ =	shalt  }
0x7a: {  	_ =	shalt  }
0x7b: {  	_ =	shalt  }
0x7c: {  	_ =	shalt  }
0x7d: {  	_ =	shalt  }
0x7e: {  	_ =	shalt  }
0x7f: {  	_ =	shalt  }
0x80: {  	_ =	shalt  }
0x81: {  	_ =	shalt  }
0x82: {  	_ =	shalt  }
0x83: {  	_ =	shalt  }
0x84: {  	_ =	shalt  }
0x85: {  	_ =	shalt  }
0x86: {  	_ =	shalt  }
0x87: {  	_ =	shalt  }
.Lfunc_end0:
.L_simem_size_0:
called_computation_lowered:
.L_overlay_start_0:
0x88: {  	s2 =	sld [smem:$0x3FD9]  }
0x89: {  	s3 =	sld [smem:$0x3FFE];
	_ =	sdelay $0x1  }
0x8a: {  	s1 =	srdreg.scid  }
0x8b: {  	s0 =	sand.u32 $0x1, s1  }
0x8c: {  	s17 =	sshll.u32 s0, $0xA;
	s2 =	sadd.s32 s3, s2  }
0x8d: {  	s2 =	sadd.s32 s2, s17  }
0x8e: {  	[smem:$0x3FC4] =	sst s2  }
0x8f: {  	_ = 	snop  }
0x90: {  	s2 =	sld [smem:$0x3FC8]  }
0x91: {  	s18 =	sld [smem:$0x3FC7]  }
0x92: {  	s4 =	sld [smem:$0x3FC6];
	(tm) =	ssettm $0x1  }
0x93: {  	s5 =	sld [smem:$0x3FFB];
	_ =	sdelay $0x3  }
0x94: {  	_ =	strace s5  }
0x95: {  	s5 =	sld [smem:$0x3FFC];
	_ =	sdelay $0x3  }
0x96: {  	_ =	strace s5  }
0x97: {  	s5 =	sld [smem:$0x3FFD];
	_ =	sdelay $0x3  }
0x98: {  	_ =	strace s5  }
0x99: {  	_ =	strace $0x8FFFFFFF  }
0x9a: {  	s19 =	sld [smem:$0x3FDB];
	_ =	sdelay $0x1  }
0x9b: {  	s6 =	simm.s32 $_scs_section_size  }
0x9c: {  	s7 =	simm.s32 $_size__tile_overlayer_lowered;
	s8 =	simm.s32 $_tile_overlayer_lowered  }
0x9d: {  	s22 =	simm.s32 $0x1BFF;
	s21 =	sshll.u32 s8, $0x1;
	s5 =	sadd.s32 s6, s19  }
0x9e: {  	s9 =	simm.s32 $0x0;
	s20 =	sshll.u32 s7, $0x1;
	s7 =	sadd.s32 s21, s5  }
0x9f: {  	[timem:s9], [sflag:s22] =	dma.local [hbm:s7], s20  }
0xa0: {  	_ =	swait.ge [sflag:s22], s20  }
0xa1: {  	s6 =	ssub.s32 $0x0, s20;
	[sflag:s22] =	ssyncset.done $0x0  }
0xa2: {  	[sflag:s22] =	ssyncadd.s32 s6;
	_ =	sdelay $0x1  }
0xa3: {  	s23 =	simm.s32 $0x1B8B  }
0xa4: {  	_ =	swait.ge [sflag:s23], $0x1  }
0xa5: {  	[sflag:s23] =	ssyncset.done $0x0  }
0xa6: {  	s25 =	simm.s32 $0x1B8E;
	s24 =	sld [smem:$0x3FFE];
	[sflag:s23] =	ssyncadd.s32 $0xFFFFFFFF  }
0xa7: {  	s26 =	simm.s32 $execute0_lowered;
	[smem:$0x3FD2] =	sst s25  }
0xa8: {  	s7 =	sshll.u32 s26, $0x1;
	_ =	strace $0x80000046;
	[dreg:$0x1] =	wrdreg $0xFFFFFFFF  }
0xa9: {  	s28 =	simm.s32 $_size_execute0_lowered;
	s5 =	sadd.s32 s5, s7;
	[dreg:$0x0] =	wrdreg $0x0  }
0xaa: {  	s7 =	sshll.u32 s28, $0x1;
	[dreg:$0x2] =	wrdreg s5  }
0xab: {  	[dreg:$0x3] =	wrdreg s7  }
0xac: {  	[dreg:$0x4] =	wrdreg $0xC0  }
0xad: {  	_ =	task [dreg:s9], $0x5FFFF  }
0xae: {  	[dreg:$0x1] =	wrdreg $0xFFFFFFFF  }
0xaf: {  	[dreg:$0x0] =	wrdreg $0x60  }
0xb0: {  	[dreg:$0x2] =	wrdreg s2  }
0xb1: {  	[dreg:$0x3] =	wrdreg s18  }
0xb2: {  	[dreg:$0x4] =	wrdreg s4  }
0xb3: {  	[dreg:$0x5] =	wrdreg s24  }
0xb4: {  	[dreg:$0x6] =	wrdreg $0x9  }
0xb5: {  	_ =	task.clear_ibuf [dreg:s9], $0x7FFFF;
	_ =	strace $0x90000046  }
0xb6: {  	s29 =	simm.s32 $0x9;
	_ =	strace $0x80000048  }
0xb7: {  	_ =	swait.ge [sflag:s29], $0x1  }
0xb8: {  	[sflag:s29] =	ssyncadd.s32 $0xFFFFFFFF  }
0xb9: {  	_ =	strace $0x90000048  }
0xba: {  	_ =	sfence  }
0xbb: {  	s30 =	sld [smem:$0x0];
	_ =	sdelay $0x2  }
0xbc: {  	s31 =	sshll.u32 s1, $0xD;
	s1 =	sshrl.u32 s1, $0x2  }
0xbd: {  	s3 =	sand.u32 $0x4000, s31;
	s1 =	sadd.s32 s1, s30  }
0xbe: {  	s0 =	sor.u32 s3, s0;
	s1 =	sshll.u32 s1, $0x11  }
0xbf: {  	s0 =	sor.u32 s1, s0  }
0xc0: {  	s0 =	sadd.s32 $0x8F2B, s0  }
0xc1: {  	[sflag:s0] =	ssyncadd.remote.s32 $0x1  }
0xc2: {  	_ =	sfence.sel $0xFFFF  }
0xc3: {  	[dreg:$0x0] =	wrdreg $0xFFFFFFFF;
	(pc) =	sbr.abs _section_cstart, $3  }
0xc4: {  	[dreg:$0x1] =	wrdreg $0xFFFFFFFF  }
0xc5: {  	_ =	task.clear_ibuf [dreg:s9], $0x2FFFF;
	_ =	strace $0x9FFFFFFF  }
0xc6: {  	(tm) =	ssettm $0x7FFFFFFF  }
0xc7: {  	_ =	shalt  }
tec
execute0_lowered:
.L_overlay_start_1:
0x0: {  	(tag) =	ssettag $0x1  }
0x1: {  	s0 =	rddreg [dreg:$0x0]  }
0x2: {  	s1 =	rddreg [dreg:$0x1]  }
0x3: {  	s3 =	rddreg [dreg:$0x2];
	s2 =	srdreg.scid  }
0x4: {  	s7 =	stileid.u32;
	s4 =	rddreg [dreg:$0x3]  }
0x5: {  	s18 =	simm.s32 $0x8000;
	s19 =	simm.s32 $0x10000;
	s20 =	simm.s32 $0x4000  }
0x6: {  	s21 =	simm.s32 $0xC000;
	s22 =	simm.s32 $0x14000;
	s28 =	simm.s32 $0x80  }
0x7: {  	s29 =	simm.s32 $0x400;
	s30 =	simm.s32 $0x3;
	s31 =	simm.s32 $0x0  }
0x8: {  	s5 =	sand.u32 $0x1, s2;
	s6 =	sshll.u32 s7, $0x1;
	s2 =	simm.s32 $0x0  }
0x9: {  	s7 =	sshll.u32 s7, $0xA;
	s6 =	sor.u32 s5, s6;
	[smem:$0x7FF] =	sst s2  }
0xa: {  	s5 =	ssub.s32 $0x2, s5;
	s8 =	sshll.u32 s6, $0x4;
	_ =	strace $0x80000047  }
0xb: {  	s23 =	sshrl.u32 s5, $0x1;
	s10 =	sshll.u32 s6, $0xD;
	s7 =	sor.u32 s7, s8  }
0xc: {  	s17 =	ssub.s32 s5, s23;
	s24 =	sadd.s32 s0, s10;
	s25 =	sadd.s32 s1, s10  }
0xd: {  	s5 =	sadd.s32 s3, s10;
	s26 =	sor.u32 $0x800, s10;
	s11 =	sor.u32 $0x1000, s10  }
0xe: {  	s14 =	sor.u32 $0x1800, s10;
	s23 =	simm.s32 $0x1;
	[dreg:$0x5] =	wrdreg s24  }
0xf: {  	s7 =	sand.u32 $0x3070, s7;
	[dreg:$0x6] =	wrdreg s25;
	s6 =	sadd.s32 s0, s26  }
0x10: {  	s8 =	sadd.s32 s3, s26;
	s9 =	sadd.s32 s0, s11;
	s10 =	sadd.s32 s1, s11  }
0x11: {  	s11 =	sadd.s32 s3, s11;
	s12 =	sadd.s32 s0, s14;
	s13 =	sadd.s32 s1, s14  }
0x12: {  	s14 =	sadd.s32 s3, s14;
	s17 =	smax.u32 s17, $0x1;
	s24 =	simm.s32 $0x18000  }
0x13: {  	s25 =	simm.s32 $0x19000;
	s4 =	sadd.s32 s7, s4;
	s7 =	sadd.s32 s1, s26  }
0x14: {  	v0 =	vimm.f32 $0.0e+00;
	v1 =	vimm.f32 $1.000000000e+00;
	s26 =	simm.s32 $0x2;
	s15 =	sadd.s32 $0x1600, s4;
	s16 =	sadd.s32 $0x5600, s4  }
.LBB2_1:
0x15: {  	s0 =	rddreg [dreg:$0x5]  }
0x16: {  	[tilespmem:s2], [sflag:$0x1] =	stream.linear.gather [hbm4b:s0+s2], $0x4000, $0x38;
	[tilespmem:$0x1A000] =	vst v63  }
0x17: {  	s4 =	rddreg [dreg:$0x6]  }
0x18: {  	[tilespmem:s18], [sflag:$0x1] =	stream.linear.gather [hbm4b:s4+s2], $0x4000, $0x38;
	[tilespmem:$0x1A000] =	vst v63  }
0x19: {  	_ = 	snop  }
0x1a: {  	[tilespmem:s19], [sflag:$0x1] =	stream.linear.gather [hbm4b:s5+s2], $0x4000, $0x38;
	[tilespmem:$0x1A000] =	vst v63  }
0x1b: {  	_ = 	snop  }
0x1c: {  	[tilespmem:s20], [sflag:$0x2] =	stream.linear.gather [hbm4b:s6+s2], $0x4000, $0x38;
	[tilespmem:$0x1A000] =	vst v63  }
0x1d: {  	_ = 	snop  }
0x1e: {  	[tilespmem:s21], [sflag:$0x2] =	stream.linear.gather [hbm4b:s7+s2], $0x4000, $0x38;
	[tilespmem:$0x1A000] =	vst v63  }
0x1f: {  	s1 =	simm.s32 $0x18020  }
0x20: {  	[tilespmem:s22], [sflag:$0x2] =	stream.linear.gather [hbm4b:s8+s2], $0x4000, $0x38;
	[tilespmem:$0x1A000] =	vst v63  }
0x21: {  	[tilespmem:s1+$0xFFFFFFF0] =	vst v0  }
0x22: {  	[tilespmem:s1+$0x0] =	vst v0  }
0x23: {  	[tilespmem:s1+$0x10] =	vst v0  }
0x24: {  	s0 =	simm.s32 $0x19020;
	[tilespmem:s1+$0xFFFFFFE0] =	vst v0  }
0x25: {  	[tilespmem:s0+$0xFFFFFFF0] =	vst v0  }
0x26: {  	[tilespmem:s0+$0x0] =	vst v0  }
0x27: {  	[tilespmem:s0+$0x10] =	vst v0  }
0x28: {  	s3 =	simm.s32 $0x18060;
	s1 =	simm.s32 $0x0;
	[tilespmem:s0+$0xFFFFFFE0] =	vst v0  }
.LBB2_2:
0x29: {  	[tilespmem:s3+$0xFFFFFFF0] =	vst v0;
	s0 =	sadd.s32 $0x40, s0  }
0x2a: {  	s1 =	sadd.s32 $0x4, s1;
	[tilespmem:s0+$0xFFFFFFF0] =	vst v0  }
0x2b: {  	p0 =	slt.u32 s1, $0xFC;
	[tilespmem:s3+$0x0] =	vst v0  }
.Ltmp0:
0x2c: {  	[tilespmem:s0+$0x0] =	vst v0;
	(pc) =	sbr.rel @p0 .LBB2_2-.Ltmp0, $4  }
0x2d: {  	[tilespmem:s3+$0x10] =	vst v0  }
0x2e: {  	[tilespmem:s0+$0x10] =	vst v0  }
0x2f: {  	[tilespmem:s3+$0xFFFFFFE0] =	vst v0  }
0x30: {  	s3 =	sadd.s32 $0x40, s3;
	[tilespmem:s0+$0xFFFFFFE0] =	vst v0  }
0x31: {  	_ =	swait.ge [sflag:s23], $0x4000  }
0x32: {  	[sflag:s23] =	ssyncset.done $0x0  }
0x33: {  	[sflag:s23] =	ssyncadd.s32 $0xFFFFC000  }
0x34: {  	_ =	swait.ge [sflag:s23], $0x4000  }
0x35: {  	[sflag:s23] =	ssyncset.done $0x0  }
0x36: {  	[sflag:s23] =	ssyncadd.s32 $0xFFFFC000  }
0x37: {  	_ =	swait.ge [sflag:s23], $0x4000  }
0x38: {  	[sflag:s23] =	ssyncset.done $0x0  }
0x39: {  	s3 =	simm.s32 $0x40;
	[sflag:s23] =	ssyncadd.s32 $0xFFFFC000  }
0x3a: {  	s1 =	simm.s32 $0x8040;
	v2 =	vld [tilespmem:s3+$0x20]  }
0x3b: {  	v3 =	vld [tilespmem:s1+$0x20]  }
0x3c: {  	v5 =	vld [tilespmem:s3+$0xFFFFFFE0]  }
0x3d: {  	v6 =	vld [tilespmem:s1+$0xFFFFFFE0];
	_ =	sdelay $0x3  }
0x3e: {  	v4 =	vld [tilespmem:s1+$0xFFFFFFC0];
	v2 =	vsub.f32 v2, v3  }
0x3f: {  	v7 =	vld [tilespmem:s3+$0x0];
	v5 =	vsub.f32 v5, v6  }
0x40: {  	v3 =	vld [tilespmem:s3+$0xFFFFFFC0];
	v2 =	vmul.f32 v2, v2  }
0x41: {  	s0 =	simm.s32 $0x10040;
	v8 =	vld [tilespmem:s1+$0x0];
	v5 =	vmul.f32 v5, v5  }
0x42: {  	v9 =	vld [tilespmem:s0+$0x20];
	v6 =	vshrl.u32 v2, $0x13  }
0x43: {  	v11 =	vshrl.u32 v5, $0x13  }
0x44: {  	v10 =	vld [tilespmem:s0+$0xFFFFFFC0]  }
0x45: {  	v3 =	vsub.f32 v3, v4;
	v4 =	vld [tilespmem:s0+$0xFFFFFFE0]  }
0x46: {  	v7 =	vsub.f32 v7, v8;
	v8 =	vld [tilespmem:s0+$0x0]  }
0x47: {  	v2 =	vmul.f32 v2, v9;
	v3 =	vmul.f32 v3, v3;
	[tilespmem:v6+s24+$0x0] =	vst.idx.add.f32.msk $0xffff, v1  }
0x48: {  	[tilespmem:v11+s24+$0x0] =	vst.idx.add.f32.msk $0xffff, v1  }
0x49: {  	v7 =	vmul.f32 v7, v7;
	v9 =	vshrl.u32 v3, $0x13;
	[tilespmem:v6+s25+$0x0] =	vst.idx.add.f32.msk $0xffff, v2  }
0x4a: {  	v4 =	vmul.f32 v5, v4;
	v2 =	vld [tilespmem:s3+$0x30]  }
0x4b: {  	v6 =	vshrl.u32 v7, $0x13;
	v5 =	vld [tilespmem:s1+$0x30]  }
0x4c: {  	[tilespmem:v11+s25+$0x0] =	vst.idx.add.f32.msk $0xffff, v4  }
0x4d: {  	v3 =	vmul.f32 v3, v10;
	v4 =	vmul.f32 v7, v8;
	v7 =	vld [tilespmem:s1+$0xFFFFFFF0]  }
0x4e: {  	[tilespmem:v9+s24+$0x0] =	vst.idx.add.f32.msk $0xffff, v1  }
0x4f: {  	[tilespmem:v9+s25+$0x0] =	vst.idx.add.f32.msk $0xffff, v3  }
0x50: {  	[tilespmem:v6+s24+$0x0] =	vst.idx.add.f32.msk $0xffff, v1  }
0x51: {  	[tilespmem:v6+s25+$0x0] =	vst.idx.add.f32.msk $0xffff, v4  }
0x52: {  	v3 =	vld [tilespmem:s3+$0xFFFFFFD0]  }
0x53: {  	v4 =	vld [tilespmem:s0+$0x30]  }
0x54: {  	v2 =	vsub.f32 v2, v5;
	v5 =	vld [tilespmem:s1+$0xFFFFFFD0]  }
0x55: {  	v6 =	vld [tilespmem:s3+$0xFFFFFFF0]  }
0x56: {  	v9 =	vld [tilespmem:s3+$0x10];
	v2 =	vmul.f32 v2, v2  }
0x57: {  	v10 =	vld [tilespmem:s1+$0x10]  }
0x58: {  	v8 =	vshrl.u32 v2, $0x13;
	_ =	sdelay $0x1  }
0x59: {  	v11 =	vld [tilespmem:s0+$0xFFFFFFD0];
	v2 =	vmul.f32 v2, v4;
	v4 =	vsub.f32 v6, v7  }
0x5a: {  	v3 =	vsub.f32 v3, v5;
	v6 =	vld [tilespmem:s0+$0xFFFFFFF0]  }
0x5b: {  	v5 =	vld [tilespmem:s0+$0x10];
	v7 =	vmul.f32 v4, v4;
	v4 =	vsub.f32 v9, v10  }
0x5c: {  	v12 =	vmul.f32 v3, v3;
	[tilespmem:v8+s24+$0x0] =	vst.idx.add.f32.msk $0xffff, v1  }
0x5d: {  	[tilespmem:v8+s25+$0x0] =	vst.idx.add.f32.msk $0xffff, v2;
	v8 =	vmul.f32 v4, v4  }
0x5e: {  	s4 =	simm.s32 $0xC0;
	s3 =	simm.s32 $0x0;
	v3 =	vshrl.u32 v12, $0x13;
	v2 =	vshrl.u32 v7, $0x13;
	v4 =	vmul.f32 v12, v11  }
.LBB2_4:
0x5f: {  	v9 =	vld [tilespmem:s4+$0x20];
	v10 =	vmul.f32 v7, v6;
	v11 =	vshrl.u32 v8, $0x13;
	s1 =	sadd.s32 $0x80, s1  }
0x60: {  	v6 =	vld [tilespmem:s1+$0x20];
	v12 =	vmul.f32 v8, v5  }
0x61: {  	v5 =	vld [tilespmem:s1+$0xFFFFFFC0]  }
0x62: {  	v7 =	vld [tilespmem:s4+$0xFFFFFFE0]  }
0x63: {  	s3 =	sadd.s32 $0x4, s3;
	v8 =	vld [tilespmem:s1+$0xFFFFFFE0]  }
0x64: {  	p0 =	slt.u32 s3, $0x1FC;
	v13 =	vld [tilespmem:s4+$0x0]  }
0x65: {  	v14 =	vld [tilespmem:s1+$0x0];
	v6 =	vsub.f32 v9, v6  }
0x66: {  	v9 =	vld [tilespmem:s4+$0xFFFFFFC0]  }
0x67: {  	s0 =	sadd.s32 $0x80, s0;
	v6 =	vmul.f32 v6, v6;
	[tilespmem:v3+s24+$0x0] =	vst.idx.add.f32.msk $0xffff, v1  }
0x68: {  	v7 =	vsub.f32 v7, v8;
	v8 =	vld [tilespmem:s0+$0x20]  }
0x69: {  	v15 =	vld [tilespmem:s0+$0xFFFFFFC0];
	v16 =	vshrl.u32 v6, $0x13  }
0x6a: {  	v17 =	vld [tilespmem:s0+$0xFFFFFFE0];
	v7 =	vmul.f32 v7, v7;
	v13 =	vsub.f32 v13, v14  }
0x6b: {  	v5 =	vsub.f32 v9, v5;
	v9 =	vld [tilespmem:s0+$0x0]  }
0x6c: {  	v14 =	vshrl.u32 v7, $0x13;
	v13 =	vmul.f32 v13, v13;
	[tilespmem:v3+s25+$0x0] =	vst.idx.add.f32.msk $0xffff, v4  }
0x6d: {  	v3 =	vmul.f32 v5, v5;
	v4 =	vmul.f32 v6, v8;
	[tilespmem:v2+s24+$0x0] =	vst.idx.add.f32.msk $0xffff, v1  }
0x6e: {  	v5 =	vshrl.u32 v13, $0x13;
	[tilespmem:v16+s24+$0x0] =	vst.idx.add.f32.msk $0xffff, v1  }
0x6f: {  	v6 =	vshrl.u32 v3, $0x13;
	v3 =	vmul.f32 v3, v15;
	v7 =	vmul.f32 v7, v17;
	[tilespmem:v16+s25+$0x0] =	vst.idx.add.f32.msk $0xffff, v4  }
0x70: {  	v4 =	vmul.f32 v13, v9;
	v8 =	vld [tilespmem:s4+$0x30]  }
0x71: {  	v9 =	vld [tilespmem:s1+$0x30]  }
0x72: {  	[tilespmem:v14+s24+$0x0] =	vst.idx.add.f32.msk $0xffff, v1  }
0x73: {  	[tilespmem:v14+s25+$0x0] =	vst.idx.add.f32.msk $0xffff, v7  }
0x74: {  	[tilespmem:v6+s24+$0x0] =	vst.idx.add.f32.msk $0xffff, v1  }
0x75: {  	[tilespmem:v6+s25+$0x0] =	vst.idx.add.f32.msk $0xffff, v3  }
0x76: {  	[tilespmem:v5+s24+$0x0] =	vst.idx.add.f32.msk $0xffff, v1;
	v3 =	vsub.f32 v8, v9  }
0x77: {  	[tilespmem:v5+s25+$0x0] =	vst.idx.add.f32.msk $0xffff, v4  }
0x78: {  	v4 =	vld [tilespmem:s4+$0xFFFFFFD0];
	v3 =	vmul.f32 v3, v3  }
0x79: {  	v5 =	vld [tilespmem:s0+$0x30]  }
0x7a: {  	v6 =	vld [tilespmem:s1+$0xFFFFFFD0];
	v7 =	vshrl.u32 v3, $0x13  }
0x7b: {  	v8 =	vld [tilespmem:s4+$0xFFFFFFF0]  }
0x7c: {  	v9 =	vld [tilespmem:s1+$0xFFFFFFF0]  }
0x7d: {  	v13 =	vld [tilespmem:s4+$0x10]  }
0x7e: {  	v14 =	vld [tilespmem:s1+$0x10];
	v3 =	vmul.f32 v3, v5  }
0x7f: {  	v4 =	vsub.f32 v4, v6;
	[tilespmem:v7+s24+$0x0] =	vst.idx.add.f32.msk $0xffff, v1  }
0x80: {  	[tilespmem:v7+s25+$0x0] =	vst.idx.add.f32.msk $0xffff, v3  }
0x81: {  	v15 =	vld [tilespmem:s0+$0xFFFFFFD0];
	v4 =	vmul.f32 v4, v4;
	v5 =	vsub.f32 v8, v9  }
.Ltmp1:
0x82: {  	v6 =	vld [tilespmem:s0+$0xFFFFFFF0];
	(pc) =	sbr.rel @p0 .LBB2_4-.Ltmp1, $4  }
0x83: {  	v3 =	vshrl.u32 v4, $0x13;
	v7 =	vmul.f32 v5, v5;
	v5 =	vld [tilespmem:s0+$0x10];
	v8 =	vsub.f32 v13, v14  }
0x84: {  	[tilespmem:v2+s25+$0x0] =	vst.idx.add.f32.msk $0xffff, v10  }
0x85: {  	v2 =	vshrl.u32 v7, $0x13;
	v8 =	vmul.f32 v8, v8;
	[tilespmem:v11+s24+$0x0] =	vst.idx.add.f32.msk $0xffff, v1  }
0x86: {  	s4 =	sadd.s32 $0x80, s4;
	v4 =	vmul.f32 v4, v15;
	[tilespmem:v11+s25+$0x0] =	vst.idx.add.f32.msk $0xffff, v12  }
0x87: {  	_ =	sdelay $0x2  }
0x88: {  	v9 =	vshrl.u32 v8, $0x13  }
0x89: {  	[tilespmem:v3+s24+$0x0] =	vst.idx.add.f32.msk $0xffff, v1  }
0x8a: {  	v6 =	vmul.f32 v7, v6;
	[tilespmem:v2+s24+$0x0] =	vst.idx.add.f32.msk $0xffff, v1  }
0x8b: {  	[tilespmem:v3+s25+$0x0] =	vst.idx.add.f32.msk $0xffff, v4  }
0x8c: {  	v3 =	vmul.f32 v8, v5;
	[tilespmem:v2+s25+$0x0] =	vst.idx.add.f32.msk $0xffff, v6  }
0x8d: {  	[tilespmem:v9+s24+$0x0] =	vst.idx.add.f32.msk $0xffff, v1  }
0x8e: {  	[tilespmem:v9+s25+$0x0] =	vst.idx.add.f32.msk $0xffff, v3  }
0x8f: {  	[tilespmem:s2], [sflag:$0x1] =	stream.linear.gather [hbm4b:s9+s2], $0x4000, $0x38;
	[tilespmem:$0x1A000] =	vst v63  }
0x90: {  	_ = 	snop  }
0x91: {  	[tilespmem:s18], [sflag:$0x1] =	stream.linear.gather [hbm4b:s10+s2], $0x4000, $0x38;
	[tilespmem:$0x1A000] =	vst v63  }
0x92: {  	_ = 	snop  }
0x93: {  	[tilespmem:s19], [sflag:$0x1] =	stream.linear.gather [hbm4b:s11+s2], $0x4000, $0x38;
	[tilespmem:$0x1A000] =	vst v63  }
0x94: {  	_ =	swait.ge [sflag:s26], $0x4000  }
0x95: {  	[sflag:s26] =	ssyncset.done $0x0  }
0x96: {  	[sflag:s26] =	ssyncadd.s32 $0xFFFFC000  }
0x97: {  	_ =	swait.ge [sflag:s26], $0x4000  }
0x98: {  	[sflag:s26] =	ssyncset.done $0x0  }
0x99: {  	[sflag:s26] =	ssyncadd.s32 $0xFFFFC000  }
0x9a: {  	_ =	swait.ge [sflag:s26], $0x4000  }
0x9b: {  	[sflag:s26] =	ssyncset.done $0x0  }
0x9c: {  	s3 =	simm.s32 $0x4040;
	[sflag:s26] =	ssyncadd.s32 $0xFFFFC000  }
0x9d: {  	s1 =	simm.s32 $0xC040;
	v2 =	vld [tilespmem:s3+$0x20]  }
0x9e: {  	v3 =	vld [tilespmem:s1+$0x20]  }
0x9f: {  	v5 =	vld [tilespmem:s3+$0xFFFFFFE0]  }
0xa0: {  	v6 =	vld [tilespmem:s1+$0xFFFFFFE0];
	_ =	sdelay $0x3  }
0xa1: {  	v4 =	vld [tilespmem:s1+$0xFFFFFFC0];
	v2 =	vsub.f32 v2, v3  }
0xa2: {  	v7 =	vld [tilespmem:s3+$0x0];
	v5 =	vsub.f32 v5, v6  }
0xa3: {  	v3 =	vld [tilespmem:s3+$0xFFFFFFC0];
	v2 =	vmul.f32 v2, v2  }
0xa4: {  	s0 =	simm.s32 $0x14040;
	v8 =	vld [tilespmem:s1+$0x0];
	v5 =	vmul.f32 v5, v5  }
0xa5: {  	v9 =	vld [tilespmem:s0+$0x20];
	v6 =	vshrl.u32 v2, $0x13  }
0xa6: {  	v11 =	vshrl.u32 v5, $0x13  }
0xa7: {  	v10 =	vld [tilespmem:s0+$0xFFFFFFC0]  }
0xa8: {  	v3 =	vsub.f32 v3, v4;
	v4 =	vld [tilespmem:s0+$0xFFFFFFE0]  }
0xa9: {  	v7 =	vsub.f32 v7, v8;
	v8 =	vld [tilespmem:s0+$0x0]  }
0xaa: {  	v2 =	vmul.f32 v2, v9;
	v3 =	vmul.f32 v3, v3;
	[tilespmem:v6+s24+$0x0] =	vst.idx.add.f32.msk $0xffff, v1  }
0xab: {  	[tilespmem:v11+s24+$0x0] =	vst.idx.add.f32.msk $0xffff, v1  }
0xac: {  	v7 =	vmul.f32 v7, v7;
	v9 =	vshrl.u32 v3, $0x13;
	[tilespmem:v6+s25+$0x0] =	vst.idx.add.f32.msk $0xffff, v2  }
0xad: {  	v4 =	vmul.f32 v5, v4;
	v2 =	vld [tilespmem:s3+$0x30]  }
0xae: {  	v6 =	vshrl.u32 v7, $0x13;
	v5 =	vld [tilespmem:s1+$0x30]  }
0xaf: {  	[tilespmem:v11+s25+$0x0] =	vst.idx.add.f32.msk $0xffff, v4  }
0xb0: {  	v3 =	vmul.f32 v3, v10;
	v4 =	vmul.f32 v7, v8;
	v7 =	vld [tilespmem:s1+$0xFFFFFFF0]  }
0xb1: {  	[tilespmem:v9+s24+$0x0] =	vst.idx.add.f32.msk $0xffff, v1  }
0xb2: {  	[tilespmem:v9+s25+$0x0] =	vst.idx.add.f32.msk $0xffff, v3  }
0xb3: {  	[tilespmem:v6+s24+$0x0] =	vst.idx.add.f32.msk $0xffff, v1  }
0xb4: {  	[tilespmem:v6+s25+$0x0] =	vst.idx.add.f32.msk $0xffff, v4  }
0xb5: {  	v3 =	vld [tilespmem:s3+$0xFFFFFFD0]  }
0xb6: {  	v4 =	vld [tilespmem:s0+$0x30]  }
0xb7: {  	v2 =	vsub.f32 v2, v5;
	v5 =	vld [tilespmem:s1+$0xFFFFFFD0]  }
0xb8: {  	v6 =	vld [tilespmem:s3+$0xFFFFFFF0]  }
0xb9: {  	v9 =	vld [tilespmem:s3+$0x10];
	v2 =	vmul.f32 v2, v2  }
0xba: {  	v10 =	vld [tilespmem:s1+$0x10]  }
0xbb: {  	v8 =	vshrl.u32 v2, $0x13;
	_ =	sdelay $0x1  }
0xbc: {  	v11 =	vld [tilespmem:s0+$0xFFFFFFD0];
	v2 =	vmul.f32 v2, v4;
	v4 =	vsub.f32 v6, v7  }
0xbd: {  	v3 =	vsub.f32 v3, v5;
	v6 =	vld [tilespmem:s0+$0xFFFFFFF0]  }
0xbe: {  	v5 =	vld [tilespmem:s0+$0x10];
	v7 =	vmul.f32 v4, v4;
	v4 =	vsub.f32 v9, v10  }
0xbf: {  	v12 =	vmul.f32 v3, v3;
	[tilespmem:v8+s24+$0x0] =	vst.idx.add.f32.msk $0xffff, v1  }
0xc0: {  	[tilespmem:v8+s25+$0x0] =	vst.idx.add.f32.msk $0xffff, v2;
	v8 =	vmul.f32 v4, v4  }
0xc1: {  	s4 =	simm.s32 $0x40C0;
	s3 =	simm.s32 $0x0;
	v3 =	vshrl.u32 v12, $0x13;
	v2 =	vshrl.u32 v7, $0x13;
	v4 =	vmul.f32 v12, v11  }
.LBB2_6:
0xc2: {  	v9 =	vld [tilespmem:s4+$0x20];
	v10 =	vmul.f32 v7, v6;
	v11 =	vshrl.u32 v8, $0x13;
	s1 =	sadd.s32 $0x80, s1  }
0xc3: {  	v6 =	vld [tilespmem:s1+$0x20];
	v12 =	vmul.f32 v8, v5  }
0xc4: {  	v5 =	vld [tilespmem:s1+$0xFFFFFFC0]  }
0xc5: {  	v7 =	vld [tilespmem:s4+$0xFFFFFFE0]  }
0xc6: {  	s3 =	sadd.s32 $0x4, s3;
	v8 =	vld [tilespmem:s1+$0xFFFFFFE0]  }
0xc7: {  	p0 =	slt.u32 s3, $0x1FC;
	v13 =	vld [tilespmem:s4+$0x0]  }
0xc8: {  	v14 =	vld [tilespmem:s1+$0x0];
	v6 =	vsub.f32 v9, v6  }
0xc9: {  	v9 =	vld [tilespmem:s4+$0xFFFFFFC0]  }
0xca: {  	s0 =	sadd.s32 $0x80, s0;
	v6 =	vmul.f32 v6, v6;
	[tilespmem:v3+s24+$0x0] =	vst.idx.add.f32.msk $0xffff, v1  }
0xcb: {  	v7 =	vsub.f32 v7, v8;
	v8 =	vld [tilespmem:s0+$0x20]  }
0xcc: {  	v15 =	vld [tilespmem:s0+$0xFFFFFFC0];
	v16 =	vshrl.u32 v6, $0x13  }
0xcd: {  	v17 =	vld [tilespmem:s0+$0xFFFFFFE0];
	v7 =	vmul.f32 v7, v7;
	v13 =	vsub.f32 v13, v14  }
0xce: {  	v5 =	vsub.f32 v9, v5;
	v9 =	vld [tilespmem:s0+$0x0]  }
0xcf: {  	v14 =	vshrl.u32 v7, $0x13;
	v13 =	vmul.f32 v13, v13;
	[tilespmem:v3+s25+$0x0] =	vst.idx.add.f32.msk $0xffff, v4  }
0xd0: {  	v3 =	vmul.f32 v5, v5;
	v4 =	vmul.f32 v6, v8;
	[tilespmem:v2+s24+$0x0] =	vst.idx.add.f32.msk $0xffff, v1  }
0xd1: {  	v5 =	vshrl.u32 v13, $0x13;
	[tilespmem:v16+s24+$0x0] =	vst.idx.add.f32.msk $0xffff, v1  }
0xd2: {  	v6 =	vshrl.u32 v3, $0x13;
	v3 =	vmul.f32 v3, v15;
	v7 =	vmul.f32 v7, v17;
	[tilespmem:v16+s25+$0x0] =	vst.idx.add.f32.msk $0xffff, v4  }
0xd3: {  	v4 =	vmul.f32 v13, v9;
	v8 =	vld [tilespmem:s4+$0x30]  }
0xd4: {  	v9 =	vld [tilespmem:s1+$0x30]  }
0xd5: {  	[tilespmem:v14+s24+$0x0] =	vst.idx.add.f32.msk $0xffff, v1  }
0xd6: {  	[tilespmem:v14+s25+$0x0] =	vst.idx.add.f32.msk $0xffff, v7  }
0xd7: {  	[tilespmem:v6+s24+$0x0] =	vst.idx.add.f32.msk $0xffff, v1  }
0xd8: {  	[tilespmem:v6+s25+$0x0] =	vst.idx.add.f32.msk $0xffff, v3  }
0xd9: {  	[tilespmem:v5+s24+$0x0] =	vst.idx.add.f32.msk $0xffff, v1;
	v3 =	vsub.f32 v8, v9  }
0xda: {  	[tilespmem:v5+s25+$0x0] =	vst.idx.add.f32.msk $0xffff, v4  }
0xdb: {  	v4 =	vld [tilespmem:s4+$0xFFFFFFD0];
	v3 =	vmul.f32 v3, v3  }
0xdc: {  	v5 =	vld [tilespmem:s0+$0x30]  }
0xdd: {  	v6 =	vld [tilespmem:s1+$0xFFFFFFD0];
	v7 =	vshrl.u32 v3, $0x13  }
0xde: {  	v8 =	vld [tilespmem:s4+$0xFFFFFFF0]  }
0xdf: {  	v9 =	vld [tilespmem:s1+$0xFFFFFFF0]  }
0xe0: {  	v13 =	vld [tilespmem:s4+$0x10]  }
0xe1: {  	v14 =	vld [tilespmem:s1+$0x10];
	v3 =	vmul.f32 v3, v5  }
0xe2: {  	v4 =	vsub.f32 v4, v6;
	[tilespmem:v7+s24+$0x0] =	vst.idx.add.f32.msk $0xffff, v1  }
0xe3: {  	[tilespmem:v7+s25+$0x0] =	vst.idx.add.f32.msk $0xffff, v3  }
0xe4: {  	v15 =	vld [tilespmem:s0+$0xFFFFFFD0];
	v4 =	vmul.f32 v4, v4;
	v5 =	vsub.f32 v8, v9  }
.Ltmp2:
0xe5: {  	v6 =	vld [tilespmem:s0+$0xFFFFFFF0];
	(pc) =	sbr.rel @p0 .LBB2_6-.Ltmp2, $4  }
0xe6: {  	v3 =	vshrl.u32 v4, $0x13;
	v7 =	vmul.f32 v5, v5;
	v5 =	vld [tilespmem:s0+$0x10];
	v8 =	vsub.f32 v13, v14  }
0xe7: {  	[tilespmem:v2+s25+$0x0] =	vst.idx.add.f32.msk $0xffff, v10  }
0xe8: {  	v2 =	vshrl.u32 v7, $0x13;
	v8 =	vmul.f32 v8, v8;
	[tilespmem:v11+s24+$0x0] =	vst.idx.add.f32.msk $0xffff, v1  }
0xe9: {  	s4 =	sadd.s32 $0x80, s4;
	v4 =	vmul.f32 v4, v15;
	[tilespmem:v11+s25+$0x0] =	vst.idx.add.f32.msk $0xffff, v12  }
0xea: {  	_ =	sdelay $0x2  }
0xeb: {  	v9 =	vshrl.u32 v8, $0x13  }
0xec: {  	[tilespmem:v3+s24+$0x0] =	vst.idx.add.f32.msk $0xffff, v1  }
0xed: {  	v6 =	vmul.f32 v7, v6;
	[tilespmem:v2+s24+$0x0] =	vst.idx.add.f32.msk $0xffff, v1  }
0xee: {  	[tilespmem:v3+s25+$0x0] =	vst.idx.add.f32.msk $0xffff, v4  }
0xef: {  	v3 =	vmul.f32 v8, v5;
	[tilespmem:v2+s25+$0x0] =	vst.idx.add.f32.msk $0xffff, v6  }
0xf0: {  	[tilespmem:v9+s24+$0x0] =	vst.idx.add.f32.msk $0xffff, v1  }
0xf1: {  	[tilespmem:v9+s25+$0x0] =	vst.idx.add.f32.msk $0xffff, v3  }
0xf2: {  	[tilespmem:s20], [sflag:$0x2] =	stream.linear.gather [hbm4b:s12+s2], $0x4000, $0x38;
	[tilespmem:$0x1A000] =	vst v63  }
0xf3: {  	_ = 	snop  }
0xf4: {  	[tilespmem:s21], [sflag:$0x2] =	stream.linear.gather [hbm4b:s13+s2], $0x4000, $0x38;
	[tilespmem:$0x1A000] =	vst v63  }
0xf5: {  	_ = 	snop  }
0xf6: {  	[tilespmem:s22], [sflag:$0x2] =	stream.linear.gather [hbm4b:s14+s2], $0x4000, $0x38;
	[tilespmem:$0x1A000] =	vst v63  }
0xf7: {  	_ =	swait.ge [sflag:s23], $0x4000  }
0xf8: {  	[sflag:s23] =	ssyncset.done $0x0  }
0xf9: {  	[sflag:s23] =	ssyncadd.s32 $0xFFFFC000  }
0xfa: {  	_ =	swait.ge [sflag:s23], $0x4000  }
0xfb: {  	[sflag:s23] =	ssyncset.done $0x0  }
0xfc: {  	[sflag:s23] =	ssyncadd.s32 $0xFFFFC000  }
0xfd: {  	_ =	swait.ge [sflag:s23], $0x4000  }
0xfe: {  	[sflag:s23] =	ssyncset.done $0x0  }
0xff: {  	s3 =	simm.s32 $0x40;
	[sflag:s23] =	ssyncadd.s32 $0xFFFFC000  }
0x100: {  	s1 =	simm.s32 $0x8040;
	v2 =	vld [tilespmem:s3+$0x20]  }
0x101: {  	v3 =	vld [tilespmem:s1+$0x20]  }
0x102: {  	v5 =	vld [tilespmem:s3+$0xFFFFFFE0]  }
0x103: {  	v6 =	vld [tilespmem:s1+$0xFFFFFFE0];
	_ =	sdelay $0x3  }
0x104: {  	v4 =	vld [tilespmem:s1+$0xFFFFFFC0];
	v2 =	vsub.f32 v2, v3  }
0x105: {  	v7 =	vld [tilespmem:s3+$0x0];
	v5 =	vsub.f32 v5, v6  }
0x106: {  	v3 =	vld [tilespmem:s3+$0xFFFFFFC0];
	v2 =	vmul.f32 v2, v2  }
0x107: {  	s0 =	simm.s32 $0x10040;
	v8 =	vld [tilespmem:s1+$0x0];
	v5 =	vmul.f32 v5, v5  }
0x108: {  	v9 =	vld [tilespmem:s0+$0x20];
	v6 =	vshrl.u32 v2, $0x13  }
0x109: {  	v11 =	vshrl.u32 v5, $0x13  }
0x10a: {  	v10 =	vld [tilespmem:s0+$0xFFFFFFC0]  }
0x10b: {  	v3 =	vsub.f32 v3, v4;
	v4 =	vld [tilespmem:s0+$0xFFFFFFE0]  }
0x10c: {  	v7 =	vsub.f32 v7, v8;
	v8 =	vld [tilespmem:s0+$0x0]  }
0x10d: {  	v2 =	vmul.f32 v2, v9;
	v3 =	vmul.f32 v3, v3;
	[tilespmem:v6+s24+$0x0] =	vst.idx.add.f32.msk $0xffff, v1  }
0x10e: {  	[tilespmem:v11+s24+$0x0] =	vst.idx.add.f32.msk $0xffff, v1  }
0x10f: {  	v7 =	vmul.f32 v7, v7;
	v9 =	vshrl.u32 v3, $0x13;
	[tilespmem:v6+s25+$0x0] =	vst.idx.add.f32.msk $0xffff, v2  }
0x110: {  	v4 =	vmul.f32 v5, v4;
	v2 =	vld [tilespmem:s3+$0x30]  }
0x111: {  	v6 =	vshrl.u32 v7, $0x13;
	v5 =	vld [tilespmem:s1+$0x30]  }
0x112: {  	[tilespmem:v11+s25+$0x0] =	vst.idx.add.f32.msk $0xffff, v4  }
0x113: {  	v3 =	vmul.f32 v3, v10;
	v4 =	vmul.f32 v7, v8;
	v7 =	vld [tilespmem:s1+$0xFFFFFFF0]  }
0x114: {  	[tilespmem:v9+s24+$0x0] =	vst.idx.add.f32.msk $0xffff, v1  }
0x115: {  	[tilespmem:v9+s25+$0x0] =	vst.idx.add.f32.msk $0xffff, v3  }
0x116: {  	[tilespmem:v6+s24+$0x0] =	vst.idx.add.f32.msk $0xffff, v1  }
0x117: {  	[tilespmem:v6+s25+$0x0] =	vst.idx.add.f32.msk $0xffff, v4  }
0x118: {  	v3 =	vld [tilespmem:s3+$0xFFFFFFD0]  }
0x119: {  	v4 =	vld [tilespmem:s0+$0x30]  }
0x11a: {  	v2 =	vsub.f32 v2, v5;
	v5 =	vld [tilespmem:s1+$0xFFFFFFD0]  }
0x11b: {  	v6 =	vld [tilespmem:s3+$0xFFFFFFF0]  }
0x11c: {  	v9 =	vld [tilespmem:s3+$0x10];
	v2 =	vmul.f32 v2, v2  }
0x11d: {  	v10 =	vld [tilespmem:s1+$0x10]  }
0x11e: {  	v8 =	vshrl.u32 v2, $0x13;
	_ =	sdelay $0x1  }
0x11f: {  	v11 =	vld [tilespmem:s0+$0xFFFFFFD0];
	v2 =	vmul.f32 v2, v4;
	v4 =	vsub.f32 v6, v7  }
0x120: {  	v3 =	vsub.f32 v3, v5;
	v6 =	vld [tilespmem:s0+$0xFFFFFFF0]  }
0x121: {  	v5 =	vld [tilespmem:s0+$0x10];
	v7 =	vmul.f32 v4, v4;
	v4 =	vsub.f32 v9, v10  }
0x122: {  	v12 =	vmul.f32 v3, v3;
	[tilespmem:v8+s24+$0x0] =	vst.idx.add.f32.msk $0xffff, v1  }
0x123: {  	[tilespmem:v8+s25+$0x0] =	vst.idx.add.f32.msk $0xffff, v2;
	v8 =	vmul.f32 v4, v4  }
0x124: {  	s4 =	simm.s32 $0xC0;
	s3 =	simm.s32 $0x0;
	v3 =	vshrl.u32 v12, $0x13;
	v2 =	vshrl.u32 v7, $0x13;
	v4 =	vmul.f32 v12, v11  }
.LBB2_8:
0x125: {  	v9 =	vld [tilespmem:s4+$0x20];
	v10 =	vmul.f32 v7, v6;
	v11 =	vshrl.u32 v8, $0x13;
	s1 =	sadd.s32 $0x80, s1  }
0x126: {  	v6 =	vld [tilespmem:s1+$0x20];
	v12 =	vmul.f32 v8, v5  }
0x127: {  	v5 =	vld [tilespmem:s1+$0xFFFFFFC0]  }
0x128: {  	v7 =	vld [tilespmem:s4+$0xFFFFFFE0]  }
0x129: {  	s3 =	sadd.s32 $0x4, s3;
	v8 =	vld [tilespmem:s1+$0xFFFFFFE0]  }
0x12a: {  	p0 =	slt.u32 s3, $0x1FC;
	v13 =	vld [tilespmem:s4+$0x0]  }
0x12b: {  	v14 =	vld [tilespmem:s1+$0x0];
	v6 =	vsub.f32 v9, v6  }
0x12c: {  	v9 =	vld [tilespmem:s4+$0xFFFFFFC0]  }
0x12d: {  	s0 =	sadd.s32 $0x80, s0;
	v6 =	vmul.f32 v6, v6;
	[tilespmem:v3+s24+$0x0] =	vst.idx.add.f32.msk $0xffff, v1  }
0x12e: {  	v7 =	vsub.f32 v7, v8;
	v8 =	vld [tilespmem:s0+$0x20]  }
0x12f: {  	v15 =	vld [tilespmem:s0+$0xFFFFFFC0];
	v16 =	vshrl.u32 v6, $0x13  }
0x130: {  	v17 =	vld [tilespmem:s0+$0xFFFFFFE0];
	v7 =	vmul.f32 v7, v7;
	v13 =	vsub.f32 v13, v14  }
0x131: {  	v5 =	vsub.f32 v9, v5;
	v9 =	vld [tilespmem:s0+$0x0]  }
0x132: {  	v14 =	vshrl.u32 v7, $0x13;
	v13 =	vmul.f32 v13, v13;
	[tilespmem:v3+s25+$0x0] =	vst.idx.add.f32.msk $0xffff, v4  }
0x133: {  	v3 =	vmul.f32 v5, v5;
	v4 =	vmul.f32 v6, v8;
	[tilespmem:v2+s24+$0x0] =	vst.idx.add.f32.msk $0xffff, v1  }
0x134: {  	v5 =	vshrl.u32 v13, $0x13;
	[tilespmem:v16+s24+$0x0] =	vst.idx.add.f32.msk $0xffff, v1  }
0x135: {  	v6 =	vshrl.u32 v3, $0x13;
	v3 =	vmul.f32 v3, v15;
	v7 =	vmul.f32 v7, v17;
	[tilespmem:v16+s25+$0x0] =	vst.idx.add.f32.msk $0xffff, v4  }
0x136: {  	v4 =	vmul.f32 v13, v9;
	v8 =	vld [tilespmem:s4+$0x30]  }
0x137: {  	v9 =	vld [tilespmem:s1+$0x30]  }
0x138: {  	[tilespmem:v14+s24+$0x0] =	vst.idx.add.f32.msk $0xffff, v1  }
0x139: {  	[tilespmem:v14+s25+$0x0] =	vst.idx.add.f32.msk $0xffff, v7  }
0x13a: {  	[tilespmem:v6+s24+$0x0] =	vst.idx.add.f32.msk $0xffff, v1  }
0x13b: {  	[tilespmem:v6+s25+$0x0] =	vst.idx.add.f32.msk $0xffff, v3  }
0x13c: {  	[tilespmem:v5+s24+$0x0] =	vst.idx.add.f32.msk $0xffff, v1;
	v3 =	vsub.f32 v8, v9  }
0x13d: {  	[tilespmem:v5+s25+$0x0] =	vst.idx.add.f32.msk $0xffff, v4  }
0x13e: {  	v4 =	vld [tilespmem:s4+$0xFFFFFFD0];
	v3 =	vmul.f32 v3, v3  }
0x13f: {  	v5 =	vld [tilespmem:s0+$0x30]  }
0x140: {  	v6 =	vld [tilespmem:s1+$0xFFFFFFD0];
	v7 =	vshrl.u32 v3, $0x13  }
0x141: {  	v8 =	vld [tilespmem:s4+$0xFFFFFFF0]  }
0x142: {  	v9 =	vld [tilespmem:s1+$0xFFFFFFF0]  }
0x143: {  	v13 =	vld [tilespmem:s4+$0x10]  }
0x144: {  	v14 =	vld [tilespmem:s1+$0x10];
	v3 =	vmul.f32 v3, v5  }
0x145: {  	v4 =	vsub.f32 v4, v6;
	[tilespmem:v7+s24+$0x0] =	vst.idx.add.f32.msk $0xffff, v1  }
0x146: {  	[tilespmem:v7+s25+$0x0] =	vst.idx.add.f32.msk $0xffff, v3  }
0x147: {  	v15 =	vld [tilespmem:s0+$0xFFFFFFD0];
	v4 =	vmul.f32 v4, v4;
	v5 =	vsub.f32 v8, v9  }
.Ltmp3:
0x148: {  	v6 =	vld [tilespmem:s0+$0xFFFFFFF0];
	(pc) =	sbr.rel @p0 .LBB2_8-.Ltmp3, $4  }
0x149: {  	v3 =	vshrl.u32 v4, $0x13;
	v7 =	vmul.f32 v5, v5;
	v5 =	vld [tilespmem:s0+$0x10];
	v8 =	vsub.f32 v13, v14  }
0x14a: {  	[tilespmem:v2+s25+$0x0] =	vst.idx.add.f32.msk $0xffff, v10  }
0x14b: {  	v2 =	vshrl.u32 v7, $0x13;
	v8 =	vmul.f32 v8, v8;
	[tilespmem:v11+s24+$0x0] =	vst.idx.add.f32.msk $0xffff, v1  }
0x14c: {  	s4 =	sadd.s32 $0x80, s4;
	v4 =	vmul.f32 v4, v15;
	[tilespmem:v11+s25+$0x0] =	vst.idx.add.f32.msk $0xffff, v12  }
0x14d: {  	_ =	sdelay $0x2  }
0x14e: {  	v9 =	vshrl.u32 v8, $0x13  }
0x14f: {  	[tilespmem:v3+s24+$0x0] =	vst.idx.add.f32.msk $0xffff, v1  }
0x150: {  	v6 =	vmul.f32 v7, v6;
	[tilespmem:v2+s24+$0x0] =	vst.idx.add.f32.msk $0xffff, v1  }
0x151: {  	[tilespmem:v3+s25+$0x0] =	vst.idx.add.f32.msk $0xffff, v4  }
0x152: {  	v3 =	vmul.f32 v8, v5;
	[tilespmem:v2+s25+$0x0] =	vst.idx.add.f32.msk $0xffff, v6  }
0x153: {  	[tilespmem:v9+s24+$0x0] =	vst.idx.add.f32.msk $0xffff, v1  }
0x154: {  	[tilespmem:v9+s25+$0x0] =	vst.idx.add.f32.msk $0xffff, v3  }
0x155: {  	_ =	swait.ge [sflag:s26], $0x4000  }
0x156: {  	[sflag:s26] =	ssyncset.done $0x0  }
0x157: {  	[sflag:s26] =	ssyncadd.s32 $0xFFFFC000  }
0x158: {  	_ =	swait.ge [sflag:s26], $0x4000  }
0x159: {  	[sflag:s26] =	ssyncset.done $0x0  }
0x15a: {  	[sflag:s26] =	ssyncadd.s32 $0xFFFFC000  }
0x15b: {  	_ =	swait.ge [sflag:s26], $0x4000  }
0x15c: {  	[sflag:s26] =	ssyncset.done $0x0  }
0x15d: {  	s3 =	simm.s32 $0x4040;
	[sflag:s26] =	ssyncadd.s32 $0xFFFFC000  }
0x15e: {  	s1 =	simm.s32 $0xC040;
	v2 =	vld [tilespmem:s3+$0x20]  }
0x15f: {  	v3 =	vld [tilespmem:s1+$0x20]  }
0x160: {  	v5 =	vld [tilespmem:s3+$0xFFFFFFE0]  }
0x161: {  	v6 =	vld [tilespmem:s1+$0xFFFFFFE0];
	_ =	sdelay $0x3  }
0x162: {  	v4 =	vld [tilespmem:s1+$0xFFFFFFC0];
	v2 =	vsub.f32 v2, v3  }
0x163: {  	v7 =	vld [tilespmem:s3+$0x0];
	v5 =	vsub.f32 v5, v6  }
0x164: {  	v3 =	vld [tilespmem:s3+$0xFFFFFFC0];
	v2 =	vmul.f32 v2, v2  }
0x165: {  	s0 =	simm.s32 $0x14040;
	v8 =	vld [tilespmem:s1+$0x0];
	v5 =	vmul.f32 v5, v5  }
0x166: {  	v9 =	vld [tilespmem:s0+$0x20];
	v6 =	vshrl.u32 v2, $0x13  }
0x167: {  	v11 =	vshrl.u32 v5, $0x13  }
0x168: {  	v10 =	vld [tilespmem:s0+$0xFFFFFFC0]  }
0x169: {  	v3 =	vsub.f32 v3, v4;
	v4 =	vld [tilespmem:s0+$0xFFFFFFE0]  }
0x16a: {  	v7 =	vsub.f32 v7, v8;
	v8 =	vld [tilespmem:s0+$0x0]  }
0x16b: {  	v2 =	vmul.f32 v2, v9;
	v3 =	vmul.f32 v3, v3;
	[tilespmem:v6+s24+$0x0] =	vst.idx.add.f32.msk $0xffff, v1  }
0x16c: {  	[tilespmem:v11+s24+$0x0] =	vst.idx.add.f32.msk $0xffff, v1  }
0x16d: {  	v7 =	vmul.f32 v7, v7;
	v9 =	vshrl.u32 v3, $0x13;
	[tilespmem:v6+s25+$0x0] =	vst.idx.add.f32.msk $0xffff, v2  }
0x16e: {  	v4 =	vmul.f32 v5, v4;
	v2 =	vld [tilespmem:s3+$0x30]  }
0x16f: {  	v6 =	vshrl.u32 v7, $0x13;
	v5 =	vld [tilespmem:s1+$0x30]  }
0x170: {  	[tilespmem:v11+s25+$0x0] =	vst.idx.add.f32.msk $0xffff, v4  }
0x171: {  	v3 =	vmul.f32 v3, v10;
	v4 =	vmul.f32 v7, v8;
	v7 =	vld [tilespmem:s1+$0xFFFFFFF0]  }
0x172: {  	[tilespmem:v9+s24+$0x0] =	vst.idx.add.f32.msk $0xffff, v1  }
0x173: {  	[tilespmem:v9+s25+$0x0] =	vst.idx.add.f32.msk $0xffff, v3  }
0x174: {  	[tilespmem:v6+s24+$0x0] =	vst.idx.add.f32.msk $0xffff, v1  }
0x175: {  	[tilespmem:v6+s25+$0x0] =	vst.idx.add.f32.msk $0xffff, v4  }
0x176: {  	v3 =	vld [tilespmem:s3+$0xFFFFFFD0]  }
0x177: {  	v4 =	vld [tilespmem:s0+$0x30]  }
0x178: {  	v2 =	vsub.f32 v2, v5;
	v5 =	vld [tilespmem:s1+$0xFFFFFFD0]  }
0x179: {  	v6 =	vld [tilespmem:s3+$0xFFFFFFF0]  }
0x17a: {  	v9 =	vld [tilespmem:s3+$0x10];
	v2 =	vmul.f32 v2, v2  }
0x17b: {  	v10 =	vld [tilespmem:s1+$0x10]  }
0x17c: {  	v8 =	vshrl.u32 v2, $0x13;
	_ =	sdelay $0x1  }
0x17d: {  	v11 =	vld [tilespmem:s0+$0xFFFFFFD0];
	v2 =	vmul.f32 v2, v4;
	v4 =	vsub.f32 v6, v7  }
0x17e: {  	v3 =	vsub.f32 v3, v5;
	v6 =	vld [tilespmem:s0+$0xFFFFFFF0]  }
0x17f: {  	v5 =	vld [tilespmem:s0+$0x10];
	v7 =	vmul.f32 v4, v4;
	v4 =	vsub.f32 v9, v10  }
0x180: {  	v12 =	vmul.f32 v3, v3;
	[tilespmem:v8+s24+$0x0] =	vst.idx.add.f32.msk $0xffff, v1  }
0x181: {  	[tilespmem:v8+s25+$0x0] =	vst.idx.add.f32.msk $0xffff, v2;
	v8 =	vmul.f32 v4, v4  }
0x182: {  	s4 =	simm.s32 $0x40C0;
	s3 =	simm.s32 $0x0;
	v3 =	vshrl.u32 v12, $0x13;
	v2 =	vshrl.u32 v7, $0x13;
	v4 =	vmul.f32 v12, v11  }
.LBB2_10:
0x183: {  	v9 =	vld [tilespmem:s4+$0x20];
	v10 =	vmul.f32 v7, v6;
	v11 =	vshrl.u32 v8, $0x13;
	s1 =	sadd.s32 $0x80, s1  }
0x184: {  	v6 =	vld [tilespmem:s1+$0x20];
	v12 =	vmul.f32 v8, v5  }
0x185: {  	v5 =	vld [tilespmem:s1+$0xFFFFFFC0]  }
0x186: {  	v7 =	vld [tilespmem:s4+$0xFFFFFFE0]  }
0x187: {  	s3 =	sadd.s32 $0x4, s3;
	v8 =	vld [tilespmem:s1+$0xFFFFFFE0]  }
0x188: {  	p0 =	slt.u32 s3, $0x1FC;
	v13 =	vld [tilespmem:s4+$0x0]  }
0x189: {  	v14 =	vld [tilespmem:s1+$0x0];
	v6 =	vsub.f32 v9, v6  }
0x18a: {  	v9 =	vld [tilespmem:s4+$0xFFFFFFC0]  }
0x18b: {  	s0 =	sadd.s32 $0x80, s0;
	v6 =	vmul.f32 v6, v6;
	[tilespmem:v3+s24+$0x0] =	vst.idx.add.f32.msk $0xffff, v1  }
0x18c: {  	v7 =	vsub.f32 v7, v8;
	v8 =	vld [tilespmem:s0+$0x20]  }
0x18d: {  	v15 =	vld [tilespmem:s0+$0xFFFFFFC0];
	v16 =	vshrl.u32 v6, $0x13  }
0x18e: {  	v17 =	vld [tilespmem:s0+$0xFFFFFFE0];
	v7 =	vmul.f32 v7, v7;
	v13 =	vsub.f32 v13, v14  }
0x18f: {  	v5 =	vsub.f32 v9, v5;
	v9 =	vld [tilespmem:s0+$0x0]  }
0x190: {  	v14 =	vshrl.u32 v7, $0x13;
	v13 =	vmul.f32 v13, v13;
	[tilespmem:v3+s25+$0x0] =	vst.idx.add.f32.msk $0xffff, v4  }
0x191: {  	v3 =	vmul.f32 v5, v5;
	v4 =	vmul.f32 v6, v8;
	[tilespmem:v2+s24+$0x0] =	vst.idx.add.f32.msk $0xffff, v1  }
0x192: {  	v5 =	vshrl.u32 v13, $0x13;
	[tilespmem:v16+s24+$0x0] =	vst.idx.add.f32.msk $0xffff, v1  }
0x193: {  	v6 =	vshrl.u32 v3, $0x13;
	v3 =	vmul.f32 v3, v15;
	v7 =	vmul.f32 v7, v17;
	[tilespmem:v16+s25+$0x0] =	vst.idx.add.f32.msk $0xffff, v4  }
0x194: {  	v4 =	vmul.f32 v13, v9;
	v8 =	vld [tilespmem:s4+$0x30]  }
0x195: {  	v9 =	vld [tilespmem:s1+$0x30]  }
0x196: {  	[tilespmem:v14+s24+$0x0] =	vst.idx.add.f32.msk $0xffff, v1  }
0x197: {  	[tilespmem:v14+s25+$0x0] =	vst.idx.add.f32.msk $0xffff, v7  }
0x198: {  	[tilespmem:v6+s24+$0x0] =	vst.idx.add.f32.msk $0xffff, v1  }
0x199: {  	[tilespmem:v6+s25+$0x0] =	vst.idx.add.f32.msk $0xffff, v3  }
0x19a: {  	[tilespmem:v5+s24+$0x0] =	vst.idx.add.f32.msk $0xffff, v1;
	v3 =	vsub.f32 v8, v9  }
0x19b: {  	[tilespmem:v5+s25+$0x0] =	vst.idx.add.f32.msk $0xffff, v4  }
0x19c: {  	v4 =	vld [tilespmem:s4+$0xFFFFFFD0];
	v3 =	vmul.f32 v3, v3  }
0x19d: {  	v5 =	vld [tilespmem:s0+$0x30]  }
0x19e: {  	v6 =	vld [tilespmem:s1+$0xFFFFFFD0];
	v7 =	vshrl.u32 v3, $0x13  }
0x19f: {  	v8 =	vld [tilespmem:s4+$0xFFFFFFF0]  }
0x1a0: {  	v9 =	vld [tilespmem:s1+$0xFFFFFFF0]  }
0x1a1: {  	v13 =	vld [tilespmem:s4+$0x10]  }
0x1a2: {  	v14 =	vld [tilespmem:s1+$0x10];
	v3 =	vmul.f32 v3, v5  }
0x1a3: {  	v4 =	vsub.f32 v4, v6;
	[tilespmem:v7+s24+$0x0] =	vst.idx.add.f32.msk $0xffff, v1  }
0x1a4: {  	[tilespmem:v7+s25+$0x0] =	vst.idx.add.f32.msk $0xffff, v3  }
0x1a5: {  	v15 =	vld [tilespmem:s0+$0xFFFFFFD0];
	v4 =	vmul.f32 v4, v4;
	v5 =	vsub.f32 v8, v9  }
.Ltmp4:
0x1a6: {  	v6 =	vld [tilespmem:s0+$0xFFFFFFF0];
	(pc) =	sbr.rel @p0 .LBB2_10-.Ltmp4, $4  }
0x1a7: {  	v3 =	vshrl.u32 v4, $0x13;
	v7 =	vmul.f32 v5, v5;
	v5 =	vld [tilespmem:s0+$0x10];
	v8 =	vsub.f32 v13, v14  }
0x1a8: {  	[tilespmem:v2+s25+$0x0] =	vst.idx.add.f32.msk $0xffff, v10  }
0x1a9: {  	v2 =	vshrl.u32 v7, $0x13;
	v8 =	vmul.f32 v8, v8;
	[tilespmem:v11+s24+$0x0] =	vst.idx.add.f32.msk $0xffff, v1  }
0x1aa: {  	s4 =	sadd.s32 $0x80, s4;
	v4 =	vmul.f32 v4, v15;
	[tilespmem:v11+s25+$0x0] =	vst.idx.add.f32.msk $0xffff, v12  }
0x1ab: {  	_ =	sdelay $0x2  }
0x1ac: {  	v9 =	vshrl.u32 v8, $0x13  }
0x1ad: {  	[tilespmem:v3+s24+$0x0] =	vst.idx.add.f32.msk $0xffff, v1  }
0x1ae: {  	v6 =	vmul.f32 v7, v6;
	[tilespmem:v2+s24+$0x0] =	vst.idx.add.f32.msk $0xffff, v1  }
0x1af: {  	[tilespmem:v3+s25+$0x0] =	vst.idx.add.f32.msk $0xffff, v4  }
0x1b0: {  	v3 =	vmul.f32 v8, v5;
	[tilespmem:v2+s25+$0x0] =	vst.idx.add.f32.msk $0xffff, v6  }
0x1b1: {  	[tilespmem:v9+s24+$0x0] =	vst.idx.add.f32.msk $0xffff, v1  }
0x1b2: {  	[tilespmem:v9+s25+$0x0] =	vst.idx.add.f32.msk $0xffff, v3  }
0x1b3: {  	[hbm4b:s15+s28] =	stream.strided.scatter [tilespmem:s24], [sflag:$0x3], $0x1000, s29, s28, $0x38;
	[tilespmem:$0x1A000] =	vst v63  }
0x1b4: {  	s31 =	sadd.s32 $0x1, s31;
	_ =	swait.ge [sflag:s30], $0x1000  }
0x1b5: {  	p0 =	sne.s32 s31, s17;
	[sflag:s30] =	ssyncset.done $0x0  }
.Ltmp5:
0x1b6: {  	[sflag:s30] =	ssyncadd.s32 $0xFFFFF000;
	(pc) =	sbr.rel @p0 .LBB2_1-.Ltmp5, $4  }
0x1b7: {  	[hbm4b:s16+s28] =	stream.strided.scatter [tilespmem:s25], [sflag:$0x3], $0x1000, s29, s28, $0x38;
	[tilespmem:$0x1A000] =	vst v63  }
0x1b8: {  	_ =	swait.ge [sflag:s30], $0x1000  }
0x1b9: {  	[sflag:s30] =	ssyncset.done $0x0  }
0x1ba: {  	[sflag:s30] =	ssyncadd.s32 $0xFFFFF000  }
0x1bb: {  	_ =	sfence.sel $0x180000  }
0x1bc: {  	[bflag:$0x0] =	sbarrier.arrive $0xFFFF  }
0x1bd: {  	_ =	strace $0x90000047  }
0x1be: {  	s0 =	stileid.u32;
	[bflag:$0x2] =	sbarrier.arrive $0xFFFF  }
0x1bf: {  	p0 =	sne.s32 s0, $0x0;
	s0 =	rddreg [dreg:$0x4]  }
0x1c0: {  	s0 =	sadd.s32 @!p0 $0x100000, s0  }
0x1c1: {  	[sflag:s0] =	ssyncadd.tile.s32 @!p0 $0x1;
	_ =	shalt  }
.Lfunc_end2:
_tile_overlayer_lowered:
.L_overlay_start_2:
0x1c2: {  	(tag) =	ssettag $0x2  }
0x1c3: {  	s0 =	rddreg [dreg:$0x0];
	s2 =	stileid.u32  }
0x1c4: {  	s1 =	rddreg [dreg:$0x1];
	p0 =	sne.s32 s2, $0x0  }
0x1c5: {  	s3 =	rddreg [dreg:$0x2];
	[bflag:$0x3] =	sbarrier.arrive $0xFFFF;
	s2 =	simm.s32 @!p0 $0x1C03  }
0x1c6: {  	[timem:s3], [sflag:s2] =	dma.local @!p0 [hbm:s0], s1  }
0x1c7: {  	s0 =	simm.s32 @!p0 $0x3  }
0x1c8: {  	_ =	swait.ge @!p0 [sflag:s0], s1  }
0x1c9: {  	s1 =	ssub.s32 @!p0 $0x0, s1;
	[sflag:s0] =	ssyncset.done @!p0 $0x0  }
0x1ca: {  	[sflag:s0] =	ssyncadd.s32 @!p0 s1  }
0x1cb: {  	[bflag:$0x3] =	sbarrier.arrive $0xFFFF  }
0x1cc: {  	_ =	shalt  }

</sc_bundles>
